<compile_context>
chip_gen: v7x
topology: tpu7x:2x2x1
jax: 0.10.2.dev20260603
libtpu: 0.0.44.dev20260713+nightly
codegen_flags: <defaults>
</compile_context>

<pallas_src>
import functools
import jax
import jax.numpy as jnp
from jax import lax
from jax.experimental import pallas as pl
from jax.experimental.pallas import tpu as pltpu
from jax.experimental.pallas import tpu_sc as plsc

_VOCAB = 1000000
_D = 32
_B = 16384
_A = 50

_NC = 2
_NS = 16
_NW = _NC * _NS

_B_PER_W = _B // _NW
_BG = 64
_N_BG = _B_PER_W // _BG
_AG = 10
_NG = _A // _AG
_ROWS = _AG * _BG

_mesh = plsc.VectorSubcoreMesh(core_axis_name="c", subcore_axis_name="s")


@functools.partial(
    pl.kernel,
    mesh=_mesh,
    out_type=[
        jax.ShapeDtypeStruct((_D, _B), jnp.float32),
        jax.ShapeDtypeStruct((_A, _D, _B), jnp.float32),
    ],
    scratch_types=[
        pltpu.VMEM((_BG, _A), jnp.int32),
        pltpu.VMEM((_BG, 1), jnp.int32),
        pltpu.VMEM((_BG,), jnp.int32),
        pltpu.VMEM((_BG, _D), jnp.float32),
        pltpu.VMEM((_D, _BG + 1), jnp.float32),
        pltpu.VMEM((_ROWS,), jnp.int32),
        pltpu.VMEM((_ROWS,), jnp.int32),
        pltpu.VMEM((_ROWS, _D), jnp.float32),
        pltpu.VMEM((_ROWS, _D), jnp.float32),
        pltpu.VMEM((_AG, _D, _BG + 1), jnp.float32),
        pltpu.SemaphoreType.DMA,
        pltpu.SemaphoreType.DMA,
        pltpu.SemaphoreType.DMA,
    ],
    compiler_params=pltpu.CompilerParams(
        use_tc_tiling_on_sc=False, needs_layout_passes=False,
        disable_bounds_checks=True),
)
def _gather_kernel(table_hbm, obs_idx_hbm, act_idx_hbm, obs_out, act_out,
                   idxblk, oidx2, olist, orows, otr,
                   alist0, alist1, grows0, grows1, tslab,
                   osem, gsem0, gsem1):
    wid = lax.axis_index("s") * _NC + lax.axis_index("c")
    iota = lax.iota(jnp.int32, 16)
    iota16 = iota + 16
    zeros16 = jnp.zeros((16,), jnp.int32)
    alist = (alist0, alist1)
    grows = (grows0, grows1)
    gsem = (gsem0, gsem1)

    def build_group(g, buf):
        a0 = g * _AG

        def ai_body(ai, c):
            cols = jnp.full((16,), a0 + ai, jnp.int32)
            for k in range(_BG // 16):
                v = plsc.load_gather(idxblk, [iota + (k * 16), cols])
                alist[buf][pl.ds(ai * _BG + k * 16, 16)] = v
            return c

        lax.fori_loop(0, _AG, ai_body, 0)

    def transpose_group(g, buf, b0):
        def ai_body(ai, c):
            base = ai * _BG
            tsl = tslab.at[ai]

            def j8_body(j8, c2):
                j0 = base + j8 * 8
                for u in range(8):
                    j = j0 + u
                    jcol = jnp.full((16,), j8 * 8 + u, jnp.int32)
                    v0 = grows[buf][j, pl.ds(0, 16)]
                    v1 = grows[buf][j, pl.ds(16, 16)]
                    plsc.store_scatter(tsl, [iota, jcol], v0)
                    plsc.store_scatter(tsl, [iota16, jcol], v1)
                return c2

            lax.fori_loop(0, _BG // 8, j8_body, 0)
            return c

        lax.fori_loop(0, _AG, ai_body, 0)
        pltpu.sync_copy(
            tslab.at[:, :, pl.ds(0, _BG)],
            act_out.at[pl.ds(g * _AG, _AG), :, pl.ds(b0, _BG)])

    def bg_body(bg, carry):
        b0 = wid * _B_PER_W + bg * _BG

        pltpu.sync_copy(act_idx_hbm.at[pl.ds(b0, _BG)], idxblk)
        pltpu.sync_copy(obs_idx_hbm.at[pl.ds(b0, _BG)], oidx2)

        for k in range(_BG // 16):
            v = plsc.load_gather(oidx2, [iota + (k * 16), zeros16])
            olist[pl.ds(k * 16, 16)] = v
        obs_cp = pltpu.async_copy(table_hbm.at[olist], orows, osem)

        build_group(0, 0)
        cps = [pltpu.async_copy(table_hbm.at[alist[0]], grows[0], gsem[0]),
               None]
        for g in range(1, _NG):
            buf = g % 2
            build_group(g, buf)
            cps[buf] = pltpu.async_copy(
                table_hbm.at[alist[buf]], grows[buf], gsem[buf])
            cps[1 - buf].wait()
            transpose_group(g - 1, 1 - buf, b0)
        cps[(_NG - 1) % 2].wait()
        transpose_group(_NG - 1, (_NG - 1) % 2, b0)

        obs_cp.wait()

        def oj_body(j8, c2):
            for u in range(8):
                j = j8 * 8 + u
                jcol = jnp.full((16,), j, jnp.int32)
                v0 = orows[j, pl.ds(0, 16)]
                v1 = orows[j, pl.ds(16, 16)]
                plsc.store_scatter(otr, [iota, jcol], v0)
                plsc.store_scatter(otr, [iota16, jcol], v1)
            return c2

        lax.fori_loop(0, _BG // 8, oj_body, 0)
        pltpu.sync_copy(otr.at[:, pl.ds(0, _BG)], obs_out.at[:, pl.ds(b0, _BG)])
        return carry

    lax.fori_loop(0, _N_BG, bg_body, 0)


_TT_C = 16384


def _tt_body(in_ref, out_ref):
    xt = jnp.transpose(in_ref[...], (1, 0))
    x3 = xt.reshape(_TT_C // 4, 4, _D)
    y = jnp.concatenate([x3[:, k, :] for k in range(4)], axis=1)
    out_ref[...] = y.reshape(_TT_C * _D)


_table_to_rows = pl.pallas_call(
    _tt_body,
    grid=(pl.cdiv(_VOCAB, _TT_C),),
    in_specs=[pl.BlockSpec((_D, _TT_C), lambda i: (0, i))],
    out_specs=pl.BlockSpec((_TT_C * _D,), lambda i: (i,)),
    out_shape=jax.ShapeDtypeStruct((_VOCAB * _D,), jnp.float32),
)


def kernel(table, action_mask, sub_index, derived_sub_indices):
    obs_idx = sub_index.astype(jnp.int32)
    act_idx = derived_sub_indices.astype(jnp.int32)
    table_lin = _table_to_rows(jnp.transpose(table)).reshape(_VOCAB, _D)
    obs_db, act_adb = _gather_kernel(table_lin, obs_idx, act_idx)
    return (jnp.transpose(obs_db, (1, 0)),
            jnp.transpose(act_adb, (2, 0, 1)),
            action_mask)

# --- scband reference (transcript-rebuilt; emitter-appended) ---
"""Pipeline reference for scband-simple-embedding-extractor-49151605735621 (READ-ONLY COPY).

The authoritative reference and input builder live on the scoring server;
editing this copy changes nothing except your own understanding.
"""

import jax, jax.numpy as jnp
import numpy as np

VOCAB = 1000000
EMBED_DIM = 32
B = 16384
A = 50


def setup_inputs(seed: int = 0) -> dict:
    key = jax.random.key(seed)
    k1, k2, k3, k4 = jax.random.split(key, 4)
    table = jax.random.normal(k1, (VOCAB, EMBED_DIM), dtype=jnp.float32) * 0.02
    sub_index = jax.random.randint(k2, (B, 1), 0, VOCAB, dtype=jnp.int64)
    derived_sub_indices = jax.random.randint(k3, (B, A), 0, VOCAB, dtype=jnp.int64)
    action_mask = (jax.random.uniform(k4, (B, A), dtype=jnp.float32) > 0.5).astype(jnp.float32)
    return {
        "table": table,
        "action_mask": action_mask,
        "sub_index": sub_index,
        "derived_sub_indices": derived_sub_indices,
    }


def reference(table, action_mask, sub_index, derived_sub_indices):
    # Faithful translation of SimpleEmbeddingExtractor.forward:
    #   obs_sub_indices = observations['sub_index'].to(torch.int32)
    #   action_sub_indices = observations['derived_sub_indices'].to(torch.int32)
    #   obs_embeddings = embedder.get_embeddings_batch(obs_sub_indices).squeeze(1)
    #   action_embeddings = embedder.get_embeddings_batch(action_sub_indices)
    obs_idx = sub_index.astype(jnp.int32)
    act_idx = derived_sub_indices.astype(jnp.int32)
    obs_embeddings = jnp.take(table, obs_idx, axis=0).squeeze(1)  # [B, EMBED_DIM]
    action_embeddings = jnp.take(table, act_idx, axis=0)          # [B, A, EMBED_DIM]
    return (obs_embeddings, action_embeddings, action_mask)

if __name__ == "__main__":
    import jax
    _d = setup_inputs()
    print(jax.jit(kernel)(*tuple(_d.values())))

</pallas_src>

<mosaic_0001>
#map = affine_map<(d0, d1) -> (0, 0)>
#map1 = affine_map<(d0, d1) -> (0, 0, 0)>
module attributes {stable_mosaic.version = 14 : i64} {
  func.func @_gather_kernel(%arg0: i32, %arg1: i32, %arg2: memref<1000000x32xf32, #tpu.memory_space<hbm>>, %arg3: memref<16384x1xi32, #tpu.memory_space<hbm>>, %arg4: memref<16384x50xi32, #tpu.memory_space<hbm>>, %arg5: memref<32x16384xf32, #tpu.memory_space<hbm>>, %arg6: memref<50x32x16384xf32, #tpu.memory_space<hbm>>, %arg7: memref<64x50xi32, #tpu.memory_space<vmem>>, %arg8: memref<64x1xi32, #tpu.memory_space<vmem>>, %arg9: memref<64xi32, #tpu.memory_space<vmem>>, %arg10: memref<64x32xf32, #tpu.memory_space<vmem>>, %arg11: memref<32x65xf32, #tpu.memory_space<vmem>>, %arg12: memref<640xi32, #tpu.memory_space<vmem>>, %arg13: memref<640xi32, #tpu.memory_space<vmem>>, %arg14: memref<640x32xf32, #tpu.memory_space<vmem>>, %arg15: memref<640x32xf32, #tpu.memory_space<vmem>>, %arg16: memref<10x32x65xf32, #tpu.memory_space<vmem>>, %arg17: memref<!tpu.dma_semaphore, #tpu.memory_space<semaphore_mem>>, %arg18: memref<!tpu.dma_semaphore, #tpu.memory_space<semaphore_mem>>, %arg19: memref<!tpu.dma_semaphore, #tpu.memory_space<semaphore_mem>>) attributes {dimension_semantics = [#tpu.dimension_semantics<core_parallel>, #tpu.dimension_semantics<subcore_parallel>], iteration_bounds = array<i64: 2, 16>, scalar_prefetch = 0 : i64, scratch_operands = 13 : i64, tpu.core_type = #tpu.core_type<sc_vector_subcore>, window_params = [{transform_indices = #map}, {transform_indices = #map}, {transform_indices = #map}, {transform_indices = #map}, {transform_indices = #map1}]} {
    %mul3A = arith.constant 2 : i32
    %mul3A_0 = arith.muli %arg1, %mul3A : i32
    %add3A = arith.addi %mul3A_0, %arg0 : i32
    %iota3A = tpu.iota {dimensions = array<i32: 0>} : vector<16xi32>
    %add3A_1 = arith.constant 16 : i32
    %add3A_2 = vector.broadcast %add3A_1 : i32 to vector<16xi32>
    %add3A_3 = arith.addi %iota3A, %add3A_2 : vector<16xi32>
    %broadcast_in_dim3A = arith.constant 0 : i32
    %broadcast_in_dim3A_4 = vector.broadcast %broadcast_in_dim3A : i32 to vector<16xi32>
    %scan3A = arith.constant 0 : i32
    %scan3A_5 = arith.constant 0 : i32
    %scan3A_6 = arith.constant 8 : i32
    %scan3A_7 = arith.addi %scan3A_5, %scan3A_6 : i32
    %scan3A_8 = arith.constant 1 : i32
    scf.for %scan3A_10 = %scan3A_5 to %scan3A_7 step %scan3A_8  : i32 {
      %mul3A_11 = arith.constant 512 : i32
      %mul3A_12 = arith.muli %add3A, %mul3A_11 : i32
      %mul3A_13 = arith.constant 64 : i32
      %mul3A_14 = arith.muli %scan3A_10, %mul3A_13 : i32
      %add3A_15 = arith.addi %mul3A_12, %mul3A_14 : i32
      "tpu.region"() ({
        %run_scoped3A = tpu.sem_alloc : memref<!tpu.dma_semaphore, #tpu.memory_space<semaphore_mem>>
        %dma_start3A_138 = arith.constant 0 : i32
        %dma_start3A_139 = tpu.memref_slice %arg4[%add3A_15, %dma_start3A_138] : memref<16384x50xi32, #tpu.memory_space<hbm>> -> memref<64x50xi32, #tpu.memory_space<hbm>>
        %dma_start3A_140 = arith.constant 0 : i32
        %dma_start3A_141 = tpu.memref_slice %arg4[%add3A_15, %dma_start3A_140] : memref<16384x50xi32, #tpu.memory_space<hbm>> -> memref<64x50xi32, #tpu.memory_space<hbm>>
        tpu.enqueue_dma source(%dma_start3A_141 : memref<64x50xi32, #tpu.memory_space<hbm>>) target(%arg7 : memref<64x50xi32, #tpu.memory_space<vmem>>) target_semaphore(%run_scoped3A : memref<!tpu.dma_semaphore, #tpu.memory_space<semaphore_mem>>)
        %dma_wait3A_142 = arith.constant 0 : i32
        %dma_wait3A_143 = tpu.memref_slice %arg4[%add3A_15, %dma_wait3A_142] : memref<16384x50xi32, #tpu.memory_space<hbm>> -> memref<64x50xi32, #tpu.memory_space<hbm>>
        %dma_wait3A_144 = arith.constant 0 : i32
        %dma_wait3A_145 = tpu.memref_slice %arg4[%add3A_15, %dma_wait3A_144] : memref<16384x50xi32, #tpu.memory_space<hbm>> -> memref<64x50xi32, #tpu.memory_space<hbm>>
        tpu.wait_dma2 semaphore(%run_scoped3A : memref<!tpu.dma_semaphore, #tpu.memory_space<semaphore_mem>>) src(%dma_wait3A_145 : memref<64x50xi32, #tpu.memory_space<hbm>>) dst(%arg7 : memref<64x50xi32, #tpu.memory_space<vmem>>)
        tpu.yield
      }) : () -> ()
      "tpu.region"() ({
        %run_scoped3A = tpu.sem_alloc : memref<!tpu.dma_semaphore, #tpu.memory_space<semaphore_mem>>
        %dma_start3A_138 = arith.constant 0 : i32
        %dma_start3A_139 = tpu.memref_slice %arg3[%add3A_15, %dma_start3A_138] : memref<16384x1xi32, #tpu.memory_space<hbm>> -> memref<64x1xi32, #tpu.memory_space<hbm>>
        %dma_start3A_140 = arith.constant 0 : i32
        %dma_start3A_141 = tpu.memref_slice %arg3[%add3A_15, %dma_start3A_140] : memref<16384x1xi32, #tpu.memory_space<hbm>> -> memref<64x1xi32, #tpu.memory_space<hbm>>
        tpu.enqueue_dma source(%dma_start3A_141 : memref<64x1xi32, #tpu.memory_space<hbm>>) target(%arg8 : memref<64x1xi32, #tpu.memory_space<vmem>>) target_semaphore(%run_scoped3A : memref<!tpu.dma_semaphore, #tpu.memory_space<semaphore_mem>>)
        %dma_wait3A_142 = arith.constant 0 : i32
        %dma_wait3A_143 = tpu.memref_slice %arg3[%add3A_15, %dma_wait3A_142] : memref<16384x1xi32, #tpu.memory_space<hbm>> -> memref<64x1xi32, #tpu.memory_space<hbm>>
        %dma_wait3A_144 = arith.constant 0 : i32
        %dma_wait3A_145 = tpu.memref_slice %arg3[%add3A_15, %dma_wait3A_144] : memref<16384x1xi32, #tpu.memory_space<hbm>> -> memref<64x1xi32, #tpu.memory_space<hbm>>
        tpu.wait_dma2 semaphore(%run_scoped3A : memref<!tpu.dma_semaphore, #tpu.memory_space<semaphore_mem>>) src(%dma_wait3A_145 : memref<64x1xi32, #tpu.memory_space<hbm>>) dst(%arg8 : memref<64x1xi32, #tpu.memory_space<vmem>>)
        tpu.yield
      }) : () -> ()
      %add3A_16 = arith.constant 0 : i32
      %add3A_17 = vector.broadcast %add3A_16 : i32 to vector<16xi32>
      %add3A_18 = arith.addi %iota3A, %add3A_17 : vector<16xi32>
      %gather3A = tpu.vector_load_idx %arg8[%add3A_18, %broadcast_in_dim3A_4] : memref<64x1xi32, #tpu.memory_space<vmem>>[vector<16xi32>, vector<16xi32>], vector<16xi32>,
      %swap3A = arith.constant 0 : index
      %swap3A_19 = tpu.vector_load %arg9[%swap3A] {strides = array<i32>} : memref<64xi32, #tpu.memory_space<vmem>>, vector<16xi32>,
      tpu.vector_store %arg9[%swap3A], %gather3A {strides = array<i32>} : memref<64xi32, #tpu.memory_space<vmem>>, vector<16xi32>,
      %add3A_20 = arith.constant 16 : i32
      %add3A_21 = vector.broadcast %add3A_20 : i32 to vector<16xi32>
      %add3A_22 = arith.addi %iota3A, %add3A_21 : vector<16xi32>
      %gather3A_23 = tpu.vector_load_idx %arg8[%add3A_22, %broadcast_in_dim3A_4] : memref<64x1xi32, #tpu.memory_space<vmem>>[vector<16xi32>, vector<16xi32>], vector<16xi32>,
      %swap3A_24 = arith.constant 16 : index
      %swap3A_25 = tpu.vector_load %arg9[%swap3A_24] {strides = array<i32>} : memref<64xi32, #tpu.memory_space<vmem>>, vector<16xi32>,
      tpu.vector_store %arg9[%swap3A_24], %gather3A_23 {strides = array<i32>} : memref<64xi32, #tpu.memory_space<vmem>>, vector<16xi32>,
      %add3A_26 = arith.constant 32 : i32
      %add3A_27 = vector.broadcast %add3A_26 : i32 to vector<16xi32>
      %add3A_28 = arith.addi %iota3A, %add3A_27 : vector<16xi32>
      %gather3A_29 = tpu.vector_load_idx %arg8[%add3A_28, %broadcast_in_dim3A_4] : memref<64x1xi32, #tpu.memory_space<vmem>>[vector<16xi32>, vector<16xi32>], vector<16xi32>,
      %swap3A_30 = arith.constant 32 : index
      %swap3A_31 = tpu.vector_load %arg9[%swap3A_30] {strides = array<i32>} : memref<64xi32, #tpu.memory_space<vmem>>, vector<16xi32>,
      tpu.vector_store %arg9[%swap3A_30], %gather3A_29 {strides = array<i32>} : memref<64xi32, #tpu.memory_space<vmem>>, vector<16xi32>,
      %add3A_32 = arith.constant 48 : i32
      %add3A_33 = vector.broadcast %add3A_32 : i32 to vector<16xi32>
      %add3A_34 = arith.addi %iota3A, %add3A_33 : vector<16xi32>
      %gather3A_35 = tpu.vector_load_idx %arg8[%add3A_34, %broadcast_in_dim3A_4] : memref<64x1xi32, #tpu.memory_space<vmem>>[vector<16xi32>, vector<16xi32>], vector<16xi32>,
      %swap3A_36 = arith.constant 48 : index
      %swap3A_37 = tpu.vector_load %arg9[%swap3A_36] {strides = array<i32>} : memref<64xi32, #tpu.memory_space<vmem>>, vector<16xi32>,
      tpu.vector_store %arg9[%swap3A_36], %gather3A_35 {strides = array<i32>} : memref<64xi32, #tpu.memory_space<vmem>>, vector<16xi32>,
      %dma_start3A = arith.constant 0 : i32
      %dma_start3A_38 = arith.constant 0 : i32
      %dma_start3A_39 = tpu.memref_slice %arg2[%dma_start3A, %dma_start3A_38] : memref<1000000x32xf32, #tpu.memory_space<hbm>> -> memref<1000000x32xf32, #tpu.memory_space<hbm>>
      tpu.enqueue_indirect_dma source(%dma_start3A_39 : memref<1000000x32xf32, #tpu.memory_space<hbm>>) target(%arg10 : memref<64x32xf32, #tpu.memory_space<vmem>>) offsets(%arg9 : memref<64xi32, #tpu.memory_space<vmem>>) semaphore(%arg17 : memref<!tpu.dma_semaphore, #tpu.memory_space<semaphore_mem>>)
      %scan3A_40 = arith.constant 0 : i32
      %scan3A_41 = arith.constant 0 : i32
      %scan3A_42 = arith.constant 10 : i32
      %scan3A_43 = arith.addi %scan3A_41, %scan3A_42 : i32
      %scan3A_44 = arith.constant 1 : i32
      scf.for %scan3A_138 = %scan3A_41 to %scan3A_43 step %scan3A_44  : i32 {
        %add3A_139 = arith.constant 0 : i32
        %add3A_140 = arith.addi %add3A_139, %scan3A_138 : i32
        %broadcast_in_dim3A_141 = vector.broadcast %add3A_140 : i32 to vector<16xi32>
        %add3A_142 = arith.constant 0 : i32
        %add3A_143 = vector.broadcast %add3A_142 : i32 to vector<16xi32>
        %add3A_144 = arith.addi %iota3A, %add3A_143 : vector<16xi32>
        %gather3A_145 = tpu.vector_load_idx %arg7[%add3A_144, %broadcast_in_dim3A_141] : memref<64x50xi32, #tpu.memory_space<vmem>>[vector<16xi32>, vector<16xi32>], vector<16xi32>,
        %mul3A_146 = arith.constant 64 : i32
        %mul3A_147 = arith.muli %scan3A_138, %mul3A_146 : i32
        %add3A_148 = arith.constant 0 : i32
        %add3A_149 = arith.addi %mul3A_147, %add3A_148 : i32
        %swap3A_150 = arith.index_cast %add3A_149 : i32 to index
        %swap3A_151 = tpu.vector_load %arg12[%swap3A_150] {strides = array<i32>} : memref<640xi32, #tpu.memory_space<vmem>>, vector<16xi32>,
        tpu.vector_store %arg12[%swap3A_150], %gather3A_145 {strides = array<i32>} : memref<640xi32, #tpu.memory_space<vmem>>, vector<16xi32>,
        %add3A_152 = arith.constant 16 : i32
        %add3A_153 = vector.broadcast %add3A_152 : i32 to vector<16xi32>
        %add3A_154 = arith.addi %iota3A, %add3A_153 : vector<16xi32>
        %gather3A_155 = tpu.vector_load_idx %arg7[%add3A_154, %broadcast_in_dim3A_141] : memref<64x50xi32, #tpu.memory_space<vmem>>[vector<16xi32>, vector<16xi32>], vector<16xi32>,
        %mul3A_156 = arith.constant 64 : i32
        %mul3A_157 = arith.muli %scan3A_138, %mul3A_156 : i32
        %add3A_158 = arith.constant 16 : i32
        %add3A_159 = arith.addi %mul3A_157, %add3A_158 : i32
        %swap3A_160 = arith.index_cast %add3A_159 : i32 to index
        %swap3A_161 = tpu.vector_load %arg12[%swap3A_160] {strides = array<i32>} : memref<640xi32, #tpu.memory_space<vmem>>, vector<16xi32>,
        tpu.vector_store %arg12[%swap3A_160], %gather3A_155 {strides = array<i32>} : memref<640xi32, #tpu.memory_space<vmem>>, vector<16xi32>,
        %add3A_162 = arith.constant 32 : i32
        %add3A_163 = vector.broadcast %add3A_162 : i32 to vector<16xi32>
        %add3A_164 = arith.addi %iota3A, %add3A_163 : vector<16xi32>
        %gather3A_165 = tpu.vector_load_idx %arg7[%add3A_164, %broadcast_in_dim3A_141] : memref<64x50xi32, #tpu.memory_space<vmem>>[vector<16xi32>, vector<16xi32>], vector<16xi32>,
        %mul3A_166 = arith.constant 64 : i32
        %mul3A_167 = arith.muli %scan3A_138, %mul3A_166 : i32
        %add3A_168 = arith.constant 32 : i32
        %add3A_169 = arith.addi %mul3A_167, %add3A_168 : i32
        %swap3A_170 = arith.index_cast %add3A_169 : i32 to index
        %swap3A_171 = tpu.vector_load %arg12[%swap3A_170] {strides = array<i32>} : memref<640xi32, #tpu.memory_space<vmem>>, vector<16xi32>,
        tpu.vector_store %arg12[%swap3A_170], %gather3A_165 {strides = array<i32>} : memref<640xi32, #tpu.memory_space<vmem>>, vector<16xi32>,
        %add3A_172 = arith.constant 48 : i32
        %add3A_173 = vector.broadcast %add3A_172 : i32 to vector<16xi32>
        %add3A_174 = arith.addi %iota3A, %add3A_173 : vector<16xi32>
        %gather3A_175 = tpu.vector_load_idx %arg7[%add3A_174, %broadcast_in_dim3A_141] : memref<64x50xi32, #tpu.memory_space<vmem>>[vector<16xi32>, vector<16xi32>], vector<16xi32>,
        %mul3A_176 = arith.constant 64 : i32
        %mul3A_177 = arith.muli %scan3A_138, %mul3A_176 : i32
        %add3A_178 = arith.constant 48 : i32
        %add3A_179 = arith.addi %mul3A_177, %add3A_178 : i32
        %swap3A_180 = arith.index_cast %add3A_179 : i32 to index
        %swap3A_181 = tpu.vector_load %arg12[%swap3A_180] {strides = array<i32>} : memref<640xi32, #tpu.memory_space<vmem>>, vector<16xi32>,
        tpu.vector_store %arg12[%swap3A_180], %gather3A_175 {strides = array<i32>} : memref<640xi32, #tpu.memory_space<vmem>>, vector<16xi32>,
      }
      %scan3A_45 = arith.constant 10 : i32
      %dma_start3A_46 = arith.constant 0 : i32
      %dma_start3A_47 = arith.constant 0 : i32
      %dma_start3A_48 = tpu.memref_slice %arg2[%dma_start3A_46, %dma_start3A_47] : memref<1000000x32xf32, #tpu.memory_space<hbm>> -> memref<1000000x32xf32, #tpu.memory_space<hbm>>
      tpu.enqueue_indirect_dma source(%dma_start3A_48 : memref<1000000x32xf32, #tpu.memory_space<hbm>>) target(%arg14 : memref<640x32xf32, #tpu.memory_space<vmem>>) offsets(%arg12 : memref<640xi32, #tpu.memory_space<vmem>>) semaphore(%arg18 : memref<!tpu.dma_semaphore, #tpu.memory_space<semaphore_mem>>)
      %scan3A_49 = arith.constant 0 : i32
      %scan3A_50 = arith.constant 0 : i32
      %scan3A_51 = arith.constant 10 : i32
      %scan3A_52 = arith.addi %scan3A_50, %scan3A_51 : i32
      %scan3A_53 = arith.constant 1 : i32
      scf.for %scan3A_138 = %scan3A_50 to %scan3A_52 step %scan3A_53  : i32 {
        %add3A_139 = arith.constant 10 : i32
        %add3A_140 = arith.addi %add3A_139, %scan3A_138 : i32
        %broadcast_in_dim3A_141 = vector.broadcast %add3A_140 : i32 to vector<16xi32>
        %add3A_142 = arith.constant 0 : i32
        %add3A_143 = vector.broadcast %add3A_142 : i32 to vector<16xi32>
        %add3A_144 = arith.addi %iota3A, %add3A_143 : vector<16xi32>
        %gather3A_145 = tpu.vector_load_idx %arg7[%add3A_144, %broadcast_in_dim3A_141] : memref<64x50xi32, #tpu.memory_space<vmem>>[vector<16xi32>, vector<16xi32>], vector<16xi32>,
        %mul3A_146 = arith.constant 64 : i32
        %mul3A_147 = arith.muli %scan3A_138, %mul3A_146 : i32
        %add3A_148 = arith.constant 0 : i32
        %add3A_149 = arith.addi %mul3A_147, %add3A_148 : i32
        %swap3A_150 = arith.index_cast %add3A_149 : i32 to index
        %swap3A_151 = tpu.vector_load %arg13[%swap3A_150] {strides = array<i32>} : memref<640xi32, #tpu.memory_space<vmem>>, vector<16xi32>,
        tpu.vector_store %arg13[%swap3A_150], %gather3A_145 {strides = array<i32>} : memref<640xi32, #tpu.memory_space<vmem>>, vector<16xi32>,
        %add3A_152 = arith.constant 16 : i32
        %add3A_153 = vector.broadcast %add3A_152 : i32 to vector<16xi32>
        %add3A_154 = arith.addi %iota3A, %add3A_153 : vector<16xi32>
        %gather3A_155 = tpu.vector_load_idx %arg7[%add3A_154, %broadcast_in_dim3A_141] : memref<64x50xi32, #tpu.memory_space<vmem>>[vector<16xi32>, vector<16xi32>], vector<16xi32>,
        %mul3A_156 = arith.constant 64 : i32
        %mul3A_157 = arith.muli %scan3A_138, %mul3A_156 : i32
        %add3A_158 = arith.constant 16 : i32
        %add3A_159 = arith.addi %mul3A_157, %add3A_158 : i32
        %swap3A_160 = arith.index_cast %add3A_159 : i32 to index
        %swap3A_161 = tpu.vector_load %arg13[%swap3A_160] {strides = array<i32>} : memref<640xi32, #tpu.memory_space<vmem>>, vector<16xi32>,
        tpu.vector_store %arg13[%swap3A_160], %gather3A_155 {strides = array<i32>} : memref<640xi32, #tpu.memory_space<vmem>>, vector<16xi32>,
        %add3A_162 = arith.constant 32 : i32
        %add3A_163 = vector.broadcast %add3A_162 : i32 to vector<16xi32>
        %add3A_164 = arith.addi %iota3A, %add3A_163 : vector<16xi32>
        %gather3A_165 = tpu.vector_load_idx %arg7[%add3A_164, %broadcast_in_dim3A_141] : memref<64x50xi32, #tpu.memory_space<vmem>>[vector<16xi32>, vector<16xi32>], vector<16xi32>,
        %mul3A_166 = arith.constant 64 : i32
        %mul3A_167 = arith.muli %scan3A_138, %mul3A_166 : i32
        %add3A_168 = arith.constant 32 : i32
        %add3A_169 = arith.addi %mul3A_167, %add3A_168 : i32
        %swap3A_170 = arith.index_cast %add3A_169 : i32 to index
        %swap3A_171 = tpu.vector_load %arg13[%swap3A_170] {strides = array<i32>} : memref<640xi32, #tpu.memory_space<vmem>>, vector<16xi32>,
        tpu.vector_store %arg13[%swap3A_170], %gather3A_165 {strides = array<i32>} : memref<640xi32, #tpu.memory_space<vmem>>, vector<16xi32>,
        %add3A_172 = arith.constant 48 : i32
        %add3A_173 = vector.broadcast %add3A_172 : i32 to vector<16xi32>
        %add3A_174 = arith.addi %iota3A, %add3A_173 : vector<16xi32>
        %gather3A_175 = tpu.vector_load_idx %arg7[%add3A_174, %broadcast_in_dim3A_141] : memref<64x50xi32, #tpu.memory_space<vmem>>[vector<16xi32>, vector<16xi32>], vector<16xi32>,
        %mul3A_176 = arith.constant 64 : i32
        %mul3A_177 = arith.muli %scan3A_138, %mul3A_176 : i32
        %add3A_178 = arith.constant 48 : i32
        %add3A_179 = arith.addi %mul3A_177, %add3A_178 : i32
        %swap3A_180 = arith.index_cast %add3A_179 : i32 to index
        %swap3A_181 = tpu.vector_load %arg13[%swap3A_180] {strides = array<i32>} : memref<640xi32, #tpu.memory_space<vmem>>, vector<16xi32>,
        tpu.vector_store %arg13[%swap3A_180], %gather3A_175 {strides = array<i32>} : memref<640xi32, #tpu.memory_space<vmem>>, vector<16xi32>,
      }
      %scan3A_54 = arith.constant 10 : i32
      %dma_start3A_55 = arith.constant 0 : i32
      %dma_start3A_56 = arith.constant 0 : i32
      %dma_start3A_57 = tpu.memref_slice %arg2[%dma_start3A_55, %dma_start3A_56] : memref<1000000x32xf32, #tpu.memory_space<hbm>> -> memref<1000000x32xf32, #tpu.memory_space<hbm>>
      tpu.enqueue_indirect_dma source(%dma_start3A_57 : memref<1000000x32xf32, #tpu.memory_space<hbm>>) target(%arg15 : memref<640x32xf32, #tpu.memory_space<vmem>>) offsets(%arg13 : memref<640xi32, #tpu.memory_space<vmem>>) semaphore(%arg19 : memref<!tpu.dma_semaphore, #tpu.memory_space<semaphore_mem>>)
      %dma_wait3A = arith.constant 0 : i32
      %dma_wait3A_58 = arith.constant 0 : i32
      %dma_wait3A_59 = tpu.memref_slice %arg2[%dma_wait3A, %dma_wait3A_58] : memref<1000000x32xf32, #tpu.memory_space<hbm>> -> memref<1000000x32xf32, #tpu.memory_space<hbm>>
      tpu.wait_indirect_dma semaphore(%arg18 : memref<!tpu.dma_semaphore, #tpu.memory_space<semaphore_mem>>) src(%dma_wait3A_59 : memref<1000000x32xf32, #tpu.memory_space<hbm>>) dst(%arg14 : memref<640x32xf32, #tpu.memory_space<vmem>>)
      %scan3A_60 = arith.constant 0 : i32
      %scan3A_61 = arith.constant 0 : i32
      %scan3A_62 = arith.constant 10 : i32
      %scan3A_63 = arith.addi %scan3A_61, %scan3A_62 : i32
      %scan3A_64 = arith.constant 1 : i32
      scf.for %scan3A_138 = %scan3A_61 to %scan3A_63 step %scan3A_64  : i32 {
        %mul3A_139 = arith.constant 64 : i32
        %mul3A_140 = arith.muli %scan3A_138, %mul3A_139 : i32
        %scan3A_141 = arith.constant 0 : i32
        %scan3A_142 = arith.constant 0 : i32
        %scan3A_143 = arith.constant 8 : i32
        %scan3A_144 = arith.addi %scan3A_142, %scan3A_143 : i32
        %scan3A_145 = arith.constant 1 : i32
        scf.for %scan3A_147 = %scan3A_142 to %scan3A_144 step %scan3A_145  : i32 {
          %mul3A_148 = arith.constant 8 : i32
          %mul3A_149 = arith.muli %scan3A_147, %mul3A_148 : i32
          %add3A_150 = arith.addi %mul3A_140, %mul3A_149 : i32
          %add3A_151 = arith.constant 0 : i32
          %add3A_152 = arith.addi %add3A_150, %add3A_151 : i32
          %mul3A_153 = arith.constant 8 : i32
          %mul3A_154 = arith.muli %scan3A_147, %mul3A_153 : i32
          %add3A_155 = arith.constant 0 : i32
          %add3A_156 = arith.addi %mul3A_154, %add3A_155 : i32
          %broadcast_in_dim3A_157 = vector.broadcast %add3A_156 : i32 to vector<16xi32>
          %get3A = arith.index_cast %add3A_152 : i32 to index
          %get3A_158 = arith.constant 0 : index
          %get3A_159 = tpu.vector_load %arg14[%get3A, %get3A_158] {strides = array<i32>} : memref<640x32xf32, #tpu.memory_space<vmem>>, vector<16xf32>,
          %get3A_160 = arith.index_cast %add3A_152 : i32 to index
          %get3A_161 = arith.constant 16 : index
          %get3A_162 = tpu.vector_load %arg14[%get3A_160, %get3A_161] {strides = array<i32>} : memref<640x32xf32, #tpu.memory_space<vmem>>, vector<16xf32>,
          %scatter3A = arith.constant 0 : i32
          %scatter3A_163 = arith.constant 0 : i32
          %scatter3A_164 = tpu.memref_slice %arg16[%scan3A_138, %scatter3A, %scatter3A_163] : memref<10x32x65xf32, #tpu.memory_space<vmem>> -> memref<1x32x65xf32, #tpu.memory_space<vmem>>
          %scatter3A_165 = tpu.memref_squeeze %scatter3A_164 : memref<1x32x65xf32, #tpu.memory_space<vmem>> -> memref<32x65xf32, #tpu.memory_space<vmem>>
          tpu.vector_store_idx %scatter3A_165[%iota3A, %broadcast_in_dim3A_157], %get3A_159 : memref<32x65xf32, #tpu.memory_space<vmem>>[vector<16xi32>, vector<16xi32>], vector<16xf32>,
          %scatter3A_166 = arith.constant 0 : i32
          %scatter3A_167 = arith.constant 0 : i32
          %scatter3A_168 = tpu.memref_slice %arg16[%scan3A_138, %scatter3A_166, %scatter3A_167] : memref<10x32x65xf32, #tpu.memory_space<vmem>> -> memref<1x32x65xf32, #tpu.memory_space<vmem>>
          %scatter3A_169 = tpu.memref_squeeze %scatter3A_168 : memref<1x32x65xf32, #tpu.memory_space<vmem>> -> memref<32x65xf32, #tpu.memory_space<vmem>>
          tpu.vector_store_idx %scatter3A_169[%add3A_3, %broadcast_in_dim3A_157], %get3A_162 : memref<32x65xf32, #tpu.memory_space<vmem>>[vector<16xi32>, vector<16xi32>], vector<16xf32>,
          %add3A_170 = arith.constant 1 : i32
          %add3A_171 = arith.addi %add3A_150, %add3A_170 : i32
          %mul3A_172 = arith.constant 8 : i32
          %mul3A_173 = arith.muli %scan3A_147, %mul3A_172 : i32
          %add3A_174 = arith.constant 1 : i32
          %add3A_175 = arith.addi %mul3A_173, %add3A_174 : i32
          %broadcast_in_dim3A_176 = vector.broadcast %add3A_175 : i32 to vector<16xi32>
          %get3A_177 = arith.index_cast %add3A_171 : i32 to index
          %get3A_178 = arith.constant 0 : index
          %get3A_179 = tpu.vector_load %arg14[%get3A_177, %get3A_178] {strides = array<i32>} : memref<640x32xf32, #tpu.memory_space<vmem>>, vector<16xf32>,
          %get3A_180 = arith.index_cast %add3A_171 : i32 to index
          %get3A_181 = arith.constant 16 : index
          %get3A_182 = tpu.vector_load %arg14[%get3A_180, %get3A_181] {strides = array<i32>} : memref<640x32xf32, #tpu.memory_space<vmem>>, vector<16xf32>,
          %scatter3A_183 = arith.constant 0 : i32
          %scatter3A_184 = arith.constant 0 : i32
          %scatter3A_185 = tpu.memref_slice %arg16[%scan3A_138, %scatter3A_183, %scatter3A_184] : memref<10x32x65xf32, #tpu.memory_space<vmem>> -> memref<1x32x65xf32, #tpu.memory_space<vmem>>
          %scatter3A_186 = tpu.memref_squeeze %scatter3A_185 : memref<1x32x65xf32, #tpu.memory_space<vmem>> -> memref<32x65xf32, #tpu.memory_space<vmem>>
          tpu.vector_store_idx %scatter3A_186[%iota3A, %broadcast_in_dim3A_176], %get3A_179 : memref<32x65xf32, #tpu.memory_space<vmem>>[vector<16xi32>, vector<16xi32>], vector<16xf32>,
          %scatter3A_187 = arith.constant 0 : i32
          %scatter3A_188 = arith.constant 0 : i32
          %scatter3A_189 = tpu.memref_slice %arg16[%scan3A_138, %scatter3A_187, %scatter3A_188] : memref<10x32x65xf32, #tpu.memory_space<vmem>> -> memref<1x32x65xf32, #tpu.memory_space<vmem>>
          %scatter3A_190 = tpu.memref_squeeze %scatter3A_189 : memref<1x32x65xf32, #tpu.memory_space<vmem>> -> memref<32x65xf32, #tpu.memory_space<vmem>>
          tpu.vector_store_idx %scatter3A_190[%add3A_3, %broadcast_in_dim3A_176], %get3A_182 : memref<32x65xf32, #tpu.memory_space<vmem>>[vector<16xi32>, vector<16xi32>], vector<16xf32>,
          %add3A_191 = arith.constant 2 : i32
          %add3A_192 = arith.addi %add3A_150, %add3A_191 : i32
          %mul3A_193 = arith.constant 8 : i32
          %mul3A_194 = arith.muli %scan3A_147, %mul3A_193 : i32
          %add3A_195 = arith.constant 2 : i32
          %add3A_196 = arith.addi %mul3A_194, %add3A_195 : i32
          %broadcast_in_dim3A_197 = vector.broadcast %add3A_196 : i32 to vector<16xi32>
          %get3A_198 = arith.index_cast %add3A_192 : i32 to index
          %get3A_199 = arith.constant 0 : index
          %get3A_200 = tpu.vector_load %arg14[%get3A_198, %get3A_199] {strides = array<i32>} : memref<640x32xf32, #tpu.memory_space<vmem>>, vector<16xf32>,
          %get3A_201 = arith.index_cast %add3A_192 : i32 to index
          %get3A_202 = arith.constant 16 : index
          %get3A_203 = tpu.vector_load %arg14[%get3A_201, %get3A_202] {strides = array<i32>} : memref<640x32xf32, #tpu.memory_space<vmem>>, vector<16xf32>,
          %scatter3A_204 = arith.constant 0 : i32
          %scatter3A_205 = arith.constant 0 : i32
          %scatter3A_206 = tpu.memref_slice %arg16[%scan3A_138, %scatter3A_204, %scatter3A_205] : memref<10x32x65xf32, #tpu.memory_space<vmem>> -> memref<1x32x65xf32, #tpu.memory_space<vmem>>
          %scatter3A_207 = tpu.memref_squeeze %scatter3A_206 : memref<1x32x65xf32, #tpu.memory_space<vmem>> -> memref<32x65xf32, #tpu.memory_space<vmem>>
          tpu.vector_store_idx %scatter3A_207[%iota3A, %broadcast_in_dim3A_197], %get3A_200 : memref<32x65xf32, #tpu.memory_space<vmem>>[vector<16xi32>, vector<16xi32>], vector<16xf32>,
          %scatter3A_208 = arith.constant 0 : i32
          %scatter3A_209 = arith.constant 0 : i32
          %scatter3A_210 = tpu.memref_slice %arg16[%scan3A_138, %scatter3A_208, %scatter3A_209] : memref<10x32x65xf32, #tpu.memory_space<vmem>> -> memref<1x32x65xf32, #tpu.memory_space<vmem>>
          %scatter3A_211 = tpu.memref_squeeze %scatter3A_210 : memref<1x32x65xf32, #tpu.memory_space<vmem>> -> memref<32x65xf32, #tpu.memory_space<vmem>>
          tpu.vector_store_idx %scatter3A_211[%add3A_3, %broadcast_in_dim3A_197], %get3A_203 : memref<32x65xf32, #tpu.memory_space<vmem>>[vector<16xi32>, vector<16xi32>], vector<16xf32>,
          %add3A_212 = arith.constant 3 : i32
          %add3A_213 = arith.addi %add3A_150, %add3A_212 : i32
          %mul3A_214 = arith.constant 8 : i32
          %mul3A_215 = arith.muli %scan3A_147, %mul3A_214 : i32
          %add3A_216 = arith.constant 3 : i32
          %add3A_217 = arith.addi %mul3A_215, %add3A_216 : i32
          %broadcast_in_dim3A_218 = vector.broadcast %add3A_217 : i32 to vector<16xi32>
          %get3A_219 = arith.index_cast %add3A_213 : i32 to index
          %get3A_220 = arith.constant 0 : index
          %get3A_221 = tpu.vector_load %arg14[%get3A_219, %get3A_220] {strides = array<i32>} : memref<640x32xf32, #tpu.memory_space<vmem>>, vector<16xf32>,
          %get3A_222 = arith.index_cast %add3A_213 : i32 to index
          %get3A_223 = arith.constant 16 : index
          %get3A_224 = tpu.vector_load %arg14[%get3A_222, %get3A_223] {strides = array<i32>} : memref<640x32xf32, #tpu.memory_space<vmem>>, vector<16xf32>,
          %scatter3A_225 = arith.constant 0 : i32
          %scatter3A_226 = arith.constant 0 : i32
          %scatter3A_227 = tpu.memref_slice %arg16[%scan3A_138, %scatter3A_225, %scatter3A_226] : memref<10x32x65xf32, #tpu.memory_space<vmem>> -> memref<1x32x65xf32, #tpu.memory_space<vmem>>
          %scatter3A_228 = tpu.memref_squeeze %scatter3A_227 : memref<1x32x65xf32, #tpu.memory_space<vmem>> -> memref<32x65xf32, #tpu.memory_space<vmem>>
          tpu.vector_store_idx %scatter3A_228[%iota3A, %broadcast_in_dim3A_218], %get3A_221 : memref<32x65xf32, #tpu.memory_space<vmem>>[vector<16xi32>, vector<16xi32>], vector<16xf32>,
          %scatter3A_229 = arith.constant 0 : i32
          %scatter3A_230 = arith.constant 0 : i32
          %scatter3A_231 = tpu.memref_slice %arg16[%scan3A_138, %scatter3A_229, %scatter3A_230] : memref<10x32x65xf32, #tpu.memory_space<vmem>> -> memref<1x32x65xf32, #tpu.memory_space<vmem>>
          %scatter3A_232 = tpu.memref_squeeze %scatter3A_231 : memref<1x32x65xf32, #tpu.memory_space<vmem>> -> memref<32x65xf32, #tpu.memory_space<vmem>>
          tpu.vector_store_idx %scatter3A_232[%add3A_3, %broadcast_in_dim3A_218], %get3A_224 : memref<32x65xf32, #tpu.memory_space<vmem>>[vector<16xi32>, vector<16xi32>], vector<16xf32>,
          %add3A_233 = arith.constant 4 : i32
          %add3A_234 = arith.addi %add3A_150, %add3A_233 : i32
          %mul3A_235 = arith.constant 8 : i32
          %mul3A_236 = arith.muli %scan3A_147, %mul3A_235 : i32
          %add3A_237 = arith.constant 4 : i32
          %add3A_238 = arith.addi %mul3A_236, %add3A_237 : i32
          %broadcast_in_dim3A_239 = vector.broadcast %add3A_238 : i32 to vector<16xi32>
          %get3A_240 = arith.index_cast %add3A_234 : i32 to index
          %get3A_241 = arith.constant 0 : index
          %get3A_242 = tpu.vector_load %arg14[%get3A_240, %get3A_241] {strides = array<i32>} : memref<640x32xf32, #tpu.memory_space<vmem>>, vector<16xf32>,
          %get3A_243 = arith.index_cast %add3A_234 : i32 to index
          %get3A_244 = arith.constant 16 : index
          %get3A_245 = tpu.vector_load %arg14[%get3A_243, %get3A_244] {strides = array<i32>} : memref<640x32xf32, #tpu.memory_space<vmem>>, vector<16xf32>,
          %scatter3A_246 = arith.constant 0 : i32
          %scatter3A_247 = arith.constant 0 : i32
          %scatter3A_248 = tpu.memref_slice %arg16[%scan3A_138, %scatter3A_246, %scatter3A_247] : memref<10x32x65xf32, #tpu.memory_space<vmem>> -> memref<1x32x65xf32, #tpu.memory_space<vmem>>
          %scatter3A_249 = tpu.memref_squeeze %scatter3A_248 : memref<1x32x65xf32, #tpu.memory_space<vmem>> -> memref<32x65xf32, #tpu.memory_space<vmem>>
          tpu.vector_store_idx %scatter3A_249[%iota3A, %broadcast_in_dim3A_239], %get3A_242 : memref<32x65xf32, #tpu.memory_space<vmem>>[vector<16xi32>, vector<16xi32>], vector<16xf32>,
          %scatter3A_250 = arith.constant 0 : i32
          %scatter3A_251 = arith.constant 0 : i32
          %scatter3A_252 = tpu.memref_slice %arg16[%scan3A_138, %scatter3A_250, %scatter3A_251] : memref<10x32x65xf32, #tpu.memory_space<vmem>> -> memref<1x32x65xf32, #tpu.memory_space<vmem>>
          %scatter3A_253 = tpu.memref_squeeze %scatter3A_252 : memref<1x32x65xf32, #tpu.memory_space<vmem>> -> memref<32x65xf32, #tpu.memory_space<vmem>>
          tpu.vector_store_idx %scatter3A_253[%add3A_3, %broadcast_in_dim3A_239], %get3A_245 : memref<32x65xf32, #tpu.memory_space<vmem>>[vector<16xi32>, vector<16xi32>], vector<16xf32>,
          %add3A_254 = arith.constant 5 : i32
          %add3A_255 = arith.addi %add3A_150, %add3A_254 : i32
          %mul3A_256 = arith.constant 8 : i32
          %mul3A_257 = arith.muli %scan3A_147, %mul3A_256 : i32
          %add3A_258 = arith.constant 5 : i32
          %add3A_259 = arith.addi %mul3A_257, %add3A_258 : i32
          %broadcast_in_dim3A_260 = vector.broadcast %add3A_259 : i32 to vector<16xi32>
          %get3A_261 = arith.index_cast %add3A_255 : i32 to index
          %get3A_262 = arith.constant 0 : index
          %get3A_263 = tpu.vector_load %arg14[%get3A_261, %get3A_262] {strides = array<i32>} : memref<640x32xf32, #tpu.memory_space<vmem>>, vector<16xf32>,
          %get3A_264 = arith.index_cast %add3A_255 : i32 to index
          %get3A_265 = arith.constant 16 : index
          %get3A_266 = tpu.vector_load %arg14[%get3A_264, %get3A_265] {strides = array<i32>} : memref<640x32xf32, #tpu.memory_space<vmem>>, vector<16xf32>,
          %scatter3A_267 = arith.constant 0 : i32
          %scatter3A_268 = arith.constant 0 : i32
          %scatter3A_269 = tpu.memref_slice %arg16[%scan3A_138, %scatter3A_267, %scatter3A_268] : memref<10x32x65xf32, #tpu.memory_space<vmem>> -> memref<1x32x65xf32, #tpu.memory_space<vmem>>
          %scatter3A_270 = tpu.memref_squeeze %scatter3A_269 : memref<1x32x65xf32, #tpu.memory_space<vmem>> -> memref<32x65xf32, #tpu.memory_space<vmem>>
          tpu.vector_store_idx %scatter3A_270[%iota3A, %broadcast_in_dim3A_260], %get3A_263 : memref<32x65xf32, #tpu.memory_space<vmem>>[vector<16xi32>, vector<16xi32>], vector<16xf32>,
          %scatter3A_271 = arith.constant 0 : i32
          %scatter3A_272 = arith.constant 0 : i32
          %scatter3A_273 = tpu.memref_slice %arg16[%scan3A_138, %scatter3A_271, %scatter3A_272] : memref<10x32x65xf32, #tpu.memory_space<vmem>> -> memref<1x32x65xf32, #tpu.memory_space<vmem>>
          %scatter3A_274 = tpu.memref_squeeze %scatter3A_273 : memref<1x32x65xf32, #tpu.memory_space<vmem>> -> memref<32x65xf32, #tpu.memory_space<vmem>>
          tpu.vector_store_idx %scatter3A_274[%add3A_3, %broadcast_in_dim3A_260], %get3A_266 : memref<32x65xf32, #tpu.memory_space<vmem>>[vector<16xi32>, vector<16xi32>], vector<16xf32>,
          %add3A_275 = arith.constant 6 : i32
          %add3A_276 = arith.addi %add3A_150, %add3A_275 : i32
          %mul3A_277 = arith.constant 8 : i32
          %mul3A_278 = arith.muli %scan3A_147, %mul3A_277 : i32
          %add3A_279 = arith.constant 6 : i32
          %add3A_280 = arith.addi %mul3A_278, %add3A_279 : i32
          %broadcast_in_dim3A_281 = vector.broadcast %add3A_280 : i32 to vector<16xi32>
          %get3A_282 = arith.index_cast %add3A_276 : i32 to index
          %get3A_283 = arith.constant 0 : index
          %get3A_284 = tpu.vector_load %arg14[%get3A_282, %get3A_283] {strides = array<i32>} : memref<640x32xf32, #tpu.memory_space<vmem>>, vector<16xf32>,
          %get3A_285 = arith.index_cast %add3A_276 : i32 to index
          %get3A_286 = arith.constant 16 : index
          %get3A_287 = tpu.vector_load %arg14[%get3A_285, %get3A_286] {strides = array<i32>} : memref<640x32xf32, #tpu.memory_space<vmem>>, vector<16xf32>,
          %scatter3A_288 = arith.constant 0 : i32
          %scatter3A_289 = arith.constant 0 : i32
          %scatter3A_290 = tpu.memref_slice %arg16[%scan3A_138, %scatter3A_288, %scatter3A_289] : memref<10x32x65xf32, #tpu.memory_space<vmem>> -> memref<1x32x65xf32, #tpu.memory_space<vmem>>
          %scatter3A_291 = tpu.memref_squeeze %scatter3A_290 : memref<1x32x65xf32, #tpu.memory_space<vmem>> -> memref<32x65xf32, #tpu.memory_space<vmem>>
          tpu.vector_store_idx %scatter3A_291[%iota3A, %broadcast_in_dim3A_281], %get3A_284 : memref<32x65xf32, #tpu.memory_space<vmem>>[vector<16xi32>, vector<16xi32>], vector<16xf32>,
          %scatter3A_292 = arith.constant 0 : i32
          %scatter3A_293 = arith.constant 0 : i32
          %scatter3A_294 = tpu.memref_slice %arg16[%scan3A_138, %scatter3A_292, %scatter3A_293] : memref<10x32x65xf32, #tpu.memory_space<vmem>> -> memref<1x32x65xf32, #tpu.memory_space<vmem>>
          %scatter3A_295 = tpu.memref_squeeze %scatter3A_294 : memref<1x32x65xf32, #tpu.memory_space<vmem>> -> memref<32x65xf32, #tpu.memory_space<vmem>>
          tpu.vector_store_idx %scatter3A_295[%add3A_3, %broadcast_in_dim3A_281], %get3A_287 : memref<32x65xf32, #tpu.memory_space<vmem>>[vector<16xi32>, vector<16xi32>], vector<16xf32>,
          %add3A_296 = arith.constant 7 : i32
          %add3A_297 = arith.addi %add3A_150, %add3A_296 : i32
          %mul3A_298 = arith.constant 8 : i32
          %mul3A_299 = arith.muli %scan3A_147, %mul3A_298 : i32
          %add3A_300 = arith.constant 7 : i32
          %add3A_301 = arith.addi %mul3A_299, %add3A_300 : i32
          %broadcast_in_dim3A_302 = vector.broadcast %add3A_301 : i32 to vector<16xi32>
          %get3A_303 = arith.index_cast %add3A_297 : i32 to index
          %get3A_304 = arith.constant 0 : index
          %get3A_305 = tpu.vector_load %arg14[%get3A_303, %get3A_304] {strides = array<i32>} : memref<640x32xf32, #tpu.memory_space<vmem>>, vector<16xf32>,
          %get3A_306 = arith.index_cast %add3A_297 : i32 to index
          %get3A_307 = arith.constant 16 : index
          %get3A_308 = tpu.vector_load %arg14[%get3A_306, %get3A_307] {strides = array<i32>} : memref<640x32xf32, #tpu.memory_space<vmem>>, vector<16xf32>,
          %scatter3A_309 = arith.constant 0 : i32
          %scatter3A_310 = arith.constant 0 : i32
          %scatter3A_311 = tpu.memref_slice %arg16[%scan3A_138, %scatter3A_309, %scatter3A_310] : memref<10x32x65xf32, #tpu.memory_space<vmem>> -> memref<1x32x65xf32, #tpu.memory_space<vmem>>
          %scatter3A_312 = tpu.memref_squeeze %scatter3A_311 : memref<1x32x65xf32, #tpu.memory_space<vmem>> -> memref<32x65xf32, #tpu.memory_space<vmem>>
          tpu.vector_store_idx %scatter3A_312[%iota3A, %broadcast_in_dim3A_302], %get3A_305 : memref<32x65xf32, #tpu.memory_space<vmem>>[vector<16xi32>, vector<16xi32>], vector<16xf32>,
          %scatter3A_313 = arith.constant 0 : i32
          %scatter3A_314 = arith.constant 0 : i32
          %scatter3A_315 = tpu.memref_slice %arg16[%scan3A_138, %scatter3A_313, %scatter3A_314] : memref<10x32x65xf32, #tpu.memory_space<vmem>> -> memref<1x32x65xf32, #tpu.memory_space<vmem>>
          %scatter3A_316 = tpu.memref_squeeze %scatter3A_315 : memref<1x32x65xf32, #tpu.memory_space<vmem>> -> memref<32x65xf32, #tpu.memory_space<vmem>>
          tpu.vector_store_idx %scatter3A_316[%add3A_3, %broadcast_in_dim3A_302], %get3A_308 : memref<32x65xf32, #tpu.memory_space<vmem>>[vector<16xi32>, vector<16xi32>], vector<16xf32>,
        }
        %scan3A_146 = arith.constant 8 : i32
      }
      %scan3A_65 = arith.constant 10 : i32
      "tpu.region"() ({
        %run_scoped3A = tpu.sem_alloc : memref<!tpu.dma_semaphore, #tpu.memory_space<semaphore_mem>>
        %dma_start3A_138 = arith.constant 0 : i32
        %dma_start3A_139 = arith.constant 0 : i32
        %dma_start3A_140 = arith.constant 0 : i32
        %dma_start3A_141 = tpu.memref_slice %arg16[%dma_start3A_138, %dma_start3A_139, %dma_start3A_140] : memref<10x32x65xf32, #tpu.memory_space<vmem>> -> memref<10x32x64xf32, #tpu.memory_space<vmem>>
        %dma_start3A_142 = arith.constant 0 : i32
        %dma_start3A_143 = arith.constant 0 : i32
        %dma_start3A_144 = tpu.memref_slice %arg6[%dma_start3A_142, %dma_start3A_143, %add3A_15] : memref<50x32x16384xf32, #tpu.memory_space<hbm>> -> memref<10x32x64xf32, #tpu.memory_space<hbm>>
        %dma_start3A_145 = arith.constant 0 : i32
        %dma_start3A_146 = arith.constant 0 : i32
        %dma_start3A_147 = tpu.memref_slice %arg6[%dma_start3A_145, %dma_start3A_146, %add3A_15] : memref<50x32x16384xf32, #tpu.memory_space<hbm>> -> memref<10x32x64xf32, #tpu.memory_space<hbm>>
        %dma_start3A_148 = arith.constant 0 : i32
        %dma_start3A_149 = arith.constant 0 : i32
        %dma_start3A_150 = arith.constant 0 : i32
        %dma_start3A_151 = tpu.memref_slice %arg16[%dma_start3A_148, %dma_start3A_149, %dma_start3A_150] : memref<10x32x65xf32, #tpu.memory_space<vmem>> -> memref<10x32x64xf32, #tpu.memory_space<vmem>>
        tpu.enqueue_dma source(%dma_start3A_151 : memref<10x32x64xf32, #tpu.memory_space<vmem>>) target(%dma_start3A_147 : memref<10x32x64xf32, #tpu.memory_space<hbm>>) target_semaphore(%run_scoped3A : memref<!tpu.dma_semaphore, #tpu.memory_space<semaphore_mem>>)
        %dma_wait3A_152 = arith.constant 0 : i32
        %dma_wait3A_153 = arith.constant 0 : i32
        %dma_wait3A_154 = arith.constant 0 : i32
        %dma_wait3A_155 = tpu.memref_slice %arg16[%dma_wait3A_152, %dma_wait3A_153, %dma_wait3A_154] : memref<10x32x65xf32, #tpu.memory_space<vmem>> -> memref<10x32x64xf32, #tpu.memory_space<vmem>>
        %dma_wait3A_156 = arith.constant 0 : i32
        %dma_wait3A_157 = arith.constant 0 : i32
        %dma_wait3A_158 = tpu.memref_slice %arg6[%dma_wait3A_156, %dma_wait3A_157, %add3A_15] : memref<50x32x16384xf32, #tpu.memory_space<hbm>> -> memref<10x32x64xf32, #tpu.memory_space<hbm>>
        %dma_wait3A_159 = arith.constant 0 : i32
        %dma_wait3A_160 = arith.constant 0 : i32
        %dma_wait3A_161 = tpu.memref_slice %arg6[%dma_wait3A_159, %dma_wait3A_160, %add3A_15] : memref<50x32x16384xf32, #tpu.memory_space<hbm>> -> memref<10x32x64xf32, #tpu.memory_space<hbm>>
        %dma_wait3A_162 = arith.constant 0 : i32
        %dma_wait3A_163 = arith.constant 0 : i32
        %dma_wait3A_164 = arith.constant 0 : i32
        %dma_wait3A_165 = tpu.memref_slice %arg16[%dma_wait3A_162, %dma_wait3A_163, %dma_wait3A_164] : memref<10x32x65xf32, #tpu.memory_space<vmem>> -> memref<10x32x64xf32, #tpu.memory_space<vmem>>
        tpu.wait_dma2 semaphore(%run_scoped3A : memref<!tpu.dma_semaphore, #tpu.memory_space<semaphore_mem>>) src(%dma_wait3A_165 : memref<10x32x64xf32, #tpu.memory_space<vmem>>) dst(%dma_wait3A_161 : memref<10x32x64xf32, #tpu.memory_space<hbm>>)
        tpu.yield
      }) : () -> ()
      %scan3A_66 = arith.constant 0 : i32
      %scan3A_67 = arith.constant 0 : i32
      %scan3A_68 = arith.constant 10 : i32
      %scan3A_69 = arith.addi %scan3A_67, %scan3A_68 : i32
      %scan3A_70 = arith.constant 1 : i32
      scf.for %scan3A_138 = %scan3A_67 to %scan3A_69 step %scan3A_70  : i32 {
        %add3A_139 = arith.constant 20 : i32
        %add3A_140 = arith.addi %add3A_139, %scan3A_138 : i32
        %broadcast_in_dim3A_141 = vector.broadcast %add3A_140 : i32 to vector<16xi32>
        %add3A_142 = arith.constant 0 : i32
        %add3A_143 = vector.broadcast %add3A_142 : i32 to vector<16xi32>
        %add3A_144 = arith.addi %iota3A, %add3A_143 : vector<16xi32>
        %gather3A_145 = tpu.vector_load_idx %arg7[%add3A_144, %broadcast_in_dim3A_141] : memref<64x50xi32, #tpu.memory_space<vmem>>[vector<16xi32>, vector<16xi32>], vector<16xi32>,
        %mul3A_146 = arith.constant 64 : i32
        %mul3A_147 = arith.muli %scan3A_138, %mul3A_146 : i32
        %add3A_148 = arith.constant 0 : i32
        %add3A_149 = arith.addi %mul3A_147, %add3A_148 : i32
        %swap3A_150 = arith.index_cast %add3A_149 : i32 to index
        %swap3A_151 = tpu.vector_load %arg12[%swap3A_150] {strides = array<i32>} : memref<640xi32, #tpu.memory_space<vmem>>, vector<16xi32>,
        tpu.vector_store %arg12[%swap3A_150], %gather3A_145 {strides = array<i32>} : memref<640xi32, #tpu.memory_space<vmem>>, vector<16xi32>,
        %add3A_152 = arith.constant 16 : i32
        %add3A_153 = vector.broadcast %add3A_152 : i32 to vector<16xi32>
        %add3A_154 = arith.addi %iota3A, %add3A_153 : vector<16xi32>
        %gather3A_155 = tpu.vector_load_idx %arg7[%add3A_154, %broadcast_in_dim3A_141] : memref<64x50xi32, #tpu.memory_space<vmem>>[vector<16xi32>, vector<16xi32>], vector<16xi32>,
        %mul3A_156 = arith.constant 64 : i32
        %mul3A_157 = arith.muli %scan3A_138, %mul3A_156 : i32
        %add3A_158 = arith.constant 16 : i32
        %add3A_159 = arith.addi %mul3A_157, %add3A_158 : i32
        %swap3A_160 = arith.index_cast %add3A_159 : i32 to index
        %swap3A_161 = tpu.vector_load %arg12[%swap3A_160] {strides = array<i32>} : memref<640xi32, #tpu.memory_space<vmem>>, vector<16xi32>,
        tpu.vector_store %arg12[%swap3A_160], %gather3A_155 {strides = array<i32>} : memref<640xi32, #tpu.memory_space<vmem>>, vector<16xi32>,
        %add3A_162 = arith.constant 32 : i32
        %add3A_163 = vector.broadcast %add3A_162 : i32 to vector<16xi32>
        %add3A_164 = arith.addi %iota3A, %add3A_163 : vector<16xi32>
        %gather3A_165 = tpu.vector_load_idx %arg7[%add3A_164, %broadcast_in_dim3A_141] : memref<64x50xi32, #tpu.memory_space<vmem>>[vector<16xi32>, vector<16xi32>], vector<16xi32>,
        %mul3A_166 = arith.constant 64 : i32
        %mul3A_167 = arith.muli %scan3A_138, %mul3A_166 : i32
        %add3A_168 = arith.constant 32 : i32
        %add3A_169 = arith.addi %mul3A_167, %add3A_168 : i32
        %swap3A_170 = arith.index_cast %add3A_169 : i32 to index
        %swap3A_171 = tpu.vector_load %arg12[%swap3A_170] {strides = array<i32>} : memref<640xi32, #tpu.memory_space<vmem>>, vector<16xi32>,
        tpu.vector_store %arg12[%swap3A_170], %gather3A_165 {strides = array<i32>} : memref<640xi32, #tpu.memory_space<vmem>>, vector<16xi32>,
        %add3A_172 = arith.constant 48 : i32
        %add3A_173 = vector.broadcast %add3A_172 : i32 to vector<16xi32>
        %add3A_174 = arith.addi %iota3A, %add3A_173 : vector<16xi32>
        %gather3A_175 = tpu.vector_load_idx %arg7[%add3A_174, %broadcast_in_dim3A_141] : memref<64x50xi32, #tpu.memory_space<vmem>>[vector<16xi32>, vector<16xi32>], vector<16xi32>,
        %mul3A_176 = arith.constant 64 : i32
        %mul3A_177 = arith.muli %scan3A_138, %mul3A_176 : i32
        %add3A_178 = arith.constant 48 : i32
        %add3A_179 = arith.addi %mul3A_177, %add3A_178 : i32
        %swap3A_180 = arith.index_cast %add3A_179 : i32 to index
        %swap3A_181 = tpu.vector_load %arg12[%swap3A_180] {strides = array<i32>} : memref<640xi32, #tpu.memory_space<vmem>>, vector<16xi32>,
        tpu.vector_store %arg12[%swap3A_180], %gather3A_175 {strides = array<i32>} : memref<640xi32, #tpu.memory_space<vmem>>, vector<16xi32>,
      }
      %scan3A_71 = arith.constant 10 : i32
      %dma_start3A_72 = arith.constant 0 : i32
      %dma_start3A_73 = arith.constant 0 : i32
      %dma_start3A_74 = tpu.memref_slice %arg2[%dma_start3A_72, %dma_start3A_73] : memref<1000000x32xf32, #tpu.memory_space<hbm>> -> memref<1000000x32xf32, #tpu.memory_space<hbm>>
      tpu.enqueue_indirect_dma source(%dma_start3A_74 : memref<1000000x32xf32, #tpu.memory_space<hbm>>) target(%arg14 : memref<640x32xf32, #tpu.memory_space<vmem>>) offsets(%arg12 : memref<640xi32, #tpu.memory_space<vmem>>) semaphore(%arg18 : memref<!tpu.dma_semaphore, #tpu.memory_space<semaphore_mem>>)
      %dma_wait3A_75 = arith.constant 0 : i32
      %dma_wait3A_76 = arith.constant 0 : i32
      %dma_wait3A_77 = tpu.memref_slice %arg2[%dma_wait3A_75, %dma_wait3A_76] : memref<1000000x32xf32, #tpu.memory_space<hbm>> -> memref<1000000x32xf32, #tpu.memory_space<hbm>>
      tpu.wait_indirect_dma semaphore(%arg19 : memref<!tpu.dma_semaphore, #tpu.memory_space<semaphore_mem>>) src(%dma_wait3A_77 : memref<1000000x32xf32, #tpu.memory_space<hbm>>) dst(%arg15 : memref<640x32xf32, #tpu.memory_space<vmem>>)
      %scan3A_78 = arith.constant 0 : i32
      %scan3A_79 = arith.constant 0 : i32
      %scan3A_80 = arith.constant 10 : i32
      %scan3A_81 = arith.addi %scan3A_79, %scan3A_80 : i32
      %scan3A_82 = arith.constant 1 : i32
      scf.for %scan3A_138 = %scan3A_79 to %scan3A_81 step %scan3A_82  : i32 {
        %mul3A_139 = arith.constant 64 : i32
        %mul3A_140 = arith.muli %scan3A_138, %mul3A_139 : i32
        %scan3A_141 = arith.constant 0 : i32
        %scan3A_142 = arith.constant 0 : i32
        %scan3A_143 = arith.constant 8 : i32
        %scan3A_144 = arith.addi %scan3A_142, %scan3A_143 : i32
        %scan3A_145 = arith.constant 1 : i32
        scf.for %scan3A_147 = %scan3A_142 to %scan3A_144 step %scan3A_145  : i32 {
          %mul3A_148 = arith.constant 8 : i32
          %mul3A_149 = arith.muli %scan3A_147, %mul3A_148 : i32
          %add3A_150 = arith.addi %mul3A_140, %mul3A_149 : i32
          %add3A_151 = arith.constant 0 : i32
          %add3A_152 = arith.addi %add3A_150, %add3A_151 : i32
          %mul3A_153 = arith.constant 8 : i32
          %mul3A_154 = arith.muli %scan3A_147, %mul3A_153 : i32
          %add3A_155 = arith.constant 0 : i32
          %add3A_156 = arith.addi %mul3A_154, %add3A_155 : i32
          %broadcast_in_dim3A_157 = vector.broadcast %add3A_156 : i32 to vector<16xi32>
          %get3A = arith.index_cast %add3A_152 : i32 to index
          %get3A_158 = arith.constant 0 : index
          %get3A_159 = tpu.vector_load %arg15[%get3A, %get3A_158] {strides = array<i32>} : memref<640x32xf32, #tpu.memory_space<vmem>>, vector<16xf32>,
          %get3A_160 = arith.index_cast %add3A_152 : i32 to index
          %get3A_161 = arith.constant 16 : index
          %get3A_162 = tpu.vector_load %arg15[%get3A_160, %get3A_161] {strides = array<i32>} : memref<640x32xf32, #tpu.memory_space<vmem>>, vector<16xf32>,
          %scatter3A = arith.constant 0 : i32
          %scatter3A_163 = arith.constant 0 : i32
          %scatter3A_164 = tpu.memref_slice %arg16[%scan3A_138, %scatter3A, %scatter3A_163] : memref<10x32x65xf32, #tpu.memory_space<vmem>> -> memref<1x32x65xf32, #tpu.memory_space<vmem>>
          %scatter3A_165 = tpu.memref_squeeze %scatter3A_164 : memref<1x32x65xf32, #tpu.memory_space<vmem>> -> memref<32x65xf32, #tpu.memory_space<vmem>>
          tpu.vector_store_idx %scatter3A_165[%iota3A, %broadcast_in_dim3A_157], %get3A_159 : memref<32x65xf32, #tpu.memory_space<vmem>>[vector<16xi32>, vector<16xi32>], vector<16xf32>,
          %scatter3A_166 = arith.constant 0 : i32
          %scatter3A_167 = arith.constant 0 : i32
          %scatter3A_168 = tpu.memref_slice %arg16[%scan3A_138, %scatter3A_166, %scatter3A_167] : memref<10x32x65xf32, #tpu.memory_space<vmem>> -> memref<1x32x65xf32, #tpu.memory_space<vmem>>
          %scatter3A_169 = tpu.memref_squeeze %scatter3A_168 : memref<1x32x65xf32, #tpu.memory_space<vmem>> -> memref<32x65xf32, #tpu.memory_space<vmem>>
          tpu.vector_store_idx %scatter3A_169[%add3A_3, %broadcast_in_dim3A_157], %get3A_162 : memref<32x65xf32, #tpu.memory_space<vmem>>[vector<16xi32>, vector<16xi32>], vector<16xf32>,
          %add3A_170 = arith.constant 1 : i32
          %add3A_171 = arith.addi %add3A_150, %add3A_170 : i32
          %mul3A_172 = arith.constant 8 : i32
          %mul3A_173 = arith.muli %scan3A_147, %mul3A_172 : i32
          %add3A_174 = arith.constant 1 : i32
          %add3A_175 = arith.addi %mul3A_173, %add3A_174 : i32
          %broadcast_in_dim3A_176 = vector.broadcast %add3A_175 : i32 to vector<16xi32>
          %get3A_177 = arith.index_cast %add3A_171 : i32 to index
          %get3A_178 = arith.constant 0 : index
          %get3A_179 = tpu.vector_load %arg15[%get3A_177, %get3A_178] {strides = array<i32>} : memref<640x32xf32, #tpu.memory_space<vmem>>, vector<16xf32>,
          %get3A_180 = arith.index_cast %add3A_171 : i32 to index
          %get3A_181 = arith.constant 16 : index
          %get3A_182 = tpu.vector_load %arg15[%get3A_180, %get3A_181] {strides = array<i32>} : memref<640x32xf32, #tpu.memory_space<vmem>>, vector<16xf32>,
          %scatter3A_183 = arith.constant 0 : i32
          %scatter3A_184 = arith.constant 0 : i32
          %scatter3A_185 = tpu.memref_slice %arg16[%scan3A_138, %scatter3A_183, %scatter3A_184] : memref<10x32x65xf32, #tpu.memory_space<vmem>> -> memref<1x32x65xf32, #tpu.memory_space<vmem>>
          %scatter3A_186 = tpu.memref_squeeze %scatter3A_185 : memref<1x32x65xf32, #tpu.memory_space<vmem>> -> memref<32x65xf32, #tpu.memory_space<vmem>>
          tpu.vector_store_idx %scatter3A_186[%iota3A, %broadcast_in_dim3A_176], %get3A_179 : memref<32x65xf32, #tpu.memory_space<vmem>>[vector<16xi32>, vector<16xi32>], vector<16xf32>,
          %scatter3A_187 = arith.constant 0 : i32
          %scatter3A_188 = arith.constant 0 : i32
          %scatter3A_189 = tpu.memref_slice %arg16[%scan3A_138, %scatter3A_187, %scatter3A_188] : memref<10x32x65xf32, #tpu.memory_space<vmem>> -> memref<1x32x65xf32, #tpu.memory_space<vmem>>
          %scatter3A_190 = tpu.memref_squeeze %scatter3A_189 : memref<1x32x65xf32, #tpu.memory_space<vmem>> -> memref<32x65xf32, #tpu.memory_space<vmem>>
          tpu.vector_store_idx %scatter3A_190[%add3A_3, %broadcast_in_dim3A_176], %get3A_182 : memref<32x65xf32, #tpu.memory_space<vmem>>[vector<16xi32>, vector<16xi32>], vector<16xf32>,
          %add3A_191 = arith.constant 2 : i32
          %add3A_192 = arith.addi %add3A_150, %add3A_191 : i32
          %mul3A_193 = arith.constant 8 : i32
          %mul3A_194 = arith.muli %scan3A_147, %mul3A_193 : i32
          %add3A_195 = arith.constant 2 : i32
          %add3A_196 = arith.addi %mul3A_194, %add3A_195 : i32
          %broadcast_in_dim3A_197 = vector.broadcast %add3A_196 : i32 to vector<16xi32>
          %get3A_198 = arith.index_cast %add3A_192 : i32 to index
          %get3A_199 = arith.constant 0 : index
          %get3A_200 = tpu.vector_load %arg15[%get3A_198, %get3A_199] {strides = array<i32>} : memref<640x32xf32, #tpu.memory_space<vmem>>, vector<16xf32>,
          %get3A_201 = arith.index_cast %add3A_192 : i32 to index
          %get3A_202 = arith.constant 16 : index
          %get3A_203 = tpu.vector_load %arg15[%get3A_201, %get3A_202] {strides = array<i32>} : memref<640x32xf32, #tpu.memory_space<vmem>>, vector<16xf32>,
          %scatter3A_204 = arith.constant 0 : i32
          %scatter3A_205 = arith.constant 0 : i32
          %scatter3A_206 = tpu.memref_slice %arg16[%scan3A_138, %scatter3A_204, %scatter3A_205] : memref<10x32x65xf32, #tpu.memory_space<vmem>> -> memref<1x32x65xf32, #tpu.memory_space<vmem>>
          %scatter3A_207 = tpu.memref_squeeze %scatter3A_206 : memref<1x32x65xf32, #tpu.memory_space<vmem>> -> memref<32x65xf32, #tpu.memory_space<vmem>>
          tpu.vector_store_idx %scatter3A_207[%iota3A, %broadcast_in_dim3A_197], %get3A_200 : memref<32x65xf32, #tpu.memory_space<vmem>>[vector<16xi32>, vector<16xi32>], vector<16xf32>,
          %scatter3A_208 = arith.constant 0 : i32
          %scatter3A_209 = arith.constant 0 : i32
          %scatter3A_210 = tpu.memref_slice %arg16[%scan3A_138, %scatter3A_208, %scatter3A_209] : memref<10x32x65xf32, #tpu.memory_space<vmem>> -> memref<1x32x65xf32, #tpu.memory_space<vmem>>
          %scatter3A_211 = tpu.memref_squeeze %scatter3A_210 : memref<1x32x65xf32, #tpu.memory_space<vmem>> -> memref<32x65xf32, #tpu.memory_space<vmem>>
          tpu.vector_store_idx %scatter3A_211[%add3A_3, %broadcast_in_dim3A_197], %get3A_203 : memref<32x65xf32, #tpu.memory_space<vmem>>[vector<16xi32>, vector<16xi32>], vector<16xf32>,
          %add3A_212 = arith.constant 3 : i32
          %add3A_213 = arith.addi %add3A_150, %add3A_212 : i32
          %mul3A_214 = arith.constant 8 : i32
          %mul3A_215 = arith.muli %scan3A_147, %mul3A_214 : i32
          %add3A_216 = arith.constant 3 : i32
          %add3A_217 = arith.addi %mul3A_215, %add3A_216 : i32
          %broadcast_in_dim3A_218 = vector.broadcast %add3A_217 : i32 to vector<16xi32>
          %get3A_219 = arith.index_cast %add3A_213 : i32 to index
          %get3A_220 = arith.constant 0 : index
          %get3A_221 = tpu.vector_load %arg15[%get3A_219, %get3A_220] {strides = array<i32>} : memref<640x32xf32, #tpu.memory_space<vmem>>, vector<16xf32>,
          %get3A_222 = arith.index_cast %add3A_213 : i32 to index
          %get3A_223 = arith.constant 16 : index
          %get3A_224 = tpu.vector_load %arg15[%get3A_222, %get3A_223] {strides = array<i32>} : memref<640x32xf32, #tpu.memory_space<vmem>>, vector<16xf32>,
          %scatter3A_225 = arith.constant 0 : i32
          %scatter3A_226 = arith.constant 0 : i32
          %scatter3A_227 = tpu.memref_slice %arg16[%scan3A_138, %scatter3A_225, %scatter3A_226] : memref<10x32x65xf32, #tpu.memory_space<vmem>> -> memref<1x32x65xf32, #tpu.memory_space<vmem>>
          %scatter3A_228 = tpu.memref_squeeze %scatter3A_227 : memref<1x32x65xf32, #tpu.memory_space<vmem>> -> memref<32x65xf32, #tpu.memory_space<vmem>>
          tpu.vector_store_idx %scatter3A_228[%iota3A, %broadcast_in_dim3A_218], %get3A_221 : memref<32x65xf32, #tpu.memory_space<vmem>>[vector<16xi32>, vector<16xi32>], vector<16xf32>,
          %scatter3A_229 = arith.constant 0 : i32
          %scatter3A_230 = arith.constant 0 : i32
          %scatter3A_231 = tpu.memref_slice %arg16[%scan3A_138, %scatter3A_229, %scatter3A_230] : memref<10x32x65xf32, #tpu.memory_space<vmem>> -> memref<1x32x65xf32, #tpu.memory_space<vmem>>
          %scatter3A_232 = tpu.memref_squeeze %scatter3A_231 : memref<1x32x65xf32, #tpu.memory_space<vmem>> -> memref<32x65xf32, #tpu.memory_space<vmem>>
          tpu.vector_store_idx %scatter3A_232[%add3A_3, %broadcast_in_dim3A_218], %get3A_224 : memref<32x65xf32, #tpu.memory_space<vmem>>[vector<16xi32>, vector<16xi32>], vector<16xf32>,
          %add3A_233 = arith.constant 4 : i32
          %add3A_234 = arith.addi %add3A_150, %add3A_233 : i32
          %mul3A_235 = arith.constant 8 : i32
          %mul3A_236 = arith.muli %scan3A_147, %mul3A_235 : i32
          %add3A_237 = arith.constant 4 : i32
          %add3A_238 = arith.addi %mul3A_236, %add3A_237 : i32
          %broadcast_in_dim3A_239 = vector.broadcast %add3A_238 : i32 to vector<16xi32>
          %get3A_240 = arith.index_cast %add3A_234 : i32 to index
          %get3A_241 = arith.constant 0 : index
          %get3A_242 = tpu.vector_load %arg15[%get3A_240, %get3A_241] {strides = array<i32>} : memref<640x32xf32, #tpu.memory_space<vmem>>, vector<16xf32>,
          %get3A_243 = arith.index_cast %add3A_234 : i32 to index
          %get3A_244 = arith.constant 16 : index
          %get3A_245 = tpu.vector_load %arg15[%get3A_243, %get3A_244] {strides = array<i32>} : memref<640x32xf32, #tpu.memory_space<vmem>>, vector<16xf32>,
          %scatter3A_246 = arith.constant 0 : i32
          %scatter3A_247 = arith.constant 0 : i32
          %scatter3A_248 = tpu.memref_slice %arg16[%scan3A_138, %scatter3A_246, %scatter3A_247] : memref<10x32x65xf32, #tpu.memory_space<vmem>> -> memref<1x32x65xf32, #tpu.memory_space<vmem>>
          %scatter3A_249 = tpu.memref_squeeze %scatter3A_248 : memref<1x32x65xf32, #tpu.memory_space<vmem>> -> memref<32x65xf32, #tpu.memory_space<vmem>>
          tpu.vector_store_idx %scatter3A_249[%iota3A, %broadcast_in_dim3A_239], %get3A_242 : memref<32x65xf32, #tpu.memory_space<vmem>>[vector<16xi32>, vector<16xi32>], vector<16xf32>,
          %scatter3A_250 = arith.constant 0 : i32
          %scatter3A_251 = arith.constant 0 : i32
          %scatter3A_252 = tpu.memref_slice %arg16[%scan3A_138, %scatter3A_250, %scatter3A_251] : memref<10x32x65xf32, #tpu.memory_space<vmem>> -> memref<1x32x65xf32, #tpu.memory_space<vmem>>
          %scatter3A_253 = tpu.memref_squeeze %scatter3A_252 : memref<1x32x65xf32, #tpu.memory_space<vmem>> -> memref<32x65xf32, #tpu.memory_space<vmem>>
          tpu.vector_store_idx %scatter3A_253[%add3A_3, %broadcast_in_dim3A_239], %get3A_245 : memref<32x65xf32, #tpu.memory_space<vmem>>[vector<16xi32>, vector<16xi32>], vector<16xf32>,
          %add3A_254 = arith.constant 5 : i32
          %add3A_255 = arith.addi %add3A_150, %add3A_254 : i32
          %mul3A_256 = arith.constant 8 : i32
          %mul3A_257 = arith.muli %scan3A_147, %mul3A_256 : i32
          %add3A_258 = arith.constant 5 : i32
          %add3A_259 = arith.addi %mul3A_257, %add3A_258 : i32
          %broadcast_in_dim3A_260 = vector.broadcast %add3A_259 : i32 to vector<16xi32>
          %get3A_261 = arith.index_cast %add3A_255 : i32 to index
          %get3A_262 = arith.constant 0 : index
          %get3A_263 = tpu.vector_load %arg15[%get3A_261, %get3A_262] {strides = array<i32>} : memref<640x32xf32, #tpu.memory_space<vmem>>, vector<16xf32>,
          %get3A_264 = arith.index_cast %add3A_255 : i32 to index
          %get3A_265 = arith.constant 16 : index
          %get3A_266 = tpu.vector_load %arg15[%get3A_264, %get3A_265] {strides = array<i32>} : memref<640x32xf32, #tpu.memory_space<vmem>>, vector<16xf32>,
          %scatter3A_267 = arith.constant 0 : i32
          %scatter3A_268 = arith.constant 0 : i32
          %scatter3A_269 = tpu.memref_slice %arg16[%scan3A_138, %scatter3A_267, %scatter3A_268] : memref<10x32x65xf32, #tpu.memory_space<vmem>> -> memref<1x32x65xf32, #tpu.memory_space<vmem>>
          %scatter3A_270 = tpu.memref_squeeze %scatter3A_269 : memref<1x32x65xf32, #tpu.memory_space<vmem>> -> memref<32x65xf32, #tpu.memory_space<vmem>>
          tpu.vector_store_idx %scatter3A_270[%iota3A, %broadcast_in_dim3A_260], %get3A_263 : memref<32x65xf32, #tpu.memory_space<vmem>>[vector<16xi32>, vector<16xi32>], vector<16xf32>,
          %scatter3A_271 = arith.constant 0 : i32
          %scatter3A_272 = arith.constant 0 : i32
          %scatter3A_273 = tpu.memref_slice %arg16[%scan3A_138, %scatter3A_271, %scatter3A_272] : memref<10x32x65xf32, #tpu.memory_space<vmem>> -> memref<1x32x65xf32, #tpu.memory_space<vmem>>
          %scatter3A_274 = tpu.memref_squeeze %scatter3A_273 : memref<1x32x65xf32, #tpu.memory_space<vmem>> -> memref<32x65xf32, #tpu.memory_space<vmem>>
          tpu.vector_store_idx %scatter3A_274[%add3A_3, %broadcast_in_dim3A_260], %get3A_266 : memref<32x65xf32, #tpu.memory_space<vmem>>[vector<16xi32>, vector<16xi32>], vector<16xf32>,
          %add3A_275 = arith.constant 6 : i32
          %add3A_276 = arith.addi %add3A_150, %add3A_275 : i32
          %mul3A_277 = arith.constant 8 : i32
          %mul3A_278 = arith.muli %scan3A_147, %mul3A_277 : i32
          %add3A_279 = arith.constant 6 : i32
          %add3A_280 = arith.addi %mul3A_278, %add3A_279 : i32
          %broadcast_in_dim3A_281 = vector.broadcast %add3A_280 : i32 to vector<16xi32>
          %get3A_282 = arith.index_cast %add3A_276 : i32 to index
          %get3A_283 = arith.constant 0 : index
          %get3A_284 = tpu.vector_load %arg15[%get3A_282, %get3A_283] {strides = array<i32>} : memref<640x32xf32, #tpu.memory_space<vmem>>, vector<16xf32>,
          %get3A_285 = arith.index_cast %add3A_276 : i32 to index
          %get3A_286 = arith.constant 16 : index
          %get3A_287 = tpu.vector_load %arg15[%get3A_285, %get3A_286] {strides = array<i32>} : memref<640x32xf32, #tpu.memory_space<vmem>>, vector<16xf32>,
          %scatter3A_288 = arith.constant 0 : i32
          %scatter3A_289 = arith.constant 0 : i32
          %scatter3A_290 = tpu.memref_slice %arg16[%scan3A_138, %scatter3A_288, %scatter3A_289] : memref<10x32x65xf32, #tpu.memory_space<vmem>> -> memref<1x32x65xf32, #tpu.memory_space<vmem>>
          %scatter3A_291 = tpu.memref_squeeze %scatter3A_290 : memref<1x32x65xf32, #tpu.memory_space<vmem>> -> memref<32x65xf32, #tpu.memory_space<vmem>>
          tpu.vector_store_idx %scatter3A_291[%iota3A, %broadcast_in_dim3A_281], %get3A_284 : memref<32x65xf32, #tpu.memory_space<vmem>>[vector<16xi32>, vector<16xi32>], vector<16xf32>,
          %scatter3A_292 = arith.constant 0 : i32
          %scatter3A_293 = arith.constant 0 : i32
          %scatter3A_294 = tpu.memref_slice %arg16[%scan3A_138, %scatter3A_292, %scatter3A_293] : memref<10x32x65xf32, #tpu.memory_space<vmem>> -> memref<1x32x65xf32, #tpu.memory_space<vmem>>
          %scatter3A_295 = tpu.memref_squeeze %scatter3A_294 : memref<1x32x65xf32, #tpu.memory_space<vmem>> -> memref<32x65xf32, #tpu.memory_space<vmem>>
          tpu.vector_store_idx %scatter3A_295[%add3A_3, %broadcast_in_dim3A_281], %get3A_287 : memref<32x65xf32, #tpu.memory_space<vmem>>[vector<16xi32>, vector<16xi32>], vector<16xf32>,
          %add3A_296 = arith.constant 7 : i32
          %add3A_297 = arith.addi %add3A_150, %add3A_296 : i32
          %mul3A_298 = arith.constant 8 : i32
          %mul3A_299 = arith.muli %scan3A_147, %mul3A_298 : i32
          %add3A_300 = arith.constant 7 : i32
          %add3A_301 = arith.addi %mul3A_299, %add3A_300 : i32
          %broadcast_in_dim3A_302 = vector.broadcast %add3A_301 : i32 to vector<16xi32>
          %get3A_303 = arith.index_cast %add3A_297 : i32 to index
          %get3A_304 = arith.constant 0 : index
          %get3A_305 = tpu.vector_load %arg15[%get3A_303, %get3A_304] {strides = array<i32>} : memref<640x32xf32, #tpu.memory_space<vmem>>, vector<16xf32>,
          %get3A_306 = arith.index_cast %add3A_297 : i32 to index
          %get3A_307 = arith.constant 16 : index
          %get3A_308 = tpu.vector_load %arg15[%get3A_306, %get3A_307] {strides = array<i32>} : memref<640x32xf32, #tpu.memory_space<vmem>>, vector<16xf32>,
          %scatter3A_309 = arith.constant 0 : i32
          %scatter3A_310 = arith.constant 0 : i32
          %scatter3A_311 = tpu.memref_slice %arg16[%scan3A_138, %scatter3A_309, %scatter3A_310] : memref<10x32x65xf32, #tpu.memory_space<vmem>> -> memref<1x32x65xf32, #tpu.memory_space<vmem>>
          %scatter3A_312 = tpu.memref_squeeze %scatter3A_311 : memref<1x32x65xf32, #tpu.memory_space<vmem>> -> memref<32x65xf32, #tpu.memory_space<vmem>>
          tpu.vector_store_idx %scatter3A_312[%iota3A, %broadcast_in_dim3A_302], %get3A_305 : memref<32x65xf32, #tpu.memory_space<vmem>>[vector<16xi32>, vector<16xi32>], vector<16xf32>,
          %scatter3A_313 = arith.constant 0 : i32
          %scatter3A_314 = arith.constant 0 : i32
          %scatter3A_315 = tpu.memref_slice %arg16[%scan3A_138, %scatter3A_313, %scatter3A_314] : memref<10x32x65xf32, #tpu.memory_space<vmem>> -> memref<1x32x65xf32, #tpu.memory_space<vmem>>
          %scatter3A_316 = tpu.memref_squeeze %scatter3A_315 : memref<1x32x65xf32, #tpu.memory_space<vmem>> -> memref<32x65xf32, #tpu.memory_space<vmem>>
          tpu.vector_store_idx %scatter3A_316[%add3A_3, %broadcast_in_dim3A_302], %get3A_308 : memref<32x65xf32, #tpu.memory_space<vmem>>[vector<16xi32>, vector<16xi32>], vector<16xf32>,
        }
        %scan3A_146 = arith.constant 8 : i32
      }
      %scan3A_83 = arith.constant 10 : i32
      "tpu.region"() ({
        %run_scoped3A = tpu.sem_alloc : memref<!tpu.dma_semaphore, #tpu.memory_space<semaphore_mem>>
        %dma_start3A_138 = arith.constant 0 : i32
        %dma_start3A_139 = arith.constant 0 : i32
        %dma_start3A_140 = arith.constant 0 : i32
        %dma_start3A_141 = tpu.memref_slice %arg16[%dma_start3A_138, %dma_start3A_139, %dma_start3A_140] : memref<10x32x65xf32, #tpu.memory_space<vmem>> -> memref<10x32x64xf32, #tpu.memory_space<vmem>>
        %dma_start3A_142 = arith.constant 10 : i32
        %dma_start3A_143 = arith.constant 0 : i32
        %dma_start3A_144 = tpu.memref_slice %arg6[%dma_start3A_142, %dma_start3A_143, %add3A_15] : memref<50x32x16384xf32, #tpu.memory_space<hbm>> -> memref<10x32x64xf32, #tpu.memory_space<hbm>>
        %dma_start3A_145 = arith.constant 10 : i32
        %dma_start3A_146 = arith.constant 0 : i32
        %dma_start3A_147 = tpu.memref_slice %arg6[%dma_start3A_145, %dma_start3A_146, %add3A_15] : memref<50x32x16384xf32, #tpu.memory_space<hbm>> -> memref<10x32x64xf32, #tpu.memory_space<hbm>>
        %dma_start3A_148 = arith.constant 0 : i32
        %dma_start3A_149 = arith.constant 0 : i32
        %dma_start3A_150 = arith.constant 0 : i32
        %dma_start3A_151 = tpu.memref_slice %arg16[%dma_start3A_148, %dma_start3A_149, %dma_start3A_150] : memref<10x32x65xf32, #tpu.memory_space<vmem>> -> memref<10x32x64xf32, #tpu.memory_space<vmem>>
        tpu.enqueue_dma source(%dma_start3A_151 : memref<10x32x64xf32, #tpu.memory_space<vmem>>) target(%dma_start3A_147 : memref<10x32x64xf32, #tpu.memory_space<hbm>>) target_semaphore(%run_scoped3A : memref<!tpu.dma_semaphore, #tpu.memory_space<semaphore_mem>>)
        %dma_wait3A_152 = arith.constant 0 : i32
        %dma_wait3A_153 = arith.constant 0 : i32
        %dma_wait3A_154 = arith.constant 0 : i32
        %dma_wait3A_155 = tpu.memref_slice %arg16[%dma_wait3A_152, %dma_wait3A_153, %dma_wait3A_154] : memref<10x32x65xf32, #tpu.memory_space<vmem>> -> memref<10x32x64xf32, #tpu.memory_space<vmem>>
        %dma_wait3A_156 = arith.constant 10 : i32
        %dma_wait3A_157 = arith.constant 0 : i32
        %dma_wait3A_158 = tpu.memref_slice %arg6[%dma_wait3A_156, %dma_wait3A_157, %add3A_15] : memref<50x32x16384xf32, #tpu.memory_space<hbm>> -> memref<10x32x64xf32, #tpu.memory_space<hbm>>
        %dma_wait3A_159 = arith.constant 10 : i32
        %dma_wait3A_160 = arith.constant 0 : i32
        %dma_wait3A_161 = tpu.memref_slice %arg6[%dma_wait3A_159, %dma_wait3A_160, %add3A_15] : memref<50x32x16384xf32, #tpu.memory_space<hbm>> -> memref<10x32x64xf32, #tpu.memory_space<hbm>>
        %dma_wait3A_162 = arith.constant 0 : i32
        %dma_wait3A_163 = arith.constant 0 : i32
        %dma_wait3A_164 = arith.constant 0 : i32
        %dma_wait3A_165 = tpu.memref_slice %arg16[%dma_wait3A_162, %dma_wait3A_163, %dma_wait3A_164] : memref<10x32x65xf32, #tpu.memory_space<vmem>> -> memref<10x32x64xf32, #tpu.memory_space<vmem>>
        tpu.wait_dma2 semaphore(%run_scoped3A : memref<!tpu.dma_semaphore, #tpu.memory_space<semaphore_mem>>) src(%dma_wait3A_165 : memref<10x32x64xf32, #tpu.memory_space<vmem>>) dst(%dma_wait3A_161 : memref<10x32x64xf32, #tpu.memory_space<hbm>>)
        tpu.yield
      }) : () -> ()
      %scan3A_84 = arith.constant 0 : i32
      %scan3A_85 = arith.constant 0 : i32
      %scan3A_86 = arith.constant 10 : i32
      %scan3A_87 = arith.addi %scan3A_85, %scan3A_86 : i32
      %scan3A_88 = arith.constant 1 : i32
      scf.for %scan3A_138 = %scan3A_85 to %scan3A_87 step %scan3A_88  : i32 {
        %add3A_139 = arith.constant 30 : i32
        %add3A_140 = arith.addi %add3A_139, %scan3A_138 : i32
        %broadcast_in_dim3A_141 = vector.broadcast %add3A_140 : i32 to vector<16xi32>
        %add3A_142 = arith.constant 0 : i32
        %add3A_143 = vector.broadcast %add3A_142 : i32 to vector<16xi32>
        %add3A_144 = arith.addi %iota3A, %add3A_143 : vector<16xi32>
        %gather3A_145 = tpu.vector_load_idx %arg7[%add3A_144, %broadcast_in_dim3A_141] : memref<64x50xi32, #tpu.memory_space<vmem>>[vector<16xi32>, vector<16xi32>], vector<16xi32>,
        %mul3A_146 = arith.constant 64 : i32
        %mul3A_147 = arith.muli %scan3A_138, %mul3A_146 : i32
        %add3A_148 = arith.constant 0 : i32
        %add3A_149 = arith.addi %mul3A_147, %add3A_148 : i32
        %swap3A_150 = arith.index_cast %add3A_149 : i32 to index
        %swap3A_151 = tpu.vector_load %arg13[%swap3A_150] {strides = array<i32>} : memref<640xi32, #tpu.memory_space<vmem>>, vector<16xi32>,
        tpu.vector_store %arg13[%swap3A_150], %gather3A_145 {strides = array<i32>} : memref<640xi32, #tpu.memory_space<vmem>>, vector<16xi32>,
        %add3A_152 = arith.constant 16 : i32
        %add3A_153 = vector.broadcast %add3A_152 : i32 to vector<16xi32>
        %add3A_154 = arith.addi %iota3A, %add3A_153 : vector<16xi32>
        %gather3A_155 = tpu.vector_load_idx %arg7[%add3A_154, %broadcast_in_dim3A_141] : memref<64x50xi32, #tpu.memory_space<vmem>>[vector<16xi32>, vector<16xi32>], vector<16xi32>,
        %mul3A_156 = arith.constant 64 : i32
        %mul3A_157 = arith.muli %scan3A_138, %mul3A_156 : i32
        %add3A_158 = arith.constant 16 : i32
        %add3A_159 = arith.addi %mul3A_157, %add3A_158 : i32
        %swap3A_160 = arith.index_cast %add3A_159 : i32 to index
        %swap3A_161 = tpu.vector_load %arg13[%swap3A_160] {strides = array<i32>} : memref<640xi32, #tpu.memory_space<vmem>>, vector<16xi32>,
        tpu.vector_store %arg13[%swap3A_160], %gather3A_155 {strides = array<i32>} : memref<640xi32, #tpu.memory_space<vmem>>, vector<16xi32>,
        %add3A_162 = arith.constant 32 : i32
        %add3A_163 = vector.broadcast %add3A_162 : i32 to vector<16xi32>
        %add3A_164 = arith.addi %iota3A, %add3A_163 : vector<16xi32>
        %gather3A_165 = tpu.vector_load_idx %arg7[%add3A_164, %broadcast_in_dim3A_141] : memref<64x50xi32, #tpu.memory_space<vmem>>[vector<16xi32>, vector<16xi32>], vector<16xi32>,
        %mul3A_166 = arith.constant 64 : i32
        %mul3A_167 = arith.muli %scan3A_138, %mul3A_166 : i32
        %add3A_168 = arith.constant 32 : i32
        %add3A_169 = arith.addi %mul3A_167, %add3A_168 : i32
        %swap3A_170 = arith.index_cast %add3A_169 : i32 to index
        %swap3A_171 = tpu.vector_load %arg13[%swap3A_170] {strides = array<i32>} : memref<640xi32, #tpu.memory_space<vmem>>, vector<16xi32>,
        tpu.vector_store %arg13[%swap3A_170], %gather3A_165 {strides = array<i32>} : memref<640xi32, #tpu.memory_space<vmem>>, vector<16xi32>,
        %add3A_172 = arith.constant 48 : i32
        %add3A_173 = vector.broadcast %add3A_172 : i32 to vector<16xi32>
        %add3A_174 = arith.addi %iota3A, %add3A_173 : vector<16xi32>
        %gather3A_175 = tpu.vector_load_idx %arg7[%add3A_174, %broadcast_in_dim3A_141] : memref<64x50xi32, #tpu.memory_space<vmem>>[vector<16xi32>, vector<16xi32>], vector<16xi32>,
        %mul3A_176 = arith.constant 64 : i32
        %mul3A_177 = arith.muli %scan3A_138, %mul3A_176 : i32
        %add3A_178 = arith.constant 48 : i32
        %add3A_179 = arith.addi %mul3A_177, %add3A_178 : i32
        %swap3A_180 = arith.index_cast %add3A_179 : i32 to index
        %swap3A_181 = tpu.vector_load %arg13[%swap3A_180] {strides = array<i32>} : memref<640xi32, #tpu.memory_space<vmem>>, vector<16xi32>,
        tpu.vector_store %arg13[%swap3A_180], %gather3A_175 {strides = array<i32>} : memref<640xi32, #tpu.memory_space<vmem>>, vector<16xi32>,
      }
      %scan3A_89 = arith.constant 10 : i32
      %dma_start3A_90 = arith.constant 0 : i32
      %dma_start3A_91 = arith.constant 0 : i32
      %dma_start3A_92 = tpu.memref_slice %arg2[%dma_start3A_90, %dma_start3A_91] : memref<1000000x32xf32, #tpu.memory_space<hbm>> -> memref<1000000x32xf32, #tpu.memory_space<hbm>>
      tpu.enqueue_indirect_dma source(%dma_start3A_92 : memref<1000000x32xf32, #tpu.memory_space<hbm>>) target(%arg15 : memref<640x32xf32, #tpu.memory_space<vmem>>) offsets(%arg13 : memref<640xi32, #tpu.memory_space<vmem>>) semaphore(%arg19 : memref<!tpu.dma_semaphore, #tpu.memory_space<semaphore_mem>>)
      %dma_wait3A_93 = arith.constant 0 : i32
      %dma_wait3A_94 = arith.constant 0 : i32
      %dma_wait3A_95 = tpu.memref_slice %arg2[%dma_wait3A_93, %dma_wait3A_94] : memref<1000000x32xf32, #tpu.memory_space<hbm>> -> memref<1000000x32xf32, #tpu.memory_space<hbm>>
      tpu.wait_indirect_dma semaphore(%arg18 : memref<!tpu.dma_semaphore, #tpu.memory_space<semaphore_mem>>) src(%dma_wait3A_95 : memref<1000000x32xf32, #tpu.memory_space<hbm>>) dst(%arg14 : memref<640x32xf32, #tpu.memory_space<vmem>>)
      %scan3A_96 = arith.constant 0 : i32
      %scan3A_97 = arith.constant 0 : i32
      %scan3A_98 = arith.constant 10 : i32
      %scan3A_99 = arith.addi %scan3A_97, %scan3A_98 : i32
      %scan3A_100 = arith.constant 1 : i32
      scf.for %scan3A_138 = %scan3A_97 to %scan3A_99 step %scan3A_100  : i32 {
        %mul3A_139 = arith.constant 64 : i32
        %mul3A_140 = arith.muli %scan3A_138, %mul3A_139 : i32
        %scan3A_141 = arith.constant 0 : i32
        %scan3A_142 = arith.constant 0 : i32
        %scan3A_143 = arith.constant 8 : i32
        %scan3A_144 = arith.addi %scan3A_142, %scan3A_143 : i32
        %scan3A_145 = arith.constant 1 : i32
        scf.for %scan3A_147 = %scan3A_142 to %scan3A_144 step %scan3A_145  : i32 {
          %mul3A_148 = arith.constant 8 : i32
          %mul3A_149 = arith.muli %scan3A_147, %mul3A_148 : i32
          %add3A_150 = arith.addi %mul3A_140, %mul3A_149 : i32
          %add3A_151 = arith.constant 0 : i32
          %add3A_152 = arith.addi %add3A_150, %add3A_151 : i32
          %mul3A_153 = arith.constant 8 : i32
          %mul3A_154 = arith.muli %scan3A_147, %mul3A_153 : i32
          %add3A_155 = arith.constant 0 : i32
          %add3A_156 = arith.addi %mul3A_154, %add3A_155 : i32
          %broadcast_in_dim3A_157 = vector.broadcast %add3A_156 : i32 to vector<16xi32>
          %get3A = arith.index_cast %add3A_152 : i32 to index
          %get3A_158 = arith.constant 0 : index
          %get3A_159 = tpu.vector_load %arg14[%get3A, %get3A_158] {strides = array<i32>} : memref<640x32xf32, #tpu.memory_space<vmem>>, vector<16xf32>,
          %get3A_160 = arith.index_cast %add3A_152 : i32 to index
          %get3A_161 = arith.constant 16 : index
          %get3A_162 = tpu.vector_load %arg14[%get3A_160, %get3A_161] {strides = array<i32>} : memref<640x32xf32, #tpu.memory_space<vmem>>, vector<16xf32>,
          %scatter3A = arith.constant 0 : i32
          %scatter3A_163 = arith.constant 0 : i32
          %scatter3A_164 = tpu.memref_slice %arg16[%scan3A_138, %scatter3A, %scatter3A_163] : memref<10x32x65xf32, #tpu.memory_space<vmem>> -> memref<1x32x65xf32, #tpu.memory_space<vmem>>
          %scatter3A_165 = tpu.memref_squeeze %scatter3A_164 : memref<1x32x65xf32, #tpu.memory_space<vmem>> -> memref<32x65xf32, #tpu.memory_space<vmem>>
          tpu.vector_store_idx %scatter3A_165[%iota3A, %broadcast_in_dim3A_157], %get3A_159 : memref<32x65xf32, #tpu.memory_space<vmem>>[vector<16xi32>, vector<16xi32>], vector<16xf32>,
          %scatter3A_166 = arith.constant 0 : i32
          %scatter3A_167 = arith.constant 0 : i32
          %scatter3A_168 = tpu.memref_slice %arg16[%scan3A_138, %scatter3A_166, %scatter3A_167] : memref<10x32x65xf32, #tpu.memory_space<vmem>> -> memref<1x32x65xf32, #tpu.memory_space<vmem>>
          %scatter3A_169 = tpu.memref_squeeze %scatter3A_168 : memref<1x32x65xf32, #tpu.memory_space<vmem>> -> memref<32x65xf32, #tpu.memory_space<vmem>>
          tpu.vector_store_idx %scatter3A_169[%add3A_3, %broadcast_in_dim3A_157], %get3A_162 : memref<32x65xf32, #tpu.memory_space<vmem>>[vector<16xi32>, vector<16xi32>], vector<16xf32>,
          %add3A_170 = arith.constant 1 : i32
          %add3A_171 = arith.addi %add3A_150, %add3A_170 : i32
          %mul3A_172 = arith.constant 8 : i32
          %mul3A_173 = arith.muli %scan3A_147, %mul3A_172 : i32
          %add3A_174 = arith.constant 1 : i32
          %add3A_175 = arith.addi %mul3A_173, %add3A_174 : i32
          %broadcast_in_dim3A_176 = vector.broadcast %add3A_175 : i32 to vector<16xi32>
          %get3A_177 = arith.index_cast %add3A_171 : i32 to index
          %get3A_178 = arith.constant 0 : index
          %get3A_179 = tpu.vector_load %arg14[%get3A_177, %get3A_178] {strides = array<i32>} : memref<640x32xf32, #tpu.memory_space<vmem>>, vector<16xf32>,
          %get3A_180 = arith.index_cast %add3A_171 : i32 to index
          %get3A_181 = arith.constant 16 : index
          %get3A_182 = tpu.vector_load %arg14[%get3A_180, %get3A_181] {strides = array<i32>} : memref<640x32xf32, #tpu.memory_space<vmem>>, vector<16xf32>,
          %scatter3A_183 = arith.constant 0 : i32
          %scatter3A_184 = arith.constant 0 : i32
          %scatter3A_185 = tpu.memref_slice %arg16[%scan3A_138, %scatter3A_183, %scatter3A_184] : memref<10x32x65xf32, #tpu.memory_space<vmem>> -> memref<1x32x65xf32, #tpu.memory_space<vmem>>
          %scatter3A_186 = tpu.memref_squeeze %scatter3A_185 : memref<1x32x65xf32, #tpu.memory_space<vmem>> -> memref<32x65xf32, #tpu.memory_space<vmem>>
          tpu.vector_store_idx %scatter3A_186[%iota3A, %broadcast_in_dim3A_176], %get3A_179 : memref<32x65xf32, #tpu.memory_space<vmem>>[vector<16xi32>, vector<16xi32>], vector<16xf32>,
          %scatter3A_187 = arith.constant 0 : i32
          %scatter3A_188 = arith.constant 0 : i32
          %scatter3A_189 = tpu.memref_slice %arg16[%scan3A_138, %scatter3A_187, %scatter3A_188] : memref<10x32x65xf32, #tpu.memory_space<vmem>> -> memref<1x32x65xf32, #tpu.memory_space<vmem>>
          %scatter3A_190 = tpu.memref_squeeze %scatter3A_189 : memref<1x32x65xf32, #tpu.memory_space<vmem>> -> memref<32x65xf32, #tpu.memory_space<vmem>>
          tpu.vector_store_idx %scatter3A_190[%add3A_3, %broadcast_in_dim3A_176], %get3A_182 : memref<32x65xf32, #tpu.memory_space<vmem>>[vector<16xi32>, vector<16xi32>], vector<16xf32>,
          %add3A_191 = arith.constant 2 : i32
          %add3A_192 = arith.addi %add3A_150, %add3A_191 : i32
          %mul3A_193 = arith.constant 8 : i32
          %mul3A_194 = arith.muli %scan3A_147, %mul3A_193 : i32
          %add3A_195 = arith.constant 2 : i32
          %add3A_196 = arith.addi %mul3A_194, %add3A_195 : i32
          %broadcast_in_dim3A_197 = vector.broadcast %add3A_196 : i32 to vector<16xi32>
          %get3A_198 = arith.index_cast %add3A_192 : i32 to index
          %get3A_199 = arith.constant 0 : index
          %get3A_200 = tpu.vector_load %arg14[%get3A_198, %get3A_199] {strides = array<i32>} : memref<640x32xf32, #tpu.memory_space<vmem>>, vector<16xf32>,
          %get3A_201 = arith.index_cast %add3A_192 : i32 to index
          %get3A_202 = arith.constant 16 : index
          %get3A_203 = tpu.vector_load %arg14[%get3A_201, %get3A_202] {strides = array<i32>} : memref<640x32xf32, #tpu.memory_space<vmem>>, vector<16xf32>,
          %scatter3A_204 = arith.constant 0 : i32
          %scatter3A_205 = arith.constant 0 : i32
          %scatter3A_206 = tpu.memref_slice %arg16[%scan3A_138, %scatter3A_204, %scatter3A_205] : memref<10x32x65xf32, #tpu.memory_space<vmem>> -> memref<1x32x65xf32, #tpu.memory_space<vmem>>
          %scatter3A_207 = tpu.memref_squeeze %scatter3A_206 : memref<1x32x65xf32, #tpu.memory_space<vmem>> -> memref<32x65xf32, #tpu.memory_space<vmem>>
          tpu.vector_store_idx %scatter3A_207[%iota3A, %broadcast_in_dim3A_197], %get3A_200 : memref<32x65xf32, #tpu.memory_space<vmem>>[vector<16xi32>, vector<16xi32>], vector<16xf32>,
          %scatter3A_208 = arith.constant 0 : i32
          %scatter3A_209 = arith.constant 0 : i32
          %scatter3A_210 = tpu.memref_slice %arg16[%scan3A_138, %scatter3A_208, %scatter3A_209] : memref<10x32x65xf32, #tpu.memory_space<vmem>> -> memref<1x32x65xf32, #tpu.memory_space<vmem>>
          %scatter3A_211 = tpu.memref_squeeze %scatter3A_210 : memref<1x32x65xf32, #tpu.memory_space<vmem>> -> memref<32x65xf32, #tpu.memory_space<vmem>>
          tpu.vector_store_idx %scatter3A_211[%add3A_3, %broadcast_in_dim3A_197], %get3A_203 : memref<32x65xf32, #tpu.memory_space<vmem>>[vector<16xi32>, vector<16xi32>], vector<16xf32>,
          %add3A_212 = arith.constant 3 : i32
          %add3A_213 = arith.addi %add3A_150, %add3A_212 : i32
          %mul3A_214 = arith.constant 8 : i32
          %mul3A_215 = arith.muli %scan3A_147, %mul3A_214 : i32
          %add3A_216 = arith.constant 3 : i32
          %add3A_217 = arith.addi %mul3A_215, %add3A_216 : i32
          %broadcast_in_dim3A_218 = vector.broadcast %add3A_217 : i32 to vector<16xi32>
          %get3A_219 = arith.index_cast %add3A_213 : i32 to index
          %get3A_220 = arith.constant 0 : index
          %get3A_221 = tpu.vector_load %arg14[%get3A_219, %get3A_220] {strides = array<i32>} : memref<640x32xf32, #tpu.memory_space<vmem>>, vector<16xf32>,
          %get3A_222 = arith.index_cast %add3A_213 : i32 to index
          %get3A_223 = arith.constant 16 : index
          %get3A_224 = tpu.vector_load %arg14[%get3A_222, %get3A_223] {strides = array<i32>} : memref<640x32xf32, #tpu.memory_space<vmem>>, vector<16xf32>,
          %scatter3A_225 = arith.constant 0 : i32
          %scatter3A_226 = arith.constant 0 : i32
          %scatter3A_227 = tpu.memref_slice %arg16[%scan3A_138, %scatter3A_225, %scatter3A_226] : memref<10x32x65xf32, #tpu.memory_space<vmem>> -> memref<1x32x65xf32, #tpu.memory_space<vmem>>
          %scatter3A_228 = tpu.memref_squeeze %scatter3A_227 : memref<1x32x65xf32, #tpu.memory_space<vmem>> -> memref<32x65xf32, #tpu.memory_space<vmem>>
          tpu.vector_store_idx %scatter3A_228[%iota3A, %broadcast_in_dim3A_218], %get3A_221 : memref<32x65xf32, #tpu.memory_space<vmem>>[vector<16xi32>, vector<16xi32>], vector<16xf32>,
          %scatter3A_229 = arith.constant 0 : i32
          %scatter3A_230 = arith.constant 0 : i32
          %scatter3A_231 = tpu.memref_slice %arg16[%scan3A_138, %scatter3A_229, %scatter3A_230] : memref<10x32x65xf32, #tpu.memory_space<vmem>> -> memref<1x32x65xf32, #tpu.memory_space<vmem>>
          %scatter3A_232 = tpu.memref_squeeze %scatter3A_231 : memref<1x32x65xf32, #tpu.memory_space<vmem>> -> memref<32x65xf32, #tpu.memory_space<vmem>>
          tpu.vector_store_idx %scatter3A_232[%add3A_3, %broadcast_in_dim3A_218], %get3A_224 : memref<32x65xf32, #tpu.memory_space<vmem>>[vector<16xi32>, vector<16xi32>], vector<16xf32>,
          %add3A_233 = arith.constant 4 : i32
          %add3A_234 = arith.addi %add3A_150, %add3A_233 : i32
          %mul3A_235 = arith.constant 8 : i32
          %mul3A_236 = arith.muli %scan3A_147, %mul3A_235 : i32
          %add3A_237 = arith.constant 4 : i32
          %add3A_238 = arith.addi %mul3A_236, %add3A_237 : i32
          %broadcast_in_dim3A_239 = vector.broadcast %add3A_238 : i32 to vector<16xi32>
          %get3A_240 = arith.index_cast %add3A_234 : i32 to index
          %get3A_241 = arith.constant 0 : index
          %get3A_242 = tpu.vector_load %arg14[%get3A_240, %get3A_241] {strides = array<i32>} : memref<640x32xf32, #tpu.memory_space<vmem>>, vector<16xf32>,
          %get3A_243 = arith.index_cast %add3A_234 : i32 to index
          %get3A_244 = arith.constant 16 : index
          %get3A_245 = tpu.vector_load %arg14[%get3A_243, %get3A_244] {strides = array<i32>} : memref<640x32xf32, #tpu.memory_space<vmem>>, vector<16xf32>,
          %scatter3A_246 = arith.constant 0 : i32
          %scatter3A_247 = arith.constant 0 : i32
          %scatter3A_248 = tpu.memref_slice %arg16[%scan3A_138, %scatter3A_246, %scatter3A_247] : memref<10x32x65xf32, #tpu.memory_space<vmem>> -> memref<1x32x65xf32, #tpu.memory_space<vmem>>
          %scatter3A_249 = tpu.memref_squeeze %scatter3A_248 : memref<1x32x65xf32, #tpu.memory_space<vmem>> -> memref<32x65xf32, #tpu.memory_space<vmem>>
          tpu.vector_store_idx %scatter3A_249[%iota3A, %broadcast_in_dim3A_239], %get3A_242 : memref<32x65xf32, #tpu.memory_space<vmem>>[vector<16xi32>, vector<16xi32>], vector<16xf32>,
          %scatter3A_250 = arith.constant 0 : i32
          %scatter3A_251 = arith.constant 0 : i32
          %scatter3A_252 = tpu.memref_slice %arg16[%scan3A_138, %scatter3A_250, %scatter3A_251] : memref<10x32x65xf32, #tpu.memory_space<vmem>> -> memref<1x32x65xf32, #tpu.memory_space<vmem>>
          %scatter3A_253 = tpu.memref_squeeze %scatter3A_252 : memref<1x32x65xf32, #tpu.memory_space<vmem>> -> memref<32x65xf32, #tpu.memory_space<vmem>>
          tpu.vector_store_idx %scatter3A_253[%add3A_3, %broadcast_in_dim3A_239], %get3A_245 : memref<32x65xf32, #tpu.memory_space<vmem>>[vector<16xi32>, vector<16xi32>], vector<16xf32>,
          %add3A_254 = arith.constant 5 : i32
          %add3A_255 = arith.addi %add3A_150, %add3A_254 : i32
          %mul3A_256 = arith.constant 8 : i32
          %mul3A_257 = arith.muli %scan3A_147, %mul3A_256 : i32
          %add3A_258 = arith.constant 5 : i32
          %add3A_259 = arith.addi %mul3A_257, %add3A_258 : i32
          %broadcast_in_dim3A_260 = vector.broadcast %add3A_259 : i32 to vector<16xi32>
          %get3A_261 = arith.index_cast %add3A_255 : i32 to index
          %get3A_262 = arith.constant 0 : index
          %get3A_263 = tpu.vector_load %arg14[%get3A_261, %get3A_262] {strides = array<i32>} : memref<640x32xf32, #tpu.memory_space<vmem>>, vector<16xf32>,
          %get3A_264 = arith.index_cast %add3A_255 : i32 to index
          %get3A_265 = arith.constant 16 : index
          %get3A_266 = tpu.vector_load %arg14[%get3A_264, %get3A_265] {strides = array<i32>} : memref<640x32xf32, #tpu.memory_space<vmem>>, vector<16xf32>,
          %scatter3A_267 = arith.constant 0 : i32
          %scatter3A_268 = arith.constant 0 : i32
          %scatter3A_269 = tpu.memref_slice %arg16[%scan3A_138, %scatter3A_267, %scatter3A_268] : memref<10x32x65xf32, #tpu.memory_space<vmem>> -> memref<1x32x65xf32, #tpu.memory_space<vmem>>
          %scatter3A_270 = tpu.memref_squeeze %scatter3A_269 : memref<1x32x65xf32, #tpu.memory_space<vmem>> -> memref<32x65xf32, #tpu.memory_space<vmem>>
          tpu.vector_store_idx %scatter3A_270[%iota3A, %broadcast_in_dim3A_260], %get3A_263 : memref<32x65xf32, #tpu.memory_space<vmem>>[vector<16xi32>, vector<16xi32>], vector<16xf32>,
          %scatter3A_271 = arith.constant 0 : i32
          %scatter3A_272 = arith.constant 0 : i32
          %scatter3A_273 = tpu.memref_slice %arg16[%scan3A_138, %scatter3A_271, %scatter3A_272] : memref<10x32x65xf32, #tpu.memory_space<vmem>> -> memref<1x32x65xf32, #tpu.memory_space<vmem>>
          %scatter3A_274 = tpu.memref_squeeze %scatter3A_273 : memref<1x32x65xf32, #tpu.memory_space<vmem>> -> memref<32x65xf32, #tpu.memory_space<vmem>>
          tpu.vector_store_idx %scatter3A_274[%add3A_3, %broadcast_in_dim3A_260], %get3A_266 : memref<32x65xf32, #tpu.memory_space<vmem>>[vector<16xi32>, vector<16xi32>], vector<16xf32>,
          %add3A_275 = arith.constant 6 : i32
          %add3A_276 = arith.addi %add3A_150, %add3A_275 : i32
          %mul3A_277 = arith.constant 8 : i32
          %mul3A_278 = arith.muli %scan3A_147, %mul3A_277 : i32
          %add3A_279 = arith.constant 6 : i32
          %add3A_280 = arith.addi %mul3A_278, %add3A_279 : i32
          %broadcast_in_dim3A_281 = vector.broadcast %add3A_280 : i32 to vector<16xi32>
          %get3A_282 = arith.index_cast %add3A_276 : i32 to index
          %get3A_283 = arith.constant 0 : index
          %get3A_284 = tpu.vector_load %arg14[%get3A_282, %get3A_283] {strides = array<i32>} : memref<640x32xf32, #tpu.memory_space<vmem>>, vector<16xf32>,
          %get3A_285 = arith.index_cast %add3A_276 : i32 to index
          %get3A_286 = arith.constant 16 : index
          %get3A_287 = tpu.vector_load %arg14[%get3A_285, %get3A_286] {strides = array<i32>} : memref<640x32xf32, #tpu.memory_space<vmem>>, vector<16xf32>,
          %scatter3A_288 = arith.constant 0 : i32
          %scatter3A_289 = arith.constant 0 : i32
          %scatter3A_290 = tpu.memref_slice %arg16[%scan3A_138, %scatter3A_288, %scatter3A_289] : memref<10x32x65xf32, #tpu.memory_space<vmem>> -> memref<1x32x65xf32, #tpu.memory_space<vmem>>
          %scatter3A_291 = tpu.memref_squeeze %scatter3A_290 : memref<1x32x65xf32, #tpu.memory_space<vmem>> -> memref<32x65xf32, #tpu.memory_space<vmem>>
          tpu.vector_store_idx %scatter3A_291[%iota3A, %broadcast_in_dim3A_281], %get3A_284 : memref<32x65xf32, #tpu.memory_space<vmem>>[vector<16xi32>, vector<16xi32>], vector<16xf32>,
          %scatter3A_292 = arith.constant 0 : i32
          %scatter3A_293 = arith.constant 0 : i32
          %scatter3A_294 = tpu.memref_slice %arg16[%scan3A_138, %scatter3A_292, %scatter3A_293] : memref<10x32x65xf32, #tpu.memory_space<vmem>> -> memref<1x32x65xf32, #tpu.memory_space<vmem>>
          %scatter3A_295 = tpu.memref_squeeze %scatter3A_294 : memref<1x32x65xf32, #tpu.memory_space<vmem>> -> memref<32x65xf32, #tpu.memory_space<vmem>>
          tpu.vector_store_idx %scatter3A_295[%add3A_3, %broadcast_in_dim3A_281], %get3A_287 : memref<32x65xf32, #tpu.memory_space<vmem>>[vector<16xi32>, vector<16xi32>], vector<16xf32>,
          %add3A_296 = arith.constant 7 : i32
          %add3A_297 = arith.addi %add3A_150, %add3A_296 : i32
          %mul3A_298 = arith.constant 8 : i32
          %mul3A_299 = arith.muli %scan3A_147, %mul3A_298 : i32
          %add3A_300 = arith.constant 7 : i32
          %add3A_301 = arith.addi %mul3A_299, %add3A_300 : i32
          %broadcast_in_dim3A_302 = vector.broadcast %add3A_301 : i32 to vector<16xi32>
          %get3A_303 = arith.index_cast %add3A_297 : i32 to index
          %get3A_304 = arith.constant 0 : index
          %get3A_305 = tpu.vector_load %arg14[%get3A_303, %get3A_304] {strides = array<i32>} : memref<640x32xf32, #tpu.memory_space<vmem>>, vector<16xf32>,
          %get3A_306 = arith.index_cast %add3A_297 : i32 to index
          %get3A_307 = arith.constant 16 : index
          %get3A_308 = tpu.vector_load %arg14[%get3A_306, %get3A_307] {strides = array<i32>} : memref<640x32xf32, #tpu.memory_space<vmem>>, vector<16xf32>,
          %scatter3A_309 = arith.constant 0 : i32
          %scatter3A_310 = arith.constant 0 : i32
          %scatter3A_311 = tpu.memref_slice %arg16[%scan3A_138, %scatter3A_309, %scatter3A_310] : memref<10x32x65xf32, #tpu.memory_space<vmem>> -> memref<1x32x65xf32, #tpu.memory_space<vmem>>
          %scatter3A_312 = tpu.memref_squeeze %scatter3A_311 : memref<1x32x65xf32, #tpu.memory_space<vmem>> -> memref<32x65xf32, #tpu.memory_space<vmem>>
          tpu.vector_store_idx %scatter3A_312[%iota3A, %broadcast_in_dim3A_302], %get3A_305 : memref<32x65xf32, #tpu.memory_space<vmem>>[vector<16xi32>, vector<16xi32>], vector<16xf32>,
          %scatter3A_313 = arith.constant 0 : i32
          %scatter3A_314 = arith.constant 0 : i32
          %scatter3A_315 = tpu.memref_slice %arg16[%scan3A_138, %scatter3A_313, %scatter3A_314] : memref<10x32x65xf32, #tpu.memory_space<vmem>> -> memref<1x32x65xf32, #tpu.memory_space<vmem>>
          %scatter3A_316 = tpu.memref_squeeze %scatter3A_315 : memref<1x32x65xf32, #tpu.memory_space<vmem>> -> memref<32x65xf32, #tpu.memory_space<vmem>>
          tpu.vector_store_idx %scatter3A_316[%add3A_3, %broadcast_in_dim3A_302], %get3A_308 : memref<32x65xf32, #tpu.memory_space<vmem>>[vector<16xi32>, vector<16xi32>], vector<16xf32>,
        }
        %scan3A_146 = arith.constant 8 : i32
      }
      %scan3A_101 = arith.constant 10 : i32
      "tpu.region"() ({
        %run_scoped3A = tpu.sem_alloc : memref<!tpu.dma_semaphore, #tpu.memory_space<semaphore_mem>>
        %dma_start3A_138 = arith.constant 0 : i32
        %dma_start3A_139 = arith.constant 0 : i32
        %dma_start3A_140 = arith.constant 0 : i32
        %dma_start3A_141 = tpu.memref_slice %arg16[%dma_start3A_138, %dma_start3A_139, %dma_start3A_140] : memref<10x32x65xf32, #tpu.memory_space<vmem>> -> memref<10x32x64xf32, #tpu.memory_space<vmem>>
        %dma_start3A_142 = arith.constant 20 : i32
        %dma_start3A_143 = arith.constant 0 : i32
        %dma_start3A_144 = tpu.memref_slice %arg6[%dma_start3A_142, %dma_start3A_143, %add3A_15] : memref<50x32x16384xf32, #tpu.memory_space<hbm>> -> memref<10x32x64xf32, #tpu.memory_space<hbm>>
        %dma_start3A_145 = arith.constant 20 : i32
        %dma_start3A_146 = arith.constant 0 : i32
        %dma_start3A_147 = tpu.memref_slice %arg6[%dma_start3A_145, %dma_start3A_146, %add3A_15] : memref<50x32x16384xf32, #tpu.memory_space<hbm>> -> memref<10x32x64xf32, #tpu.memory_space<hbm>>
        %dma_start3A_148 = arith.constant 0 : i32
        %dma_start3A_149 = arith.constant 0 : i32
        %dma_start3A_150 = arith.constant 0 : i32
        %dma_start3A_151 = tpu.memref_slice %arg16[%dma_start3A_148, %dma_start3A_149, %dma_start3A_150] : memref<10x32x65xf32, #tpu.memory_space<vmem>> -> memref<10x32x64xf32, #tpu.memory_space<vmem>>
        tpu.enqueue_dma source(%dma_start3A_151 : memref<10x32x64xf32, #tpu.memory_space<vmem>>) target(%dma_start3A_147 : memref<10x32x64xf32, #tpu.memory_space<hbm>>) target_semaphore(%run_scoped3A : memref<!tpu.dma_semaphore, #tpu.memory_space<semaphore_mem>>)
        %dma_wait3A_152 = arith.constant 0 : i32
        %dma_wait3A_153 = arith.constant 0 : i32
        %dma_wait3A_154 = arith.constant 0 : i32
        %dma_wait3A_155 = tpu.memref_slice %arg16[%dma_wait3A_152, %dma_wait3A_153, %dma_wait3A_154] : memref<10x32x65xf32, #tpu.memory_space<vmem>> -> memref<10x32x64xf32, #tpu.memory_space<vmem>>
        %dma_wait3A_156 = arith.constant 20 : i32
        %dma_wait3A_157 = arith.constant 0 : i32
        %dma_wait3A_158 = tpu.memref_slice %arg6[%dma_wait3A_156, %dma_wait3A_157, %add3A_15] : memref<50x32x16384xf32, #tpu.memory_space<hbm>> -> memref<10x32x64xf32, #tpu.memory_space<hbm>>
        %dma_wait3A_159 = arith.constant 20 : i32
        %dma_wait3A_160 = arith.constant 0 : i32
        %dma_wait3A_161 = tpu.memref_slice %arg6[%dma_wait3A_159, %dma_wait3A_160, %add3A_15] : memref<50x32x16384xf32, #tpu.memory_space<hbm>> -> memref<10x32x64xf32, #tpu.memory_space<hbm>>
        %dma_wait3A_162 = arith.constant 0 : i32
        %dma_wait3A_163 = arith.constant 0 : i32
        %dma_wait3A_164 = arith.constant 0 : i32
        %dma_wait3A_165 = tpu.memref_slice %arg16[%dma_wait3A_162, %dma_wait3A_163, %dma_wait3A_164] : memref<10x32x65xf32, #tpu.memory_space<vmem>> -> memref<10x32x64xf32, #tpu.memory_space<vmem>>
        tpu.wait_dma2 semaphore(%run_scoped3A : memref<!tpu.dma_semaphore, #tpu.memory_space<semaphore_mem>>) src(%dma_wait3A_165 : memref<10x32x64xf32, #tpu.memory_space<vmem>>) dst(%dma_wait3A_161 : memref<10x32x64xf32, #tpu.memory_space<hbm>>)
        tpu.yield
      }) : () -> ()
      %scan3A_102 = arith.constant 0 : i32
      %scan3A_103 = arith.constant 0 : i32
      %scan3A_104 = arith.constant 10 : i32
      %scan3A_105 = arith.addi %scan3A_103, %scan3A_104 : i32
      %scan3A_106 = arith.constant 1 : i32
      scf.for %scan3A_138 = %scan3A_103 to %scan3A_105 step %scan3A_106  : i32 {
        %add3A_139 = arith.constant 40 : i32
        %add3A_140 = arith.addi %add3A_139, %scan3A_138 : i32
        %broadcast_in_dim3A_141 = vector.broadcast %add3A_140 : i32 to vector<16xi32>
        %add3A_142 = arith.constant 0 : i32
        %add3A_143 = vector.broadcast %add3A_142 : i32 to vector<16xi32>
        %add3A_144 = arith.addi %iota3A, %add3A_143 : vector<16xi32>
        %gather3A_145 = tpu.vector_load_idx %arg7[%add3A_144, %broadcast_in_dim3A_141] : memref<64x50xi32, #tpu.memory_space<vmem>>[vector<16xi32>, vector<16xi32>], vector<16xi32>,
        %mul3A_146 = arith.constant 64 : i32
        %mul3A_147 = arith.muli %scan3A_138, %mul3A_146 : i32
        %add3A_148 = arith.constant 0 : i32
        %add3A_149 = arith.addi %mul3A_147, %add3A_148 : i32
        %swap3A_150 = arith.index_cast %add3A_149 : i32 to index
        %swap3A_151 = tpu.vector_load %arg12[%swap3A_150] {strides = array<i32>} : memref<640xi32, #tpu.memory_space<vmem>>, vector<16xi32>,
        tpu.vector_store %arg12[%swap3A_150], %gather3A_145 {strides = array<i32>} : memref<640xi32, #tpu.memory_space<vmem>>, vector<16xi32>,
        %add3A_152 = arith.constant 16 : i32
        %add3A_153 = vector.broadcast %add3A_152 : i32 to vector<16xi32>
        %add3A_154 = arith.addi %iota3A, %add3A_153 : vector<16xi32>
        %gather3A_155 = tpu.vector_load_idx %arg7[%add3A_154, %broadcast_in_dim3A_141] : memref<64x50xi32, #tpu.memory_space<vmem>>[vector<16xi32>, vector<16xi32>], vector<16xi32>,
        %mul3A_156 = arith.constant 64 : i32
        %mul3A_157 = arith.muli %scan3A_138, %mul3A_156 : i32
        %add3A_158 = arith.constant 16 : i32
        %add3A_159 = arith.addi %mul3A_157, %add3A_158 : i32
        %swap3A_160 = arith.index_cast %add3A_159 : i32 to index
        %swap3A_161 = tpu.vector_load %arg12[%swap3A_160] {strides = array<i32>} : memref<640xi32, #tpu.memory_space<vmem>>, vector<16xi32>,
        tpu.vector_store %arg12[%swap3A_160], %gather3A_155 {strides = array<i32>} : memref<640xi32, #tpu.memory_space<vmem>>, vector<16xi32>,
        %add3A_162 = arith.constant 32 : i32
        %add3A_163 = vector.broadcast %add3A_162 : i32 to vector<16xi32>
        %add3A_164 = arith.addi %iota3A, %add3A_163 : vector<16xi32>
        %gather3A_165 = tpu.vector_load_idx %arg7[%add3A_164, %broadcast_in_dim3A_141] : memref<64x50xi32, #tpu.memory_space<vmem>>[vector<16xi32>, vector<16xi32>], vector<16xi32>,
        %mul3A_166 = arith.constant 64 : i32
        %mul3A_167 = arith.muli %scan3A_138, %mul3A_166 : i32
        %add3A_168 = arith.constant 32 : i32
        %add3A_169 = arith.addi %mul3A_167, %add3A_168 : i32
        %swap3A_170 = arith.index_cast %add3A_169 : i32 to index
        %swap3A_171 = tpu.vector_load %arg12[%swap3A_170] {strides = array<i32>} : memref<640xi32, #tpu.memory_space<vmem>>, vector<16xi32>,
        tpu.vector_store %arg12[%swap3A_170], %gather3A_165 {strides = array<i32>} : memref<640xi32, #tpu.memory_space<vmem>>, vector<16xi32>,
        %add3A_172 = arith.constant 48 : i32
        %add3A_173 = vector.broadcast %add3A_172 : i32 to vector<16xi32>
        %add3A_174 = arith.addi %iota3A, %add3A_173 : vector<16xi32>
        %gather3A_175 = tpu.vector_load_idx %arg7[%add3A_174, %broadcast_in_dim3A_141] : memref<64x50xi32, #tpu.memory_space<vmem>>[vector<16xi32>, vector<16xi32>], vector<16xi32>,
        %mul3A_176 = arith.constant 64 : i32
        %mul3A_177 = arith.muli %scan3A_138, %mul3A_176 : i32
        %add3A_178 = arith.constant 48 : i32
        %add3A_179 = arith.addi %mul3A_177, %add3A_178 : i32
        %swap3A_180 = arith.index_cast %add3A_179 : i32 to index
        %swap3A_181 = tpu.vector_load %arg12[%swap3A_180] {strides = array<i32>} : memref<640xi32, #tpu.memory_space<vmem>>, vector<16xi32>,
        tpu.vector_store %arg12[%swap3A_180], %gather3A_175 {strides = array<i32>} : memref<640xi32, #tpu.memory_space<vmem>>, vector<16xi32>,
      }
      %scan3A_107 = arith.constant 10 : i32
      %dma_start3A_108 = arith.constant 0 : i32
      %dma_start3A_109 = arith.constant 0 : i32
      %dma_start3A_110 = tpu.memref_slice %arg2[%dma_start3A_108, %dma_start3A_109] : memref<1000000x32xf32, #tpu.memory_space<hbm>> -> memref<1000000x32xf32, #tpu.memory_space<hbm>>
      tpu.enqueue_indirect_dma source(%dma_start3A_110 : memref<1000000x32xf32, #tpu.memory_space<hbm>>) target(%arg14 : memref<640x32xf32, #tpu.memory_space<vmem>>) offsets(%arg12 : memref<640xi32, #tpu.memory_space<vmem>>) semaphore(%arg18 : memref<!tpu.dma_semaphore, #tpu.memory_space<semaphore_mem>>)
      %dma_wait3A_111 = arith.constant 0 : i32
      %dma_wait3A_112 = arith.constant 0 : i32
      %dma_wait3A_113 = tpu.memref_slice %arg2[%dma_wait3A_111, %dma_wait3A_112] : memref<1000000x32xf32, #tpu.memory_space<hbm>> -> memref<1000000x32xf32, #tpu.memory_space<hbm>>
      tpu.wait_indirect_dma semaphore(%arg19 : memref<!tpu.dma_semaphore, #tpu.memory_space<semaphore_mem>>) src(%dma_wait3A_113 : memref<1000000x32xf32, #tpu.memory_space<hbm>>) dst(%arg15 : memref<640x32xf32, #tpu.memory_space<vmem>>)
      %scan3A_114 = arith.constant 0 : i32
      %scan3A_115 = arith.constant 0 : i32
      %scan3A_116 = arith.constant 10 : i32
      %scan3A_117 = arith.addi %scan3A_115, %scan3A_116 : i32
      %scan3A_118 = arith.constant 1 : i32
      scf.for %scan3A_138 = %scan3A_115 to %scan3A_117 step %scan3A_118  : i32 {
        %mul3A_139 = arith.constant 64 : i32
        %mul3A_140 = arith.muli %scan3A_138, %mul3A_139 : i32
        %scan3A_141 = arith.constant 0 : i32
        %scan3A_142 = arith.constant 0 : i32
        %scan3A_143 = arith.constant 8 : i32
        %scan3A_144 = arith.addi %scan3A_142, %scan3A_143 : i32
        %scan3A_145 = arith.constant 1 : i32
        scf.for %scan3A_147 = %scan3A_142 to %scan3A_144 step %scan3A_145  : i32 {
          %mul3A_148 = arith.constant 8 : i32
          %mul3A_149 = arith.muli %scan3A_147, %mul3A_148 : i32
          %add3A_150 = arith.addi %mul3A_140, %mul3A_149 : i32
          %add3A_151 = arith.constant 0 : i32
          %add3A_152 = arith.addi %add3A_150, %add3A_151 : i32
          %mul3A_153 = arith.constant 8 : i32
          %mul3A_154 = arith.muli %scan3A_147, %mul3A_153 : i32
          %add3A_155 = arith.constant 0 : i32
          %add3A_156 = arith.addi %mul3A_154, %add3A_155 : i32
          %broadcast_in_dim3A_157 = vector.broadcast %add3A_156 : i32 to vector<16xi32>
          %get3A = arith.index_cast %add3A_152 : i32 to index
          %get3A_158 = arith.constant 0 : index
          %get3A_159 = tpu.vector_load %arg15[%get3A, %get3A_158] {strides = array<i32>} : memref<640x32xf32, #tpu.memory_space<vmem>>, vector<16xf32>,
          %get3A_160 = arith.index_cast %add3A_152 : i32 to index
          %get3A_161 = arith.constant 16 : index
          %get3A_162 = tpu.vector_load %arg15[%get3A_160, %get3A_161] {strides = array<i32>} : memref<640x32xf32, #tpu.memory_space<vmem>>, vector<16xf32>,
          %scatter3A = arith.constant 0 : i32
          %scatter3A_163 = arith.constant 0 : i32
          %scatter3A_164 = tpu.memref_slice %arg16[%scan3A_138, %scatter3A, %scatter3A_163] : memref<10x32x65xf32, #tpu.memory_space<vmem>> -> memref<1x32x65xf32, #tpu.memory_space<vmem>>
          %scatter3A_165 = tpu.memref_squeeze %scatter3A_164 : memref<1x32x65xf32, #tpu.memory_space<vmem>> -> memref<32x65xf32, #tpu.memory_space<vmem>>
          tpu.vector_store_idx %scatter3A_165[%iota3A, %broadcast_in_dim3A_157], %get3A_159 : memref<32x65xf32, #tpu.memory_space<vmem>>[vector<16xi32>, vector<16xi32>], vector<16xf32>,
          %scatter3A_166 = arith.constant 0 : i32
          %scatter3A_167 = arith.constant 0 : i32
          %scatter3A_168 = tpu.memref_slice %arg16[%scan3A_138, %scatter3A_166, %scatter3A_167] : memref<10x32x65xf32, #tpu.memory_space<vmem>> -> memref<1x32x65xf32, #tpu.memory_space<vmem>>
          %scatter3A_169 = tpu.memref_squeeze %scatter3A_168 : memref<1x32x65xf32, #tpu.memory_space<vmem>> -> memref<32x65xf32, #tpu.memory_space<vmem>>
          tpu.vector_store_idx %scatter3A_169[%add3A_3, %broadcast_in_dim3A_157], %get3A_162 : memref<32x65xf32, #tpu.memory_space<vmem>>[vector<16xi32>, vector<16xi32>], vector<16xf32>,
          %add3A_170 = arith.constant 1 : i32
          %add3A_171 = arith.addi %add3A_150, %add3A_170 : i32
          %mul3A_172 = arith.constant 8 : i32
          %mul3A_173 = arith.muli %scan3A_147, %mul3A_172 : i32
          %add3A_174 = arith.constant 1 : i32
          %add3A_175 = arith.addi %mul3A_173, %add3A_174 : i32
          %broadcast_in_dim3A_176 = vector.broadcast %add3A_175 : i32 to vector<16xi32>
          %get3A_177 = arith.index_cast %add3A_171 : i32 to index
          %get3A_178 = arith.constant 0 : index
          %get3A_179 = tpu.vector_load %arg15[%get3A_177, %get3A_178] {strides = array<i32>} : memref<640x32xf32, #tpu.memory_space<vmem>>, vector<16xf32>,
          %get3A_180 = arith.index_cast %add3A_171 : i32 to index
          %get3A_181 = arith.constant 16 : index
          %get3A_182 = tpu.vector_load %arg15[%get3A_180, %get3A_181] {strides = array<i32>} : memref<640x32xf32, #tpu.memory_space<vmem>>, vector<16xf32>,
          %scatter3A_183 = arith.constant 0 : i32
          %scatter3A_184 = arith.constant 0 : i32
          %scatter3A_185 = tpu.memref_slice %arg16[%scan3A_138, %scatter3A_183, %scatter3A_184] : memref<10x32x65xf32, #tpu.memory_space<vmem>> -> memref<1x32x65xf32, #tpu.memory_space<vmem>>
          %scatter3A_186 = tpu.memref_squeeze %scatter3A_185 : memref<1x32x65xf32, #tpu.memory_space<vmem>> -> memref<32x65xf32, #tpu.memory_space<vmem>>
          tpu.vector_store_idx %scatter3A_186[%iota3A, %broadcast_in_dim3A_176], %get3A_179 : memref<32x65xf32, #tpu.memory_space<vmem>>[vector<16xi32>, vector<16xi32>], vector<16xf32>,
          %scatter3A_187 = arith.constant 0 : i32
          %scatter3A_188 = arith.constant 0 : i32
          %scatter3A_189 = tpu.memref_slice %arg16[%scan3A_138, %scatter3A_187, %scatter3A_188] : memref<10x32x65xf32, #tpu.memory_space<vmem>> -> memref<1x32x65xf32, #tpu.memory_space<vmem>>
          %scatter3A_190 = tpu.memref_squeeze %scatter3A_189 : memref<1x32x65xf32, #tpu.memory_space<vmem>> -> memref<32x65xf32, #tpu.memory_space<vmem>>
          tpu.vector_store_idx %scatter3A_190[%add3A_3, %broadcast_in_dim3A_176], %get3A_182 : memref<32x65xf32, #tpu.memory_space<vmem>>[vector<16xi32>, vector<16xi32>], vector<16xf32>,
          %add3A_191 = arith.constant 2 : i32
          %add3A_192 = arith.addi %add3A_150, %add3A_191 : i32
          %mul3A_193 = arith.constant 8 : i32
          %mul3A_194 = arith.muli %scan3A_147, %mul3A_193 : i32
          %add3A_195 = arith.constant 2 : i32
          %add3A_196 = arith.addi %mul3A_194, %add3A_195 : i32
          %broadcast_in_dim3A_197 = vector.broadcast %add3A_196 : i32 to vector<16xi32>
          %get3A_198 = arith.index_cast %add3A_192 : i32 to index
          %get3A_199 = arith.constant 0 : index
          %get3A_200 = tpu.vector_load %arg15[%get3A_198, %get3A_199] {strides = array<i32>} : memref<640x32xf32, #tpu.memory_space<vmem>>, vector<16xf32>,
          %get3A_201 = arith.index_cast %add3A_192 : i32 to index
          %get3A_202 = arith.constant 16 : index
          %get3A_203 = tpu.vector_load %arg15[%get3A_201, %get3A_202] {strides = array<i32>} : memref<640x32xf32, #tpu.memory_space<vmem>>, vector<16xf32>,
          %scatter3A_204 = arith.constant 0 : i32
          %scatter3A_205 = arith.constant 0 : i32
          %scatter3A_206 = tpu.memref_slice %arg16[%scan3A_138, %scatter3A_204, %scatter3A_205] : memref<10x32x65xf32, #tpu.memory_space<vmem>> -> memref<1x32x65xf32, #tpu.memory_space<vmem>>
          %scatter3A_207 = tpu.memref_squeeze %scatter3A_206 : memref<1x32x65xf32, #tpu.memory_space<vmem>> -> memref<32x65xf32, #tpu.memory_space<vmem>>
          tpu.vector_store_idx %scatter3A_207[%iota3A, %broadcast_in_dim3A_197], %get3A_200 : memref<32x65xf32, #tpu.memory_space<vmem>>[vector<16xi32>, vector<16xi32>], vector<16xf32>,
          %scatter3A_208 = arith.constant 0 : i32
          %scatter3A_209 = arith.constant 0 : i32
          %scatter3A_210 = tpu.memref_slice %arg16[%scan3A_138, %scatter3A_208, %scatter3A_209] : memref<10x32x65xf32, #tpu.memory_space<vmem>> -> memref<1x32x65xf32, #tpu.memory_space<vmem>>
          %scatter3A_211 = tpu.memref_squeeze %scatter3A_210 : memref<1x32x65xf32, #tpu.memory_space<vmem>> -> memref<32x65xf32, #tpu.memory_space<vmem>>
          tpu.vector_store_idx %scatter3A_211[%add3A_3, %broadcast_in_dim3A_197], %get3A_203 : memref<32x65xf32, #tpu.memory_space<vmem>>[vector<16xi32>, vector<16xi32>], vector<16xf32>,
          %add3A_212 = arith.constant 3 : i32
          %add3A_213 = arith.addi %add3A_150, %add3A_212 : i32
          %mul3A_214 = arith.constant 8 : i32
          %mul3A_215 = arith.muli %scan3A_147, %mul3A_214 : i32
          %add3A_216 = arith.constant 3 : i32
          %add3A_217 = arith.addi %mul3A_215, %add3A_216 : i32
          %broadcast_in_dim3A_218 = vector.broadcast %add3A_217 : i32 to vector<16xi32>
          %get3A_219 = arith.index_cast %add3A_213 : i32 to index
          %get3A_220 = arith.constant 0 : index
          %get3A_221 = tpu.vector_load %arg15[%get3A_219, %get3A_220] {strides = array<i32>} : memref<640x32xf32, #tpu.memory_space<vmem>>, vector<16xf32>,
          %get3A_222 = arith.index_cast %add3A_213 : i32 to index
          %get3A_223 = arith.constant 16 : index
          %get3A_224 = tpu.vector_load %arg15[%get3A_222, %get3A_223] {strides = array<i32>} : memref<640x32xf32, #tpu.memory_space<vmem>>, vector<16xf32>,
          %scatter3A_225 = arith.constant 0 : i32
          %scatter3A_226 = arith.constant 0 : i32
          %scatter3A_227 = tpu.memref_slice %arg16[%scan3A_138, %scatter3A_225, %scatter3A_226] : memref<10x32x65xf32, #tpu.memory_space<vmem>> -> memref<1x32x65xf32, #tpu.memory_space<vmem>>
          %scatter3A_228 = tpu.memref_squeeze %scatter3A_227 : memref<1x32x65xf32, #tpu.memory_space<vmem>> -> memref<32x65xf32, #tpu.memory_space<vmem>>
          tpu.vector_store_idx %scatter3A_228[%iota3A, %broadcast_in_dim3A_218], %get3A_221 : memref<32x65xf32, #tpu.memory_space<vmem>>[vector<16xi32>, vector<16xi32>], vector<16xf32>,
          %scatter3A_229 = arith.constant 0 : i32
          %scatter3A_230 = arith.constant 0 : i32
          %scatter3A_231 = tpu.memref_slice %arg16[%scan3A_138, %scatter3A_229, %scatter3A_230] : memref<10x32x65xf32, #tpu.memory_space<vmem>> -> memref<1x32x65xf32, #tpu.memory_space<vmem>>
          %scatter3A_232 = tpu.memref_squeeze %scatter3A_231 : memref<1x32x65xf32, #tpu.memory_space<vmem>> -> memref<32x65xf32, #tpu.memory_space<vmem>>
          tpu.vector_store_idx %scatter3A_232[%add3A_3, %broadcast_in_dim3A_218], %get3A_224 : memref<32x65xf32, #tpu.memory_space<vmem>>[vector<16xi32>, vector<16xi32>], vector<16xf32>,
          %add3A_233 = arith.constant 4 : i32
          %add3A_234 = arith.addi %add3A_150, %add3A_233 : i32
          %mul3A_235 = arith.constant 8 : i32
          %mul3A_236 = arith.muli %scan3A_147, %mul3A_235 : i32
          %add3A_237 = arith.constant 4 : i32
          %add3A_238 = arith.addi %mul3A_236, %add3A_237 : i32
          %broadcast_in_dim3A_239 = vector.broadcast %add3A_238 : i32 to vector<16xi32>
          %get3A_240 = arith.index_cast %add3A_234 : i32 to index
          %get3A_241 = arith.constant 0 : index
          %get3A_242 = tpu.vector_load %arg15[%get3A_240, %get3A_241] {strides = array<i32>} : memref<640x32xf32, #tpu.memory_space<vmem>>, vector<16xf32>,
          %get3A_243 = arith.index_cast %add3A_234 : i32 to index
          %get3A_244 = arith.constant 16 : index
          %get3A_245 = tpu.vector_load %arg15[%get3A_243, %get3A_244] {strides = array<i32>} : memref<640x32xf32, #tpu.memory_space<vmem>>, vector<16xf32>,
          %scatter3A_246 = arith.constant 0 : i32
          %scatter3A_247 = arith.constant 0 : i32
          %scatter3A_248 = tpu.memref_slice %arg16[%scan3A_138, %scatter3A_246, %scatter3A_247] : memref<10x32x65xf32, #tpu.memory_space<vmem>> -> memref<1x32x65xf32, #tpu.memory_space<vmem>>
          %scatter3A_249 = tpu.memref_squeeze %scatter3A_248 : memref<1x32x65xf32, #tpu.memory_space<vmem>> -> memref<32x65xf32, #tpu.memory_space<vmem>>
          tpu.vector_store_idx %scatter3A_249[%iota3A, %broadcast_in_dim3A_239], %get3A_242 : memref<32x65xf32, #tpu.memory_space<vmem>>[vector<16xi32>, vector<16xi32>], vector<16xf32>,
          %scatter3A_250 = arith.constant 0 : i32
          %scatter3A_251 = arith.constant 0 : i32
          %scatter3A_252 = tpu.memref_slice %arg16[%scan3A_138, %scatter3A_250, %scatter3A_251] : memref<10x32x65xf32, #tpu.memory_space<vmem>> -> memref<1x32x65xf32, #tpu.memory_space<vmem>>
          %scatter3A_253 = tpu.memref_squeeze %scatter3A_252 : memref<1x32x65xf32, #tpu.memory_space<vmem>> -> memref<32x65xf32, #tpu.memory_space<vmem>>
          tpu.vector_store_idx %scatter3A_253[%add3A_3, %broadcast_in_dim3A_239], %get3A_245 : memref<32x65xf32, #tpu.memory_space<vmem>>[vector<16xi32>, vector<16xi32>], vector<16xf32>,
          %add3A_254 = arith.constant 5 : i32
          %add3A_255 = arith.addi %add3A_150, %add3A_254 : i32
          %mul3A_256 = arith.constant 8 : i32
          %mul3A_257 = arith.muli %scan3A_147, %mul3A_256 : i32
          %add3A_258 = arith.constant 5 : i32
          %add3A_259 = arith.addi %mul3A_257, %add3A_258 : i32
          %broadcast_in_dim3A_260 = vector.broadcast %add3A_259 : i32 to vector<16xi32>
          %get3A_261 = arith.index_cast %add3A_255 : i32 to index
          %get3A_262 = arith.constant 0 : index
          %get3A_263 = tpu.vector_load %arg15[%get3A_261, %get3A_262] {strides = array<i32>} : memref<640x32xf32, #tpu.memory_space<vmem>>, vector<16xf32>,
          %get3A_264 = arith.index_cast %add3A_255 : i32 to index
          %get3A_265 = arith.constant 16 : index
          %get3A_266 = tpu.vector_load %arg15[%get3A_264, %get3A_265] {strides = array<i32>} : memref<640x32xf32, #tpu.memory_space<vmem>>, vector<16xf32>,
          %scatter3A_267 = arith.constant 0 : i32
          %scatter3A_268 = arith.constant 0 : i32
          %scatter3A_269 = tpu.memref_slice %arg16[%scan3A_138, %scatter3A_267, %scatter3A_268] : memref<10x32x65xf32, #tpu.memory_space<vmem>> -> memref<1x32x65xf32, #tpu.memory_space<vmem>>
          %scatter3A_270 = tpu.memref_squeeze %scatter3A_269 : memref<1x32x65xf32, #tpu.memory_space<vmem>> -> memref<32x65xf32, #tpu.memory_space<vmem>>
          tpu.vector_store_idx %scatter3A_270[%iota3A, %broadcast_in_dim3A_260], %get3A_263 : memref<32x65xf32, #tpu.memory_space<vmem>>[vector<16xi32>, vector<16xi32>], vector<16xf32>,
          %scatter3A_271 = arith.constant 0 : i32
          %scatter3A_272 = arith.constant 0 : i32
          %scatter3A_273 = tpu.memref_slice %arg16[%scan3A_138, %scatter3A_271, %scatter3A_272] : memref<10x32x65xf32, #tpu.memory_space<vmem>> -> memref<1x32x65xf32, #tpu.memory_space<vmem>>
          %scatter3A_274 = tpu.memref_squeeze %scatter3A_273 : memref<1x32x65xf32, #tpu.memory_space<vmem>> -> memref<32x65xf32, #tpu.memory_space<vmem>>
          tpu.vector_store_idx %scatter3A_274[%add3A_3, %broadcast_in_dim3A_260], %get3A_266 : memref<32x65xf32, #tpu.memory_space<vmem>>[vector<16xi32>, vector<16xi32>], vector<16xf32>,
          %add3A_275 = arith.constant 6 : i32
          %add3A_276 = arith.addi %add3A_150, %add3A_275 : i32
          %mul3A_277 = arith.constant 8 : i32
          %mul3A_278 = arith.muli %scan3A_147, %mul3A_277 : i32
          %add3A_279 = arith.constant 6 : i32
          %add3A_280 = arith.addi %mul3A_278, %add3A_279 : i32
          %broadcast_in_dim3A_281 = vector.broadcast %add3A_280 : i32 to vector<16xi32>
          %get3A_282 = arith.index_cast %add3A_276 : i32 to index
          %get3A_283 = arith.constant 0 : index
          %get3A_284 = tpu.vector_load %arg15[%get3A_282, %get3A_283] {strides = array<i32>} : memref<640x32xf32, #tpu.memory_space<vmem>>, vector<16xf32>,
          %get3A_285 = arith.index_cast %add3A_276 : i32 to index
          %get3A_286 = arith.constant 16 : index
          %get3A_287 = tpu.vector_load %arg15[%get3A_285, %get3A_286] {strides = array<i32>} : memref<640x32xf32, #tpu.memory_space<vmem>>, vector<16xf32>,
          %scatter3A_288 = arith.constant 0 : i32
          %scatter3A_289 = arith.constant 0 : i32
          %scatter3A_290 = tpu.memref_slice %arg16[%scan3A_138, %scatter3A_288, %scatter3A_289] : memref<10x32x65xf32, #tpu.memory_space<vmem>> -> memref<1x32x65xf32, #tpu.memory_space<vmem>>
          %scatter3A_291 = tpu.memref_squeeze %scatter3A_290 : memref<1x32x65xf32, #tpu.memory_space<vmem>> -> memref<32x65xf32, #tpu.memory_space<vmem>>
          tpu.vector_store_idx %scatter3A_291[%iota3A, %broadcast_in_dim3A_281], %get3A_284 : memref<32x65xf32, #tpu.memory_space<vmem>>[vector<16xi32>, vector<16xi32>], vector<16xf32>,
          %scatter3A_292 = arith.constant 0 : i32
          %scatter3A_293 = arith.constant 0 : i32
          %scatter3A_294 = tpu.memref_slice %arg16[%scan3A_138, %scatter3A_292, %scatter3A_293] : memref<10x32x65xf32, #tpu.memory_space<vmem>> -> memref<1x32x65xf32, #tpu.memory_space<vmem>>
          %scatter3A_295 = tpu.memref_squeeze %scatter3A_294 : memref<1x32x65xf32, #tpu.memory_space<vmem>> -> memref<32x65xf32, #tpu.memory_space<vmem>>
          tpu.vector_store_idx %scatter3A_295[%add3A_3, %broadcast_in_dim3A_281], %get3A_287 : memref<32x65xf32, #tpu.memory_space<vmem>>[vector<16xi32>, vector<16xi32>], vector<16xf32>,
          %add3A_296 = arith.constant 7 : i32
          %add3A_297 = arith.addi %add3A_150, %add3A_296 : i32
          %mul3A_298 = arith.constant 8 : i32
          %mul3A_299 = arith.muli %scan3A_147, %mul3A_298 : i32
          %add3A_300 = arith.constant 7 : i32
          %add3A_301 = arith.addi %mul3A_299, %add3A_300 : i32
          %broadcast_in_dim3A_302 = vector.broadcast %add3A_301 : i32 to vector<16xi32>
          %get3A_303 = arith.index_cast %add3A_297 : i32 to index
          %get3A_304 = arith.constant 0 : index
          %get3A_305 = tpu.vector_load %arg15[%get3A_303, %get3A_304] {strides = array<i32>} : memref<640x32xf32, #tpu.memory_space<vmem>>, vector<16xf32>,
          %get3A_306 = arith.index_cast %add3A_297 : i32 to index
          %get3A_307 = arith.constant 16 : index
          %get3A_308 = tpu.vector_load %arg15[%get3A_306, %get3A_307] {strides = array<i32>} : memref<640x32xf32, #tpu.memory_space<vmem>>, vector<16xf32>,
          %scatter3A_309 = arith.constant 0 : i32
          %scatter3A_310 = arith.constant 0 : i32
          %scatter3A_311 = tpu.memref_slice %arg16[%scan3A_138, %scatter3A_309, %scatter3A_310] : memref<10x32x65xf32, #tpu.memory_space<vmem>> -> memref<1x32x65xf32, #tpu.memory_space<vmem>>
          %scatter3A_312 = tpu.memref_squeeze %scatter3A_311 : memref<1x32x65xf32, #tpu.memory_space<vmem>> -> memref<32x65xf32, #tpu.memory_space<vmem>>
          tpu.vector_store_idx %scatter3A_312[%iota3A, %broadcast_in_dim3A_302], %get3A_305 : memref<32x65xf32, #tpu.memory_space<vmem>>[vector<16xi32>, vector<16xi32>], vector<16xf32>,
          %scatter3A_313 = arith.constant 0 : i32
          %scatter3A_314 = arith.constant 0 : i32
          %scatter3A_315 = tpu.memref_slice %arg16[%scan3A_138, %scatter3A_313, %scatter3A_314] : memref<10x32x65xf32, #tpu.memory_space<vmem>> -> memref<1x32x65xf32, #tpu.memory_space<vmem>>
          %scatter3A_316 = tpu.memref_squeeze %scatter3A_315 : memref<1x32x65xf32, #tpu.memory_space<vmem>> -> memref<32x65xf32, #tpu.memory_space<vmem>>
          tpu.vector_store_idx %scatter3A_316[%add3A_3, %broadcast_in_dim3A_302], %get3A_308 : memref<32x65xf32, #tpu.memory_space<vmem>>[vector<16xi32>, vector<16xi32>], vector<16xf32>,
        }
        %scan3A_146 = arith.constant 8 : i32
      }
      %scan3A_119 = arith.constant 10 : i32
      "tpu.region"() ({
        %run_scoped3A = tpu.sem_alloc : memref<!tpu.dma_semaphore, #tpu.memory_space<semaphore_mem>>
        %dma_start3A_138 = arith.constant 0 : i32
        %dma_start3A_139 = arith.constant 0 : i32
        %dma_start3A_140 = arith.constant 0 : i32
        %dma_start3A_141 = tpu.memref_slice %arg16[%dma_start3A_138, %dma_start3A_139, %dma_start3A_140] : memref<10x32x65xf32, #tpu.memory_space<vmem>> -> memref<10x32x64xf32, #tpu.memory_space<vmem>>
        %dma_start3A_142 = arith.constant 30 : i32
        %dma_start3A_143 = arith.constant 0 : i32
        %dma_start3A_144 = tpu.memref_slice %arg6[%dma_start3A_142, %dma_start3A_143, %add3A_15] : memref<50x32x16384xf32, #tpu.memory_space<hbm>> -> memref<10x32x64xf32, #tpu.memory_space<hbm>>
        %dma_start3A_145 = arith.constant 30 : i32
        %dma_start3A_146 = arith.constant 0 : i32
        %dma_start3A_147 = tpu.memref_slice %arg6[%dma_start3A_145, %dma_start3A_146, %add3A_15] : memref<50x32x16384xf32, #tpu.memory_space<hbm>> -> memref<10x32x64xf32, #tpu.memory_space<hbm>>
        %dma_start3A_148 = arith.constant 0 : i32
        %dma_start3A_149 = arith.constant 0 : i32
        %dma_start3A_150 = arith.constant 0 : i32
        %dma_start3A_151 = tpu.memref_slice %arg16[%dma_start3A_148, %dma_start3A_149, %dma_start3A_150] : memref<10x32x65xf32, #tpu.memory_space<vmem>> -> memref<10x32x64xf32, #tpu.memory_space<vmem>>
        tpu.enqueue_dma source(%dma_start3A_151 : memref<10x32x64xf32, #tpu.memory_space<vmem>>) target(%dma_start3A_147 : memref<10x32x64xf32, #tpu.memory_space<hbm>>) target_semaphore(%run_scoped3A : memref<!tpu.dma_semaphore, #tpu.memory_space<semaphore_mem>>)
        %dma_wait3A_152 = arith.constant 0 : i32
        %dma_wait3A_153 = arith.constant 0 : i32
        %dma_wait3A_154 = arith.constant 0 : i32
        %dma_wait3A_155 = tpu.memref_slice %arg16[%dma_wait3A_152, %dma_wait3A_153, %dma_wait3A_154] : memref<10x32x65xf32, #tpu.memory_space<vmem>> -> memref<10x32x64xf32, #tpu.memory_space<vmem>>
        %dma_wait3A_156 = arith.constant 30 : i32
        %dma_wait3A_157 = arith.constant 0 : i32
        %dma_wait3A_158 = tpu.memref_slice %arg6[%dma_wait3A_156, %dma_wait3A_157, %add3A_15] : memref<50x32x16384xf32, #tpu.memory_space<hbm>> -> memref<10x32x64xf32, #tpu.memory_space<hbm>>
        %dma_wait3A_159 = arith.constant 30 : i32
        %dma_wait3A_160 = arith.constant 0 : i32
        %dma_wait3A_161 = tpu.memref_slice %arg6[%dma_wait3A_159, %dma_wait3A_160, %add3A_15] : memref<50x32x16384xf32, #tpu.memory_space<hbm>> -> memref<10x32x64xf32, #tpu.memory_space<hbm>>
        %dma_wait3A_162 = arith.constant 0 : i32
        %dma_wait3A_163 = arith.constant 0 : i32
        %dma_wait3A_164 = arith.constant 0 : i32
        %dma_wait3A_165 = tpu.memref_slice %arg16[%dma_wait3A_162, %dma_wait3A_163, %dma_wait3A_164] : memref<10x32x65xf32, #tpu.memory_space<vmem>> -> memref<10x32x64xf32, #tpu.memory_space<vmem>>
        tpu.wait_dma2 semaphore(%run_scoped3A : memref<!tpu.dma_semaphore, #tpu.memory_space<semaphore_mem>>) src(%dma_wait3A_165 : memref<10x32x64xf32, #tpu.memory_space<vmem>>) dst(%dma_wait3A_161 : memref<10x32x64xf32, #tpu.memory_space<hbm>>)
        tpu.yield
      }) : () -> ()
      %dma_wait3A_120 = arith.constant 0 : i32
      %dma_wait3A_121 = arith.constant 0 : i32
      %dma_wait3A_122 = tpu.memref_slice %arg2[%dma_wait3A_120, %dma_wait3A_121] : memref<1000000x32xf32, #tpu.memory_space<hbm>> -> memref<1000000x32xf32, #tpu.memory_space<hbm>>
      tpu.wait_indirect_dma semaphore(%arg18 : memref<!tpu.dma_semaphore, #tpu.memory_space<semaphore_mem>>) src(%dma_wait3A_122 : memref<1000000x32xf32, #tpu.memory_space<hbm>>) dst(%arg14 : memref<640x32xf32, #tpu.memory_space<vmem>>)
      %scan3A_123 = arith.constant 0 : i32
      %scan3A_124 = arith.constant 0 : i32
      %scan3A_125 = arith.constant 10 : i32
      %scan3A_126 = arith.addi %scan3A_124, %scan3A_125 : i32
      %scan3A_127 = arith.constant 1 : i32
      scf.for %scan3A_138 = %scan3A_124 to %scan3A_126 step %scan3A_127  : i32 {
        %mul3A_139 = arith.constant 64 : i32
        %mul3A_140 = arith.muli %scan3A_138, %mul3A_139 : i32
        %scan3A_141 = arith.constant 0 : i32
        %scan3A_142 = arith.constant 0 : i32
        %scan3A_143 = arith.constant 8 : i32
        %scan3A_144 = arith.addi %scan3A_142, %scan3A_143 : i32
        %scan3A_145 = arith.constant 1 : i32
        scf.for %scan3A_147 = %scan3A_142 to %scan3A_144 step %scan3A_145  : i32 {
          %mul3A_148 = arith.constant 8 : i32
          %mul3A_149 = arith.muli %scan3A_147, %mul3A_148 : i32
          %add3A_150 = arith.addi %mul3A_140, %mul3A_149 : i32
          %add3A_151 = arith.constant 0 : i32
          %add3A_152 = arith.addi %add3A_150, %add3A_151 : i32
          %mul3A_153 = arith.constant 8 : i32
          %mul3A_154 = arith.muli %scan3A_147, %mul3A_153 : i32
          %add3A_155 = arith.constant 0 : i32
          %add3A_156 = arith.addi %mul3A_154, %add3A_155 : i32
          %broadcast_in_dim3A_157 = vector.broadcast %add3A_156 : i32 to vector<16xi32>
          %get3A = arith.index_cast %add3A_152 : i32 to index
          %get3A_158 = arith.constant 0 : index
          %get3A_159 = tpu.vector_load %arg14[%get3A, %get3A_158] {strides = array<i32>} : memref<640x32xf32, #tpu.memory_space<vmem>>, vector<16xf32>,
          %get3A_160 = arith.index_cast %add3A_152 : i32 to index
          %get3A_161 = arith.constant 16 : index
          %get3A_162 = tpu.vector_load %arg14[%get3A_160, %get3A_161] {strides = array<i32>} : memref<640x32xf32, #tpu.memory_space<vmem>>, vector<16xf32>,
          %scatter3A = arith.constant 0 : i32
          %scatter3A_163 = arith.constant 0 : i32
          %scatter3A_164 = tpu.memref_slice %arg16[%scan3A_138, %scatter3A, %scatter3A_163] : memref<10x32x65xf32, #tpu.memory_space<vmem>> -> memref<1x32x65xf32, #tpu.memory_space<vmem>>
          %scatter3A_165 = tpu.memref_squeeze %scatter3A_164 : memref<1x32x65xf32, #tpu.memory_space<vmem>> -> memref<32x65xf32, #tpu.memory_space<vmem>>
          tpu.vector_store_idx %scatter3A_165[%iota3A, %broadcast_in_dim3A_157], %get3A_159 : memref<32x65xf32, #tpu.memory_space<vmem>>[vector<16xi32>, vector<16xi32>], vector<16xf32>,
          %scatter3A_166 = arith.constant 0 : i32
          %scatter3A_167 = arith.constant 0 : i32
          %scatter3A_168 = tpu.memref_slice %arg16[%scan3A_138, %scatter3A_166, %scatter3A_167] : memref<10x32x65xf32, #tpu.memory_space<vmem>> -> memref<1x32x65xf32, #tpu.memory_space<vmem>>
          %scatter3A_169 = tpu.memref_squeeze %scatter3A_168 : memref<1x32x65xf32, #tpu.memory_space<vmem>> -> memref<32x65xf32, #tpu.memory_space<vmem>>
          tpu.vector_store_idx %scatter3A_169[%add3A_3, %broadcast_in_dim3A_157], %get3A_162 : memref<32x65xf32, #tpu.memory_space<vmem>>[vector<16xi32>, vector<16xi32>], vector<16xf32>,
          %add3A_170 = arith.constant 1 : i32
          %add3A_171 = arith.addi %add3A_150, %add3A_170 : i32
          %mul3A_172 = arith.constant 8 : i32
          %mul3A_173 = arith.muli %scan3A_147, %mul3A_172 : i32
          %add3A_174 = arith.constant 1 : i32
          %add3A_175 = arith.addi %mul3A_173, %add3A_174 : i32
          %broadcast_in_dim3A_176 = vector.broadcast %add3A_175 : i32 to vector<16xi32>
          %get3A_177 = arith.index_cast %add3A_171 : i32 to index
          %get3A_178 = arith.constant 0 : index
          %get3A_179 = tpu.vector_load %arg14[%get3A_177, %get3A_178] {strides = array<i32>} : memref<640x32xf32, #tpu.memory_space<vmem>>, vector<16xf32>,
          %get3A_180 = arith.index_cast %add3A_171 : i32 to index
          %get3A_181 = arith.constant 16 : index
          %get3A_182 = tpu.vector_load %arg14[%get3A_180, %get3A_181] {strides = array<i32>} : memref<640x32xf32, #tpu.memory_space<vmem>>, vector<16xf32>,
          %scatter3A_183 = arith.constant 0 : i32
          %scatter3A_184 = arith.constant 0 : i32
          %scatter3A_185 = tpu.memref_slice %arg16[%scan3A_138, %scatter3A_183, %scatter3A_184] : memref<10x32x65xf32, #tpu.memory_space<vmem>> -> memref<1x32x65xf32, #tpu.memory_space<vmem>>
          %scatter3A_186 = tpu.memref_squeeze %scatter3A_185 : memref<1x32x65xf32, #tpu.memory_space<vmem>> -> memref<32x65xf32, #tpu.memory_space<vmem>>
          tpu.vector_store_idx %scatter3A_186[%iota3A, %broadcast_in_dim3A_176], %get3A_179 : memref<32x65xf32, #tpu.memory_space<vmem>>[vector<16xi32>, vector<16xi32>], vector<16xf32>,
          %scatter3A_187 = arith.constant 0 : i32
          %scatter3A_188 = arith.constant 0 : i32
          %scatter3A_189 = tpu.memref_slice %arg16[%scan3A_138, %scatter3A_187, %scatter3A_188] : memref<10x32x65xf32, #tpu.memory_space<vmem>> -> memref<1x32x65xf32, #tpu.memory_space<vmem>>
          %scatter3A_190 = tpu.memref_squeeze %scatter3A_189 : memref<1x32x65xf32, #tpu.memory_space<vmem>> -> memref<32x65xf32, #tpu.memory_space<vmem>>
          tpu.vector_store_idx %scatter3A_190[%add3A_3, %broadcast_in_dim3A_176], %get3A_182 : memref<32x65xf32, #tpu.memory_space<vmem>>[vector<16xi32>, vector<16xi32>], vector<16xf32>,
          %add3A_191 = arith.constant 2 : i32
          %add3A_192 = arith.addi %add3A_150, %add3A_191 : i32
          %mul3A_193 = arith.constant 8 : i32
          %mul3A_194 = arith.muli %scan3A_147, %mul3A_193 : i32
          %add3A_195 = arith.constant 2 : i32
          %add3A_196 = arith.addi %mul3A_194, %add3A_195 : i32
          %broadcast_in_dim3A_197 = vector.broadcast %add3A_196 : i32 to vector<16xi32>
          %get3A_198 = arith.index_cast %add3A_192 : i32 to index
          %get3A_199 = arith.constant 0 : index
          %get3A_200 = tpu.vector_load %arg14[%get3A_198, %get3A_199] {strides = array<i32>} : memref<640x32xf32, #tpu.memory_space<vmem>>, vector<16xf32>,
          %get3A_201 = arith.index_cast %add3A_192 : i32 to index
          %get3A_202 = arith.constant 16 : index
          %get3A_203 = tpu.vector_load %arg14[%get3A_201, %get3A_202] {strides = array<i32>} : memref<640x32xf32, #tpu.memory_space<vmem>>, vector<16xf32>,
          %scatter3A_204 = arith.constant 0 : i32
          %scatter3A_205 = arith.constant 0 : i32
          %scatter3A_206 = tpu.memref_slice %arg16[%scan3A_138, %scatter3A_204, %scatter3A_205] : memref<10x32x65xf32, #tpu.memory_space<vmem>> -> memref<1x32x65xf32, #tpu.memory_space<vmem>>
          %scatter3A_207 = tpu.memref_squeeze %scatter3A_206 : memref<1x32x65xf32, #tpu.memory_space<vmem>> -> memref<32x65xf32, #tpu.memory_space<vmem>>
          tpu.vector_store_idx %scatter3A_207[%iota3A, %broadcast_in_dim3A_197], %get3A_200 : memref<32x65xf32, #tpu.memory_space<vmem>>[vector<16xi32>, vector<16xi32>], vector<16xf32>,
          %scatter3A_208 = arith.constant 0 : i32
          %scatter3A_209 = arith.constant 0 : i32
          %scatter3A_210 = tpu.memref_slice %arg16[%scan3A_138, %scatter3A_208, %scatter3A_209] : memref<10x32x65xf32, #tpu.memory_space<vmem>> -> memref<1x32x65xf32, #tpu.memory_space<vmem>>
          %scatter3A_211 = tpu.memref_squeeze %scatter3A_210 : memref<1x32x65xf32, #tpu.memory_space<vmem>> -> memref<32x65xf32, #tpu.memory_space<vmem>>
          tpu.vector_store_idx %scatter3A_211[%add3A_3, %broadcast_in_dim3A_197], %get3A_203 : memref<32x65xf32, #tpu.memory_space<vmem>>[vector<16xi32>, vector<16xi32>], vector<16xf32>,
          %add3A_212 = arith.constant 3 : i32
          %add3A_213 = arith.addi %add3A_150, %add3A_212 : i32
          %mul3A_214 = arith.constant 8 : i32
          %mul3A_215 = arith.muli %scan3A_147, %mul3A_214 : i32
          %add3A_216 = arith.constant 3 : i32
          %add3A_217 = arith.addi %mul3A_215, %add3A_216 : i32
          %broadcast_in_dim3A_218 = vector.broadcast %add3A_217 : i32 to vector<16xi32>
          %get3A_219 = arith.index_cast %add3A_213 : i32 to index
          %get3A_220 = arith.constant 0 : index
          %get3A_221 = tpu.vector_load %arg14[%get3A_219, %get3A_220] {strides = array<i32>} : memref<640x32xf32, #tpu.memory_space<vmem>>, vector<16xf32>,
          %get3A_222 = arith.index_cast %add3A_213 : i32 to index
          %get3A_223 = arith.constant 16 : index
          %get3A_224 = tpu.vector_load %arg14[%get3A_222, %get3A_223] {strides = array<i32>} : memref<640x32xf32, #tpu.memory_space<vmem>>, vector<16xf32>,
          %scatter3A_225 = arith.constant 0 : i32
          %scatter3A_226 = arith.constant 0 : i32
          %scatter3A_227 = tpu.memref_slice %arg16[%scan3A_138, %scatter3A_225, %scatter3A_226] : memref<10x32x65xf32, #tpu.memory_space<vmem>> -> memref<1x32x65xf32, #tpu.memory_space<vmem>>
          %scatter3A_228 = tpu.memref_squeeze %scatter3A_227 : memref<1x32x65xf32, #tpu.memory_space<vmem>> -> memref<32x65xf32, #tpu.memory_space<vmem>>
          tpu.vector_store_idx %scatter3A_228[%iota3A, %broadcast_in_dim3A_218], %get3A_221 : memref<32x65xf32, #tpu.memory_space<vmem>>[vector<16xi32>, vector<16xi32>], vector<16xf32>,
          %scatter3A_229 = arith.constant 0 : i32
          %scatter3A_230 = arith.constant 0 : i32
          %scatter3A_231 = tpu.memref_slice %arg16[%scan3A_138, %scatter3A_229, %scatter3A_230] : memref<10x32x65xf32, #tpu.memory_space<vmem>> -> memref<1x32x65xf32, #tpu.memory_space<vmem>>
          %scatter3A_232 = tpu.memref_squeeze %scatter3A_231 : memref<1x32x65xf32, #tpu.memory_space<vmem>> -> memref<32x65xf32, #tpu.memory_space<vmem>>
          tpu.vector_store_idx %scatter3A_232[%add3A_3, %broadcast_in_dim3A_218], %get3A_224 : memref<32x65xf32, #tpu.memory_space<vmem>>[vector<16xi32>, vector<16xi32>], vector<16xf32>,
          %add3A_233 = arith.constant 4 : i32
          %add3A_234 = arith.addi %add3A_150, %add3A_233 : i32
          %mul3A_235 = arith.constant 8 : i32
          %mul3A_236 = arith.muli %scan3A_147, %mul3A_235 : i32
          %add3A_237 = arith.constant 4 : i32
          %add3A_238 = arith.addi %mul3A_236, %add3A_237 : i32
          %broadcast_in_dim3A_239 = vector.broadcast %add3A_238 : i32 to vector<16xi32>
          %get3A_240 = arith.index_cast %add3A_234 : i32 to index
          %get3A_241 = arith.constant 0 : index
          %get3A_242 = tpu.vector_load %arg14[%get3A_240, %get3A_241] {strides = array<i32>} : memref<640x32xf32, #tpu.memory_space<vmem>>, vector<16xf32>,
          %get3A_243 = arith.index_cast %add3A_234 : i32 to index
          %get3A_244 = arith.constant 16 : index
          %get3A_245 = tpu.vector_load %arg14[%get3A_243, %get3A_244] {strides = array<i32>} : memref<640x32xf32, #tpu.memory_space<vmem>>, vector<16xf32>,
          %scatter3A_246 = arith.constant 0 : i32
          %scatter3A_247 = arith.constant 0 : i32
          %scatter3A_248 = tpu.memref_slice %arg16[%scan3A_138, %scatter3A_246, %scatter3A_247] : memref<10x32x65xf32, #tpu.memory_space<vmem>> -> memref<1x32x65xf32, #tpu.memory_space<vmem>>
          %scatter3A_249 = tpu.memref_squeeze %scatter3A_248 : memref<1x32x65xf32, #tpu.memory_space<vmem>> -> memref<32x65xf32, #tpu.memory_space<vmem>>
          tpu.vector_store_idx %scatter3A_249[%iota3A, %broadcast_in_dim3A_239], %get3A_242 : memref<32x65xf32, #tpu.memory_space<vmem>>[vector<16xi32>, vector<16xi32>], vector<16xf32>,
          %scatter3A_250 = arith.constant 0 : i32
          %scatter3A_251 = arith.constant 0 : i32
          %scatter3A_252 = tpu.memref_slice %arg16[%scan3A_138, %scatter3A_250, %scatter3A_251] : memref<10x32x65xf32, #tpu.memory_space<vmem>> -> memref<1x32x65xf32, #tpu.memory_space<vmem>>
          %scatter3A_253 = tpu.memref_squeeze %scatter3A_252 : memref<1x32x65xf32, #tpu.memory_space<vmem>> -> memref<32x65xf32, #tpu.memory_space<vmem>>
          tpu.vector_store_idx %scatter3A_253[%add3A_3, %broadcast_in_dim3A_239], %get3A_245 : memref<32x65xf32, #tpu.memory_space<vmem>>[vector<16xi32>, vector<16xi32>], vector<16xf32>,
          %add3A_254 = arith.constant 5 : i32
          %add3A_255 = arith.addi %add3A_150, %add3A_254 : i32
          %mul3A_256 = arith.constant 8 : i32
          %mul3A_257 = arith.muli %scan3A_147, %mul3A_256 : i32
          %add3A_258 = arith.constant 5 : i32
          %add3A_259 = arith.addi %mul3A_257, %add3A_258 : i32
          %broadcast_in_dim3A_260 = vector.broadcast %add3A_259 : i32 to vector<16xi32>
          %get3A_261 = arith.index_cast %add3A_255 : i32 to index
          %get3A_262 = arith.constant 0 : index
          %get3A_263 = tpu.vector_load %arg14[%get3A_261, %get3A_262] {strides = array<i32>} : memref<640x32xf32, #tpu.memory_space<vmem>>, vector<16xf32>,
          %get3A_264 = arith.index_cast %add3A_255 : i32 to index
          %get3A_265 = arith.constant 16 : index
          %get3A_266 = tpu.vector_load %arg14[%get3A_264, %get3A_265] {strides = array<i32>} : memref<640x32xf32, #tpu.memory_space<vmem>>, vector<16xf32>,
          %scatter3A_267 = arith.constant 0 : i32
          %scatter3A_268 = arith.constant 0 : i32
          %scatter3A_269 = tpu.memref_slice %arg16[%scan3A_138, %scatter3A_267, %scatter3A_268] : memref<10x32x65xf32, #tpu.memory_space<vmem>> -> memref<1x32x65xf32, #tpu.memory_space<vmem>>
          %scatter3A_270 = tpu.memref_squeeze %scatter3A_269 : memref<1x32x65xf32, #tpu.memory_space<vmem>> -> memref<32x65xf32, #tpu.memory_space<vmem>>
          tpu.vector_store_idx %scatter3A_270[%iota3A, %broadcast_in_dim3A_260], %get3A_263 : memref<32x65xf32, #tpu.memory_space<vmem>>[vector<16xi32>, vector<16xi32>], vector<16xf32>,
          %scatter3A_271 = arith.constant 0 : i32
          %scatter3A_272 = arith.constant 0 : i32
          %scatter3A_273 = tpu.memref_slice %arg16[%scan3A_138, %scatter3A_271, %scatter3A_272] : memref<10x32x65xf32, #tpu.memory_space<vmem>> -> memref<1x32x65xf32, #tpu.memory_space<vmem>>
          %scatter3A_274 = tpu.memref_squeeze %scatter3A_273 : memref<1x32x65xf32, #tpu.memory_space<vmem>> -> memref<32x65xf32, #tpu.memory_space<vmem>>
          tpu.vector_store_idx %scatter3A_274[%add3A_3, %broadcast_in_dim3A_260], %get3A_266 : memref<32x65xf32, #tpu.memory_space<vmem>>[vector<16xi32>, vector<16xi32>], vector<16xf32>,
          %add3A_275 = arith.constant 6 : i32
          %add3A_276 = arith.addi %add3A_150, %add3A_275 : i32
          %mul3A_277 = arith.constant 8 : i32
          %mul3A_278 = arith.muli %scan3A_147, %mul3A_277 : i32
          %add3A_279 = arith.constant 6 : i32
          %add3A_280 = arith.addi %mul3A_278, %add3A_279 : i32
          %broadcast_in_dim3A_281 = vector.broadcast %add3A_280 : i32 to vector<16xi32>
          %get3A_282 = arith.index_cast %add3A_276 : i32 to index
          %get3A_283 = arith.constant 0 : index
          %get3A_284 = tpu.vector_load %arg14[%get3A_282, %get3A_283] {strides = array<i32>} : memref<640x32xf32, #tpu.memory_space<vmem>>, vector<16xf32>,
          %get3A_285 = arith.index_cast %add3A_276 : i32 to index
          %get3A_286 = arith.constant 16 : index
          %get3A_287 = tpu.vector_load %arg14[%get3A_285, %get3A_286] {strides = array<i32>} : memref<640x32xf32, #tpu.memory_space<vmem>>, vector<16xf32>,
          %scatter3A_288 = arith.constant 0 : i32
          %scatter3A_289 = arith.constant 0 : i32
          %scatter3A_290 = tpu.memref_slice %arg16[%scan3A_138, %scatter3A_288, %scatter3A_289] : memref<10x32x65xf32, #tpu.memory_space<vmem>> -> memref<1x32x65xf32, #tpu.memory_space<vmem>>
          %scatter3A_291 = tpu.memref_squeeze %scatter3A_290 : memref<1x32x65xf32, #tpu.memory_space<vmem>> -> memref<32x65xf32, #tpu.memory_space<vmem>>
          tpu.vector_store_idx %scatter3A_291[%iota3A, %broadcast_in_dim3A_281], %get3A_284 : memref<32x65xf32, #tpu.memory_space<vmem>>[vector<16xi32>, vector<16xi32>], vector<16xf32>,
          %scatter3A_292 = arith.constant 0 : i32
          %scatter3A_293 = arith.constant 0 : i32
          %scatter3A_294 = tpu.memref_slice %arg16[%scan3A_138, %scatter3A_292, %scatter3A_293] : memref<10x32x65xf32, #tpu.memory_space<vmem>> -> memref<1x32x65xf32, #tpu.memory_space<vmem>>
          %scatter3A_295 = tpu.memref_squeeze %scatter3A_294 : memref<1x32x65xf32, #tpu.memory_space<vmem>> -> memref<32x65xf32, #tpu.memory_space<vmem>>
          tpu.vector_store_idx %scatter3A_295[%add3A_3, %broadcast_in_dim3A_281], %get3A_287 : memref<32x65xf32, #tpu.memory_space<vmem>>[vector<16xi32>, vector<16xi32>], vector<16xf32>,
          %add3A_296 = arith.constant 7 : i32
          %add3A_297 = arith.addi %add3A_150, %add3A_296 : i32
          %mul3A_298 = arith.constant 8 : i32
          %mul3A_299 = arith.muli %scan3A_147, %mul3A_298 : i32
          %add3A_300 = arith.constant 7 : i32
          %add3A_301 = arith.addi %mul3A_299, %add3A_300 : i32
          %broadcast_in_dim3A_302 = vector.broadcast %add3A_301 : i32 to vector<16xi32>
          %get3A_303 = arith.index_cast %add3A_297 : i32 to index
          %get3A_304 = arith.constant 0 : index
          %get3A_305 = tpu.vector_load %arg14[%get3A_303, %get3A_304] {strides = array<i32>} : memref<640x32xf32, #tpu.memory_space<vmem>>, vector<16xf32>,
          %get3A_306 = arith.index_cast %add3A_297 : i32 to index
          %get3A_307 = arith.constant 16 : index
          %get3A_308 = tpu.vector_load %arg14[%get3A_306, %get3A_307] {strides = array<i32>} : memref<640x32xf32, #tpu.memory_space<vmem>>, vector<16xf32>,
          %scatter3A_309 = arith.constant 0 : i32
          %scatter3A_310 = arith.constant 0 : i32
          %scatter3A_311 = tpu.memref_slice %arg16[%scan3A_138, %scatter3A_309, %scatter3A_310] : memref<10x32x65xf32, #tpu.memory_space<vmem>> -> memref<1x32x65xf32, #tpu.memory_space<vmem>>
          %scatter3A_312 = tpu.memref_squeeze %scatter3A_311 : memref<1x32x65xf32, #tpu.memory_space<vmem>> -> memref<32x65xf32, #tpu.memory_space<vmem>>
          tpu.vector_store_idx %scatter3A_312[%iota3A, %broadcast_in_dim3A_302], %get3A_305 : memref<32x65xf32, #tpu.memory_space<vmem>>[vector<16xi32>, vector<16xi32>], vector<16xf32>,
          %scatter3A_313 = arith.constant 0 : i32
          %scatter3A_314 = arith.constant 0 : i32
          %scatter3A_315 = tpu.memref_slice %arg16[%scan3A_138, %scatter3A_313, %scatter3A_314] : memref<10x32x65xf32, #tpu.memory_space<vmem>> -> memref<1x32x65xf32, #tpu.memory_space<vmem>>
          %scatter3A_316 = tpu.memref_squeeze %scatter3A_315 : memref<1x32x65xf32, #tpu.memory_space<vmem>> -> memref<32x65xf32, #tpu.memory_space<vmem>>
          tpu.vector_store_idx %scatter3A_316[%add3A_3, %broadcast_in_dim3A_302], %get3A_308 : memref<32x65xf32, #tpu.memory_space<vmem>>[vector<16xi32>, vector<16xi32>], vector<16xf32>,
        }
        %scan3A_146 = arith.constant 8 : i32
      }
      %scan3A_128 = arith.constant 10 : i32
      "tpu.region"() ({
        %run_scoped3A = tpu.sem_alloc : memref<!tpu.dma_semaphore, #tpu.memory_space<semaphore_mem>>
        %dma_start3A_138 = arith.constant 0 : i32
        %dma_start3A_139 = arith.constant 0 : i32
        %dma_start3A_140 = arith.constant 0 : i32
        %dma_start3A_141 = tpu.memref_slice %arg16[%dma_start3A_138, %dma_start3A_139, %dma_start3A_140] : memref<10x32x65xf32, #tpu.memory_space<vmem>> -> memref<10x32x64xf32, #tpu.memory_space<vmem>>
        %dma_start3A_142 = arith.constant 40 : i32
        %dma_start3A_143 = arith.constant 0 : i32
        %dma_start3A_144 = tpu.memref_slice %arg6[%dma_start3A_142, %dma_start3A_143, %add3A_15] : memref<50x32x16384xf32, #tpu.memory_space<hbm>> -> memref<10x32x64xf32, #tpu.memory_space<hbm>>
        %dma_start3A_145 = arith.constant 40 : i32
        %dma_start3A_146 = arith.constant 0 : i32
        %dma_start3A_147 = tpu.memref_slice %arg6[%dma_start3A_145, %dma_start3A_146, %add3A_15] : memref<50x32x16384xf32, #tpu.memory_space<hbm>> -> memref<10x32x64xf32, #tpu.memory_space<hbm>>
        %dma_start3A_148 = arith.constant 0 : i32
        %dma_start3A_149 = arith.constant 0 : i32
        %dma_start3A_150 = arith.constant 0 : i32
        %dma_start3A_151 = tpu.memref_slice %arg16[%dma_start3A_148, %dma_start3A_149, %dma_start3A_150] : memref<10x32x65xf32, #tpu.memory_space<vmem>> -> memref<10x32x64xf32, #tpu.memory_space<vmem>>
        tpu.enqueue_dma source(%dma_start3A_151 : memref<10x32x64xf32, #tpu.memory_space<vmem>>) target(%dma_start3A_147 : memref<10x32x64xf32, #tpu.memory_space<hbm>>) target_semaphore(%run_scoped3A : memref<!tpu.dma_semaphore, #tpu.memory_space<semaphore_mem>>)
        %dma_wait3A_152 = arith.constant 0 : i32
        %dma_wait3A_153 = arith.constant 0 : i32
        %dma_wait3A_154 = arith.constant 0 : i32
        %dma_wait3A_155 = tpu.memref_slice %arg16[%dma_wait3A_152, %dma_wait3A_153, %dma_wait3A_154] : memref<10x32x65xf32, #tpu.memory_space<vmem>> -> memref<10x32x64xf32, #tpu.memory_space<vmem>>
        %dma_wait3A_156 = arith.constant 40 : i32
        %dma_wait3A_157 = arith.constant 0 : i32
        %dma_wait3A_158 = tpu.memref_slice %arg6[%dma_wait3A_156, %dma_wait3A_157, %add3A_15] : memref<50x32x16384xf32, #tpu.memory_space<hbm>> -> memref<10x32x64xf32, #tpu.memory_space<hbm>>
        %dma_wait3A_159 = arith.constant 40 : i32
        %dma_wait3A_160 = arith.constant 0 : i32
        %dma_wait3A_161 = tpu.memref_slice %arg6[%dma_wait3A_159, %dma_wait3A_160, %add3A_15] : memref<50x32x16384xf32, #tpu.memory_space<hbm>> -> memref<10x32x64xf32, #tpu.memory_space<hbm>>
        %dma_wait3A_162 = arith.constant 0 : i32
        %dma_wait3A_163 = arith.constant 0 : i32
        %dma_wait3A_164 = arith.constant 0 : i32
        %dma_wait3A_165 = tpu.memref_slice %arg16[%dma_wait3A_162, %dma_wait3A_163, %dma_wait3A_164] : memref<10x32x65xf32, #tpu.memory_space<vmem>> -> memref<10x32x64xf32, #tpu.memory_space<vmem>>
        tpu.wait_dma2 semaphore(%run_scoped3A : memref<!tpu.dma_semaphore, #tpu.memory_space<semaphore_mem>>) src(%dma_wait3A_165 : memref<10x32x64xf32, #tpu.memory_space<vmem>>) dst(%dma_wait3A_161 : memref<10x32x64xf32, #tpu.memory_space<hbm>>)
        tpu.yield
      }) : () -> ()
      %dma_wait3A_129 = arith.constant 0 : i32
      %dma_wait3A_130 = arith.constant 0 : i32
      %dma_wait3A_131 = tpu.memref_slice %arg2[%dma_wait3A_129, %dma_wait3A_130] : memref<1000000x32xf32, #tpu.memory_space<hbm>> -> memref<1000000x32xf32, #tpu.memory_space<hbm>>
      tpu.wait_indirect_dma semaphore(%arg17 : memref<!tpu.dma_semaphore, #tpu.memory_space<semaphore_mem>>) src(%dma_wait3A_131 : memref<1000000x32xf32, #tpu.memory_space<hbm>>) dst(%arg10 : memref<64x32xf32, #tpu.memory_space<vmem>>)
      %scan3A_132 = arith.constant 0 : i32
      %scan3A_133 = arith.constant 0 : i32
      %scan3A_134 = arith.constant 8 : i32
      %scan3A_135 = arith.addi %scan3A_133, %scan3A_134 : i32
      %scan3A_136 = arith.constant 1 : i32
      scf.for %scan3A_138 = %scan3A_133 to %scan3A_135 step %scan3A_136  : i32 {
        %mul3A_139 = arith.constant 8 : i32
        %mul3A_140 = arith.muli %scan3A_138, %mul3A_139 : i32
        %add3A_141 = arith.constant 0 : i32
        %add3A_142 = arith.addi %mul3A_140, %add3A_141 : i32
        %broadcast_in_dim3A_143 = vector.broadcast %add3A_142 : i32 to vector<16xi32>
        %get3A = arith.index_cast %add3A_142 : i32 to index
        %get3A_144 = arith.constant 0 : index
        %get3A_145 = tpu.vector_load %arg10[%get3A, %get3A_144] {strides = array<i32>} : memref<64x32xf32, #tpu.memory_space<vmem>>, vector<16xf32>,
        %get3A_146 = arith.index_cast %add3A_142 : i32 to index
        %get3A_147 = arith.constant 16 : index
        %get3A_148 = tpu.vector_load %arg10[%get3A_146, %get3A_147] {strides = array<i32>} : memref<64x32xf32, #tpu.memory_space<vmem>>, vector<16xf32>,
        tpu.vector_store_idx %arg11[%iota3A, %broadcast_in_dim3A_143], %get3A_145 : memref<32x65xf32, #tpu.memory_space<vmem>>[vector<16xi32>, vector<16xi32>], vector<16xf32>,
        tpu.vector_store_idx %arg11[%add3A_3, %broadcast_in_dim3A_143], %get3A_148 : memref<32x65xf32, #tpu.memory_space<vmem>>[vector<16xi32>, vector<16xi32>], vector<16xf32>,
        %mul3A_149 = arith.constant 8 : i32
        %mul3A_150 = arith.muli %scan3A_138, %mul3A_149 : i32
        %add3A_151 = arith.constant 1 : i32
        %add3A_152 = arith.addi %mul3A_150, %add3A_151 : i32
        %broadcast_in_dim3A_153 = vector.broadcast %add3A_152 : i32 to vector<16xi32>
        %get3A_154 = arith.index_cast %add3A_152 : i32 to index
        %get3A_155 = arith.constant 0 : index
        %get3A_156 = tpu.vector_load %arg10[%get3A_154, %get3A_155] {strides = array<i32>} : memref<64x32xf32, #tpu.memory_space<vmem>>, vector<16xf32>,
        %get3A_157 = arith.index_cast %add3A_152 : i32 to index
        %get3A_158 = arith.constant 16 : index
        %get3A_159 = tpu.vector_load %arg10[%get3A_157, %get3A_158] {strides = array<i32>} : memref<64x32xf32, #tpu.memory_space<vmem>>, vector<16xf32>,
        tpu.vector_store_idx %arg11[%iota3A, %broadcast_in_dim3A_153], %get3A_156 : memref<32x65xf32, #tpu.memory_space<vmem>>[vector<16xi32>, vector<16xi32>], vector<16xf32>,
        tpu.vector_store_idx %arg11[%add3A_3, %broadcast_in_dim3A_153], %get3A_159 : memref<32x65xf32, #tpu.memory_space<vmem>>[vector<16xi32>, vector<16xi32>], vector<16xf32>,
        %mul3A_160 = arith.constant 8 : i32
        %mul3A_161 = arith.muli %scan3A_138, %mul3A_160 : i32
        %add3A_162 = arith.constant 2 : i32
        %add3A_163 = arith.addi %mul3A_161, %add3A_162 : i32
        %broadcast_in_dim3A_164 = vector.broadcast %add3A_163 : i32 to vector<16xi32>
        %get3A_165 = arith.index_cast %add3A_163 : i32 to index
        %get3A_166 = arith.constant 0 : index
        %get3A_167 = tpu.vector_load %arg10[%get3A_165, %get3A_166] {strides = array<i32>} : memref<64x32xf32, #tpu.memory_space<vmem>>, vector<16xf32>,
        %get3A_168 = arith.index_cast %add3A_163 : i32 to index
        %get3A_169 = arith.constant 16 : index
        %get3A_170 = tpu.vector_load %arg10[%get3A_168, %get3A_169] {strides = array<i32>} : memref<64x32xf32, #tpu.memory_space<vmem>>, vector<16xf32>,
        tpu.vector_store_idx %arg11[%iota3A, %broadcast_in_dim3A_164], %get3A_167 : memref<32x65xf32, #tpu.memory_space<vmem>>[vector<16xi32>, vector<16xi32>], vector<16xf32>,
        tpu.vector_store_idx %arg11[%add3A_3, %broadcast_in_dim3A_164], %get3A_170 : memref<32x65xf32, #tpu.memory_space<vmem>>[vector<16xi32>, vector<16xi32>], vector<16xf32>,
        %mul3A_171 = arith.constant 8 : i32
        %mul3A_172 = arith.muli %scan3A_138, %mul3A_171 : i32
        %add3A_173 = arith.constant 3 : i32
        %add3A_174 = arith.addi %mul3A_172, %add3A_173 : i32
        %broadcast_in_dim3A_175 = vector.broadcast %add3A_174 : i32 to vector<16xi32>
        %get3A_176 = arith.index_cast %add3A_174 : i32 to index
        %get3A_177 = arith.constant 0 : index
        %get3A_178 = tpu.vector_load %arg10[%get3A_176, %get3A_177] {strides = array<i32>} : memref<64x32xf32, #tpu.memory_space<vmem>>, vector<16xf32>,
        %get3A_179 = arith.index_cast %add3A_174 : i32 to index
        %get3A_180 = arith.constant 16 : index
        %get3A_181 = tpu.vector_load %arg10[%get3A_179, %get3A_180] {strides = array<i32>} : memref<64x32xf32, #tpu.memory_space<vmem>>, vector<16xf32>,
        tpu.vector_store_idx %arg11[%iota3A, %broadcast_in_dim3A_175], %get3A_178 : memref<32x65xf32, #tpu.memory_space<vmem>>[vector<16xi32>, vector<16xi32>], vector<16xf32>,
        tpu.vector_store_idx %arg11[%add3A_3, %broadcast_in_dim3A_175], %get3A_181 : memref<32x65xf32, #tpu.memory_space<vmem>>[vector<16xi32>, vector<16xi32>], vector<16xf32>,
        %mul3A_182 = arith.constant 8 : i32
        %mul3A_183 = arith.muli %scan3A_138, %mul3A_182 : i32
        %add3A_184 = arith.constant 4 : i32
        %add3A_185 = arith.addi %mul3A_183, %add3A_184 : i32
        %broadcast_in_dim3A_186 = vector.broadcast %add3A_185 : i32 to vector<16xi32>
        %get3A_187 = arith.index_cast %add3A_185 : i32 to index
        %get3A_188 = arith.constant 0 : index
        %get3A_189 = tpu.vector_load %arg10[%get3A_187, %get3A_188] {strides = array<i32>} : memref<64x32xf32, #tpu.memory_space<vmem>>, vector<16xf32>,
        %get3A_190 = arith.index_cast %add3A_185 : i32 to index
        %get3A_191 = arith.constant 16 : index
        %get3A_192 = tpu.vector_load %arg10[%get3A_190, %get3A_191] {strides = array<i32>} : memref<64x32xf32, #tpu.memory_space<vmem>>, vector<16xf32>,
        tpu.vector_store_idx %arg11[%iota3A, %broadcast_in_dim3A_186], %get3A_189 : memref<32x65xf32, #tpu.memory_space<vmem>>[vector<16xi32>, vector<16xi32>], vector<16xf32>,
        tpu.vector_store_idx %arg11[%add3A_3, %broadcast_in_dim3A_186], %get3A_192 : memref<32x65xf32, #tpu.memory_space<vmem>>[vector<16xi32>, vector<16xi32>], vector<16xf32>,
        %mul3A_193 = arith.constant 8 : i32
        %mul3A_194 = arith.muli %scan3A_138, %mul3A_193 : i32
        %add3A_195 = arith.constant 5 : i32
        %add3A_196 = arith.addi %mul3A_194, %add3A_195 : i32
        %broadcast_in_dim3A_197 = vector.broadcast %add3A_196 : i32 to vector<16xi32>
        %get3A_198 = arith.index_cast %add3A_196 : i32 to index
        %get3A_199 = arith.constant 0 : index
        %get3A_200 = tpu.vector_load %arg10[%get3A_198, %get3A_199] {strides = array<i32>} : memref<64x32xf32, #tpu.memory_space<vmem>>, vector<16xf32>,
        %get3A_201 = arith.index_cast %add3A_196 : i32 to index
        %get3A_202 = arith.constant 16 : index
        %get3A_203 = tpu.vector_load %arg10[%get3A_201, %get3A_202] {strides = array<i32>} : memref<64x32xf32, #tpu.memory_space<vmem>>, vector<16xf32>,
        tpu.vector_store_idx %arg11[%iota3A, %broadcast_in_dim3A_197], %get3A_200 : memref<32x65xf32, #tpu.memory_space<vmem>>[vector<16xi32>, vector<16xi32>], vector<16xf32>,
        tpu.vector_store_idx %arg11[%add3A_3, %broadcast_in_dim3A_197], %get3A_203 : memref<32x65xf32, #tpu.memory_space<vmem>>[vector<16xi32>, vector<16xi32>], vector<16xf32>,
        %mul3A_204 = arith.constant 8 : i32
        %mul3A_205 = arith.muli %scan3A_138, %mul3A_204 : i32
        %add3A_206 = arith.constant 6 : i32
        %add3A_207 = arith.addi %mul3A_205, %add3A_206 : i32
        %broadcast_in_dim3A_208 = vector.broadcast %add3A_207 : i32 to vector<16xi32>
        %get3A_209 = arith.index_cast %add3A_207 : i32 to index
        %get3A_210 = arith.constant 0 : index
        %get3A_211 = tpu.vector_load %arg10[%get3A_209, %get3A_210] {strides = array<i32>} : memref<64x32xf32, #tpu.memory_space<vmem>>, vector<16xf32>,
        %get3A_212 = arith.index_cast %add3A_207 : i32 to index
        %get3A_213 = arith.constant 16 : index
        %get3A_214 = tpu.vector_load %arg10[%get3A_212, %get3A_213] {strides = array<i32>} : memref<64x32xf32, #tpu.memory_space<vmem>>, vector<16xf32>,
        tpu.vector_store_idx %arg11[%iota3A, %broadcast_in_dim3A_208], %get3A_211 : memref<32x65xf32, #tpu.memory_space<vmem>>[vector<16xi32>, vector<16xi32>], vector<16xf32>,
        tpu.vector_store_idx %arg11[%add3A_3, %broadcast_in_dim3A_208], %get3A_214 : memref<32x65xf32, #tpu.memory_space<vmem>>[vector<16xi32>, vector<16xi32>], vector<16xf32>,
        %mul3A_215 = arith.constant 8 : i32
        %mul3A_216 = arith.muli %scan3A_138, %mul3A_215 : i32
        %add3A_217 = arith.constant 7 : i32
        %add3A_218 = arith.addi %mul3A_216, %add3A_217 : i32
        %broadcast_in_dim3A_219 = vector.broadcast %add3A_218 : i32 to vector<16xi32>
        %get3A_220 = arith.index_cast %add3A_218 : i32 to index
        %get3A_221 = arith.constant 0 : index
        %get3A_222 = tpu.vector_load %arg10[%get3A_220, %get3A_221] {strides = array<i32>} : memref<64x32xf32, #tpu.memory_space<vmem>>, vector<16xf32>,
        %get3A_223 = arith.index_cast %add3A_218 : i32 to index
        %get3A_224 = arith.constant 16 : index
        %get3A_225 = tpu.vector_load %arg10[%get3A_223, %get3A_224] {strides = array<i32>} : memref<64x32xf32, #tpu.memory_space<vmem>>, vector<16xf32>,
        tpu.vector_store_idx %arg11[%iota3A, %broadcast_in_dim3A_219], %get3A_222 : memref<32x65xf32, #tpu.memory_space<vmem>>[vector<16xi32>, vector<16xi32>], vector<16xf32>,
        tpu.vector_store_idx %arg11[%add3A_3, %broadcast_in_dim3A_219], %get3A_225 : memref<32x65xf32, #tpu.memory_space<vmem>>[vector<16xi32>, vector<16xi32>], vector<16xf32>,
      }
      %scan3A_137 = arith.constant 8 : i32
      "tpu.region"() ({
        %run_scoped3A = tpu.sem_alloc : memref<!tpu.dma_semaphore, #tpu.memory_space<semaphore_mem>>
        %dma_start3A_138 = arith.constant 0 : i32
        %dma_start3A_139 = arith.constant 0 : i32
        %dma_start3A_140 = tpu.memref_slice %arg11[%dma_start3A_138, %dma_start3A_139] : memref<32x65xf32, #tpu.memory_space<vmem>> -> memref<32x64xf32, #tpu.memory_space<vmem>>
        %dma_start3A_141 = arith.constant 0 : i32
        %dma_start3A_142 = tpu.memref_slice %arg5[%dma_start3A_141, %add3A_15] : memref<32x16384xf32, #tpu.memory_space<hbm>> -> memref<32x64xf32, #tpu.memory_space<hbm>>
        %dma_start3A_143 = arith.constant 0 : i32
        %dma_start3A_144 = tpu.memref_slice %arg5[%dma_start3A_143, %add3A_15] : memref<32x16384xf32, #tpu.memory_space<hbm>> -> memref<32x64xf32, #tpu.memory_space<hbm>>
        %dma_start3A_145 = arith.constant 0 : i32
        %dma_start3A_146 = arith.constant 0 : i32
        %dma_start3A_147 = tpu.memref_slice %arg11[%dma_start3A_145, %dma_start3A_146] : memref<32x65xf32, #tpu.memory_space<vmem>> -> memref<32x64xf32, #tpu.memory_space<vmem>>
        tpu.enqueue_dma source(%dma_start3A_147 : memref<32x64xf32, #tpu.memory_space<vmem>>) target(%dma_start3A_144 : memref<32x64xf32, #tpu.memory_space<hbm>>) target_semaphore(%run_scoped3A : memref<!tpu.dma_semaphore, #tpu.memory_space<semaphore_mem>>)
        %dma_wait3A_148 = arith.constant 0 : i32
        %dma_wait3A_149 = arith.constant 0 : i32
        %dma_wait3A_150 = tpu.memref_slice %arg11[%dma_wait3A_148, %dma_wait3A_149] : memref<32x65xf32, #tpu.memory_space<vmem>> -> memref<32x64xf32, #tpu.memory_space<vmem>>
        %dma_wait3A_151 = arith.constant 0 : i32
        %dma_wait3A_152 = tpu.memref_slice %arg5[%dma_wait3A_151, %add3A_15] : memref<32x16384xf32, #tpu.memory_space<hbm>> -> memref<32x64xf32, #tpu.memory_space<hbm>>
        %dma_wait3A_153 = arith.constant 0 : i32
        %dma_wait3A_154 = tpu.memref_slice %arg5[%dma_wait3A_153, %add3A_15] : memref<32x16384xf32, #tpu.memory_space<hbm>> -> memref<32x64xf32, #tpu.memory_space<hbm>>
        %dma_wait3A_155 = arith.constant 0 : i32
        %dma_wait3A_156 = arith.constant 0 : i32
        %dma_wait3A_157 = tpu.memref_slice %arg11[%dma_wait3A_155, %dma_wait3A_156] : memref<32x65xf32, #tpu.memory_space<vmem>> -> memref<32x64xf32, #tpu.memory_space<vmem>>
        tpu.wait_dma2 semaphore(%run_scoped3A : memref<!tpu.dma_semaphore, #tpu.memory_space<semaphore_mem>>) src(%dma_wait3A_157 : memref<32x64xf32, #tpu.memory_space<vmem>>) dst(%dma_wait3A_154 : memref<32x64xf32, #tpu.memory_space<hbm>>)
        tpu.yield
      }) : () -> ()
    }
    %scan3A_9 = arith.constant 8 : i32
    return
  }
}

module attributes {stable_mosaic.version = 14 : i64} {
  func.func @_tt_body(%arg0: i32, %arg1: memref<32x16384xf32, #tpu.memory_space<vmem>>, %arg2: memref<524288xf32, #tpu.memory_space<vmem>>) attributes {dimension_semantics = [#tpu.dimension_semantics<arbitrary>], iteration_bounds = array<i64: 62>, scalar_prefetch = 0 : i64, scratch_operands = 0 : i64, tpu.core_type = #tpu.core_type<tc>, window_params = [{transform_indices = @transform_0, window_bounds = array<i64: 32, 16384>}, {transform_indices = @transform_1, window_bounds = array<i64: 524288>}]} {
    %get3A = arith.constant 0 : index
    %get3A_0 = arith.constant 0 : index
    %get3A_1 = vector.load %arg1[%get3A, %get3A_0] : memref<32x16384xf32, #tpu.memory_space<vmem>>, vector<32x16384xf32>
    %transpose3A = tpu.transpose %get3A_1, [1, 0] : vector<32x16384xf32> -> vector<16384x32xf32>
    %reshape3A = vector.shape_cast %transpose3A : vector<16384x32xf32> to vector<4096x4x32xf32>
    %slice3A = vector.extract_strided_slice %reshape3A {offsets = [0, 0, 0], sizes = [4096, 1, 32], strides = [1, 1, 1]} : vector<4096x4x32xf32> to vector<4096x1x32xf32>
    %squeeze3A = vector.shape_cast %slice3A : vector<4096x1x32xf32> to vector<4096x32xf32>
    %slice3A_2 = vector.extract_strided_slice %reshape3A {offsets = [0, 1, 0], sizes = [4096, 1, 32], strides = [1, 1, 1]} : vector<4096x4x32xf32> to vector<4096x1x32xf32>
    %squeeze3A_3 = vector.shape_cast %slice3A_2 : vector<4096x1x32xf32> to vector<4096x32xf32>
    %slice3A_4 = vector.extract_strided_slice %reshape3A {offsets = [0, 2, 0], sizes = [4096, 1, 32], strides = [1, 1, 1]} : vector<4096x4x32xf32> to vector<4096x1x32xf32>
    %squeeze3A_5 = vector.shape_cast %slice3A_4 : vector<4096x1x32xf32> to vector<4096x32xf32>
    %slice3A_6 = vector.extract_strided_slice %reshape3A {offsets = [0, 3, 0], sizes = [4096, 1, 32], strides = [1, 1, 1]} : vector<4096x4x32xf32> to vector<4096x1x32xf32>
    %squeeze3A_7 = vector.shape_cast %slice3A_6 : vector<4096x1x32xf32> to vector<4096x32xf32>
    %concatenate3A = tpu.concatenate %squeeze3A, %squeeze3A_3, %squeeze3A_5, %squeeze3A_7 in 1 : vector<4096x32xf32>, vector<4096x32xf32>, vector<4096x32xf32>, vector<4096x32xf32> -> vector<4096x128xf32>
    %reshape3A_8 = vector.shape_cast %concatenate3A : vector<4096x128xf32> to vector<524288xf32>
    %swap3A = arith.constant 0 : index
    %swap3A_9 = vector.load %arg2[%swap3A] : memref<524288xf32, #tpu.memory_space<vmem>>, vector<524288xf32>
    tpu.vector_store %arg2[%swap3A], %reshape3A_8 {strides = array<i32>} : memref<524288xf32, #tpu.memory_space<vmem>>, vector<524288xf32>,
    return
  }
  func.func @transform_0(%arg0: i32) -> (i32, i32) {
    %c0_i32 = arith.constant 0 : i32
    %c0_i32_0 = arith.constant 0 : i32
    return %c0_i32, %arg0 : i32, i32
  }
  func.func @transform_1(%arg0: i32) -> i32 {
    %c0_i32 = arith.constant 0 : i32
    return %arg0 : i32
  }
}

</mosaic_0001>

<sc_bundles>
// kernel: kernel.4.cloned.1.call-start
scs
__scs_entry_jumppad:
0x0: {  	(pc) =	sbr.rel $0x88, $3  }
0x1: {  	(tag) =	ssettag $0x0;
	lr =	simm.s32 $0x1  }
0x2: {  	[smem:$0x3F9D] =	sst lr;
	_ =	strace $0xD0000000  }
0x3: {  	_ = 	snop  }
0x4: {  	_ = 	snop  }
0x5: {  	_ = 	snop  }
0x6: {  	_ = 	snop  }
0x7: {  	_ = 	snop  }
__scs_overlays_trampoline_lowered:
0x8: {  	[smem:$0x3FAC] =	sst s0  }
0x9: {  	[smem:$0x3FAD] =	sst s1  }
0xa: {  	[smem:$0x3FAE] =	sst s2  }
0xb: {  	[smem:$0x3FAF] =	sst s3  }
0xc: {  	[smem:$0x3FB0] =	sst s4  }
0xd: {  	[smem:$0x3FB1] =	sst s5  }
0xe: {  	[smem:$0x3FB2] =	sst s6  }
0xf: {  	[smem:$0x3FB3] =	sst s7  }
0x10: {  	[smem:$0x3FB4] =	sst s8  }
0x11: {  	[smem:$0x3FB5] =	sst s9;
	s0 =	simm.s32 @!p0 $0x0  }
0x12: {  	s1 =	sld [smem:$0x3F9B];
	s0 =	simm.s32 @p0 $0x1  }
0x13: {  	[smem:$0x3FB6] =	sst s0;
	s0 =	simm.s32 @!p1 $0x0  }
0x14: {  	s2 =	sld [smem:$0x3F9A];
	s0 =	simm.s32 @p1 $0x1  }
0x15: {  	[smem:$0x3FB7] =	sst s0;
	s0 =	simm.s32 @!p2 $0x0  }
0x16: {  	s3 =	sld [smem:$0x3FDB];
	s0 =	simm.s32 @p2 $0x1  }
0x17: {  	s4 =	simm.s32 $0x1BF5;
	[smem:$0x3FB9] =	sst s0  }
0x18: {  	s0 =	sld [smem:$0x3F9C];
	_ =	swait.ge [sflag:s4], $0x0  }
0x19: {  	s7 =	sld [smem:$0x3F9D]  }
0x1a: {  	s8 =	sadd.s32 $0xFFFFE003, lr  }
0x1b: {  	s9 =	sadd.s32 $0xFFFFFEF7, lr;
	s5 =	simm.s32 $0xFFFFFFFF;
	p2 =	slt.u32 s8, $0xFFFFF086  }
0x1c: {  	p1 =	slt.u32 s9, $0xF7A;
	s5 =	simm.s32 @!p2 $0x0  }
0x1d: {  	s5 =	simm.s32 @p1 $0x1;
	p0 =	seq.s32 s7, s2  }
0x1e: {  	s7 =	smul.u32 @!p0 $0xF7A, s2;
	p2 =	seq.s32 @!p0 s5, $0x0  }
0x1f: {  	s9 =	smul.u32 $0xF7A, s1;
	s8 =	simm.s32 @!p0 $0x1BF5;
	p2 =	por !p2, p0  }
0x20: {  	[sflag:s8] =	ssyncset.s32 @!p0 $0xFFFFF086;
	s6 =	sadd.s32 @!p0 s3, s7;
	s7 =	simm.s32 @!p0 $0x108  }
0x21: {  	s3 =	sadd.s32 s3, s9;
	s6 =	sadd.s32 @!p0 $0x88, s6;
	s7 =	simm.s32 @p2 $0x1082  }
0x22: {  	[simem:s7], [sflag:s8] =	dma.local @!p0 [hbm:s6], $0xF7A  }
0x23: {  	s9 =	sor.u32 $0xD0000000, s2;
	s6 =	simm.s32 $0x108;
	_ =	swait.ge @!p0 [sflag:s8], $0x0  }
0x24: {  	s3 =	sadd.s32 $0x88, s3;
	s6 =	simm.s32 @!p1 $0x1082;
	[sflag:s4] =	ssyncset.s32 $0xFFFFF086  }
0x25: {  	[simem:s6], [sflag:s4] =	dma.local [hbm:s3], $0xF7A  }
0x26: {  	[smem:$0x3F9D] =	sst s1;
	(tag) =	ssettag s2;
	_ =	strace s9  }
0x27: {  	s1 =	sld [smem:$0x3FAD]  }
0x28: {  	s2 =	sld [smem:$0x3FAE]  }
0x29: {  	s4 =	sld [smem:$0x3FB0]  }
0x2a: {  	p0 =	seq.s32 s5, $0x0;
	s5 =	sld [smem:$0x3FB1]  }
0x2b: {  	s6 =	sld [smem:$0x3FB2]  }
0x2c: {  	s7 =	sld [smem:$0x3FB3]  }
0x2d: {  	s3 =	simm.s32 $0x108;
	s8 =	sld [smem:$0x3FB4]  }
0x2e: {  	s3 =	simm.s32 @!p0 $0x1082;
	s9 =	sld [smem:$0x3FB5]  }
0x2f: {  	lr =	sadd.s32 s0, s3;
	s0 =	sld [smem:$0x3FAC]  }
0x30: {  	s3 =	sld [smem:$0x3FAF]  }
0x31: {  	[smem:$0x3FB8] =	sst s10  }
0x32: {  	s10 =	sld [smem:$0x3FB6];
	_ =	sdelay $0x3  }
0x33: {  	p0 =	seq.s32 s10, $0x1;
	s10 =	sld [smem:$0x3FB8];
	_ =	sdelay $0x3  }
0x34: {  	[smem:$0x3FB8] =	sst s10  }
0x35: {  	s10 =	sld [smem:$0x3FB7];
	_ =	sdelay $0x3  }
0x36: {  	p1 =	seq.s32 s10, $0x1;
	s10 =	sld [smem:$0x3FB8];
	_ =	sdelay $0x3  }
0x37: {  	[smem:$0x3FB8] =	sst s10  }
0x38: {  	s10 =	sld [smem:$0x3FB9]  }
0x39: {  	_ = 	snop;
	(pc) =	sbr.ind lr, $3  }
0x3a: {  	_ = 	snop  }
0x3b: {  	_ = 	snop  }
0x3c: {  	p2 =	seq.s32 s10, $0x1;
	s10 =	sld [smem:$0x3FB8]  }
0x3d: {  	_ =	shalt  }
0x3e: {  	_ =	shalt  }
0x3f: {  	_ =	shalt  }
0x40: {  	_ =	shalt  }
0x41: {  	_ =	shalt  }
0x42: {  	_ =	shalt  }
0x43: {  	_ =	shalt  }
0x44: {  	_ =	shalt  }
0x45: {  	_ =	shalt  }
0x46: {  	_ =	shalt  }
0x47: {  	_ =	shalt  }
0x48: {  	_ =	shalt  }
0x49: {  	_ =	shalt  }
0x4a: {  	_ =	shalt  }
0x4b: {  	_ =	shalt  }
0x4c: {  	_ =	shalt  }
0x4d: {  	_ =	shalt  }
0x4e: {  	_ =	shalt  }
0x4f: {  	_ =	shalt  }
0x50: {  	_ =	shalt  }
0x51: {  	_ =	shalt  }
0x52: {  	_ =	shalt  }
0x53: {  	_ =	shalt  }
0x54: {  	_ =	shalt  }
0x55: {  	_ =	shalt  }
0x56: {  	_ =	shalt  }
0x57: {  	_ =	shalt  }
0x58: {  	_ =	shalt  }
0x59: {  	_ =	shalt  }
0x5a: {  	_ =	shalt  }
0x5b: {  	_ =	shalt  }
0x5c: {  	_ =	shalt  }
0x5d: {  	_ =	shalt  }
0x5e: {  	_ =	shalt  }
0x5f: {  	_ =	shalt  }
0x60: {  	_ =	shalt  }
0x61: {  	_ =	shalt  }
0x62: {  	_ =	shalt  }
0x63: {  	_ =	shalt  }
0x64: {  	_ =	shalt  }
0x65: {  	_ =	shalt  }
0x66: {  	_ =	shalt  }
0x67: {  	_ =	shalt  }
0x68: {  	_ =	shalt  }
0x69: {  	_ =	shalt  }
0x6a: {  	_ =	shalt  }
0x6b: {  	_ =	shalt  }
0x6c: {  	_ =	shalt  }
0x6d: {  	_ =	shalt  }
0x6e: {  	_ =	shalt  }
0x6f: {  	_ =	shalt  }
0x70: {  	_ =	shalt  }
0x71: {  	_ =	shalt  }
0x72: {  	_ =	shalt  }
0x73: {  	_ =	shalt  }
0x74: {  	_ =	shalt  }
0x75: {  	_ =	shalt  }
0x76: {  	_ =	shalt  }
0x77: {  	_ =	shalt  }
0x78: {  	_ =	shalt  }
0x79: {  	_ =	shalt  }
0x7a: {  	_ =	shalt  }
0x7b: {  	_ =	shalt  }
0x7c: {  	_ =	shalt  }
0x7d: {  	_ =	shalt  }
0x7e: {  	_ =	shalt  }
0x7f: {  	_ =	shalt  }
0x80: {  	_ =	shalt  }
0x81: {  	_ =	shalt  }
0x82: {  	_ =	shalt  }
0x83: {  	_ =	shalt  }
0x84: {  	_ =	shalt  }
0x85: {  	_ =	shalt  }
0x86: {  	_ =	shalt  }
0x87: {  	_ =	shalt  }
.Lfunc_end0:
.L_simem_size_0:
called_computation_lowered:
.L_overlay_start_0:
0x88: {  	s2 =	sld [smem:$0x3FD9]  }
0x89: {  	s3 =	sld [smem:$0x3FFE];
	_ =	sdelay $0x1  }
0x8a: {  	s1 =	srdreg.scid  }
0x8b: {  	s0 =	sand.u32 $0x1, s1  }
0x8c: {  	s14 =	sshll.u32 s0, $0xA;
	s2 =	sadd.s32 s3, s2  }
0x8d: {  	s2 =	sadd.s32 s2, s14  }
0x8e: {  	[smem:$0x3FC4] =	sst s2  }
0x8f: {  	_ = 	snop  }
0x90: {  	s2 =	sld [smem:$0x3FD0];
	_ =	sdelay $0x2  }
0x91: {  	s15 =	simm.s32 $0xA;
	s4 =	simm.s32 $0x10  }
0x92: {  	[smem:s4], [sflag:s15] =	dma.local [hbm:s2], $0x1  }
0x93: {  	_ =	swait.eq [sflag:s15], $0x1  }
0x94: {  	s16 =	sld [smem:$0x10];
	[sflag:s15] =	ssyncset.done $0x0  }
0x95: {  	s17 =	sld [smem:$0x11];
	[sflag:s15] =	ssyncadd.s32 $0xFFFFFFFF  }
0x96: {  	s18 =	sld [smem:$0x12];
	(tm) =	ssettm $0x1  }
0x97: {  	s5 =	sld [smem:$0x3FFB];
	_ =	sdelay $0x3  }
0x98: {  	_ =	strace s5  }
0x99: {  	s5 =	sld [smem:$0x3FFC];
	_ =	sdelay $0x3  }
0x9a: {  	_ =	strace s5  }
0x9b: {  	s5 =	sld [smem:$0x3FFD];
	_ =	sdelay $0x3  }
0x9c: {  	_ =	strace s5  }
0x9d: {  	_ =	strace $0x8FFFFFFF  }
0x9e: {  	s19 =	sld [smem:$0x3FDB];
	_ =	sdelay $0x1  }
0x9f: {  	s6 =	simm.s32 $_scs_section_size  }
0xa0: {  	s7 =	simm.s32 $_size__tile_overlayer_lowered;
	s8 =	simm.s32 $_tile_overlayer_lowered  }
0xa1: {  	s22 =	simm.s32 $0x1BFF;
	s21 =	sshll.u32 s8, $0x1;
	s5 =	sadd.s32 s6, s19  }
0xa2: {  	s9 =	simm.s32 $0x0;
	s20 =	sshll.u32 s7, $0x1;
	s7 =	sadd.s32 s21, s5  }
0xa3: {  	[timem:s9], [sflag:s22] =	dma.local [hbm:s7], s20  }
0xa4: {  	_ =	swait.ge [sflag:s22], s20  }
0xa5: {  	s6 =	ssub.s32 $0x0, s20;
	[sflag:s22] =	ssyncset.done $0x0  }
0xa6: {  	[sflag:s22] =	ssyncadd.s32 s6;
	_ =	sdelay $0x1  }
0xa7: {  	s23 =	simm.s32 $0x1B8B  }
0xa8: {  	_ =	swait.ge [sflag:s23], $0x1  }
0xa9: {  	[sflag:s23] =	ssyncset.done $0x0  }
0xaa: {  	s25 =	simm.s32 $0x1B8E;
	s24 =	sld [smem:$0x3FFE];
	[sflag:s23] =	ssyncadd.s32 $0xFFFFFFFF  }
0xab: {  	s26 =	simm.s32 $execute0_lowered;
	[smem:$0x3FD2] =	sst s25  }
0xac: {  	s7 =	sshll.u32 s26, $0x1;
	_ =	strace $0x80000046;
	[dreg:$0x1] =	wrdreg $0xFFFFFFFF  }
0xad: {  	s28 =	simm.s32 $_size_execute0_lowered;
	s5 =	sadd.s32 s5, s7;
	[dreg:$0x0] =	wrdreg $0x0  }
0xae: {  	s7 =	sshll.u32 s28, $0x1;
	[dreg:$0x2] =	wrdreg s5  }
0xaf: {  	[dreg:$0x3] =	wrdreg s7  }
0xb0: {  	[dreg:$0x4] =	wrdreg $0xC0  }
0xb1: {  	_ =	task [dreg:s9], $0x5FFFF  }
0xb2: {  	[dreg:$0x1] =	wrdreg $0xFFFFFFFF  }
0xb3: {  	[dreg:$0x0] =	wrdreg $0x60  }
0xb4: {  	[dreg:$0x2] =	wrdreg s24  }
0xb5: {  	[dreg:$0x3] =	wrdreg s17  }
0xb6: {  	[dreg:$0x4] =	wrdreg s18  }
0xb7: {  	[dreg:$0x5] =	wrdreg s16  }
0xb8: {  	[dreg:$0x6] =	wrdreg $0x9  }
0xb9: {  	_ =	task.clear_ibuf [dreg:s9], $0x7FFFF;
	_ =	strace $0x90000046  }
0xba: {  	s29 =	simm.s32 $0x9;
	_ =	strace $0x80000048  }
0xbb: {  	_ =	swait.ge [sflag:s29], $0x1  }
0xbc: {  	[sflag:s29] =	ssyncadd.s32 $0xFFFFFFFF  }
0xbd: {  	_ =	strace $0x90000048  }
0xbe: {  	_ =	sfence  }
0xbf: {  	s30 =	sld [smem:$0x0];
	_ =	sdelay $0x2  }
0xc0: {  	s31 =	sshll.u32 s1, $0xD;
	s1 =	sshrl.u32 s1, $0x2  }
0xc1: {  	s3 =	sand.u32 $0x4000, s31;
	s1 =	sadd.s32 s1, s30  }
0xc2: {  	s0 =	sor.u32 s3, s0;
	s1 =	sshll.u32 s1, $0x11  }
0xc3: {  	s0 =	sor.u32 s1, s0  }
0xc4: {  	s0 =	sadd.s32 $0x8F2B, s0  }
0xc5: {  	[sflag:s0] =	ssyncadd.remote.s32 $0x1  }
0xc6: {  	_ =	sfence.sel $0xFFFF  }
0xc7: {  	[dreg:$0x0] =	wrdreg $0xFFFFFFFF;
	(pc) =	sbr.abs _section_cstart, $3  }
0xc8: {  	[dreg:$0x1] =	wrdreg $0xFFFFFFFF  }
0xc9: {  	_ =	task.clear_ibuf [dreg:s9], $0x2FFFF;
	_ =	strace $0x9FFFFFFF  }
0xca: {  	(tm) =	ssettm $0x7FFFFFFF  }
0xcb: {  	_ =	shalt  }
tec
execute0_lowered:
.L_overlay_start_1:
0x0: {  	(tag) =	ssettag $0x1  }
0x1: {  	s0 =	rddreg [dreg:$0x0];
	s4 =	simm.s32 $0x0;
	s1 =	srdreg.scid  }
0x2: {  	s3 =	stileid.u32;
	s14 =	simm.s32 $0x4;
	s15 =	simm.s32 $0xE00  }
0x3: {  	v5 =	vlaneseq.u32;
	s16 =	simm.s32 $0x40;
	s17 =	simm.s32 $0x1000;
	s18 =	simm.s32 $0x1040  }
0x4: {  	s19 =	simm.s32 $0x280;
	s20 =	simm.s32 $0x2140;
	s21 =	simm.s32 $0x2640;
	v24 =	vimm.s32 $0x0;
	vm0 =	vcmask $0x300;
	v0 =	vmul.u32 $0x8, v5  }
0x5: {  	s22 =	simm.s32 $0x23C0;
	s23 =	simm.s32 $0x7640;
	s24 =	simm.s32 $0x2;
	v2 =	vmul.u32 $0x38, v5;
	v5 =	vmul.u32 $0x48, v5;
	v24 =	vsel vm0, $0x3, v24  }
0x6: {  	s25 =	simm.s32 $0x3;
	s26 =	simm.s32 $0x1;
	s28 =	simm.s32 $0x1840;
	v1 =	vor.u32 $0x80, v0;
	v3 =	vor.u32 $0x100, v0;
	v4 =	vor.u32 $0x180, v0  }
0x7: {  	[smem:$0x7FF] =	sst s4;
	s6 =	sadd.s32 $0x1000, s0;
	s1 =	sand.u32 $0x1, s1;
	v6 =	vadd.s32 $0x380, v2;
	v7 =	vadd.s32 $0x700, v2;
	v8 =	vadd.s32 $0xA80, v2  }
0x8: {  	s7 =	sadd.s32 $0x3D1A00, s0;
	s3 =	sshll.u32 s3, $0xA;
	s2 =	ssub.s32 $0x2, s1;
	v9 =	vadd.s32 $0x480, v5;
	v10 =	vor.u32 $0x1, v5;
	v11 =	vadd.s32 $0x481, v5  }
0x9: {  	s8 =	sadd.s32 $0x471A00, s0;
	s10 =	sadd.s32 $0x511A00, s0;
	s5 =	sshrl.u32 s2, $0x1;
	v12 =	vor.u32 $0x2, v5;
	v13 =	vadd.s32 $0x482, v5;
	v14 =	vor.u32 $0x3, v5  }
0xa: {  	s11 =	sadd.s32 $0x5B1A00, s0;
	s12 =	sadd.s32 $0x651A00, s0;
	v15 =	vadd.s32 $0x483, v5;
	v16 =	vor.u32 $0x4, v5;
	v17 =	vadd.s32 $0x484, v5;
	s2 =	ssub.s32 s2, s5  }
0xb: {  	_ =	strace $0x80000047;
	s1 =	sshll.u32 s1, $0x9;
	v18 =	vor.u32 $0x5, v5;
	v19 =	vadd.s32 $0x485, v5;
	v20 =	vor.u32 $0x6, v5;
	s31 =	smax.u32 s2, $0x1  }
0xc: {  	s9 =	sor.u32 s1, s3;
	v21 =	vadd.s32 $0x486, v5;
	v22 =	vor.u32 $0x7, v5;
	v23 =	vadd.s32 $0x487, v5;
	s1 =	simm.s32 $0x0;
	[dreg:$0x5] =	wrdreg s31  }
.LBB2_1:
0xd: {  	[dreg:$0x6] =	wrdreg s1;
	s30 =	simm.s32 $0x0  }
.LBB2_2:
0xe: {  	s0 =	sshll.u32 s30, $0x6  }
0xf: {  	s31 =	sadd.s32 s9, s0  }
0x10: {  	s0 =	smul.u32 $0x7, s31  }
0x11: {  	s1 =	rddreg [dreg:$0x2]  }
0x12: {  	s5 =	simm.s32 $0x0;
	s0 =	sadd.s32 s1, s0  }
0x13: {  	[tilespmem:s5], [sflag:$0x4] =	stream.linear.gather [hbm4b:s0+s5], $0xE00, $0x38;
	[tilespmem:$0x12040] =	vst v63  }
0x14: {  	_ =	swait.ge [sflag:s14], $0xE00  }
0x15: {  	[sflag:s14] =	ssyncset.done $0x0  }
0x16: {  	[sflag:s14] =	ssyncadd.s32 $0xFFFFF200  }
0x17: {  	s13 =	rddreg [dreg:$0x1]  }
0x18: {  	s0 =	sadd.s32 s13, s31  }
0x19: {  	[tilespmem:s15], [sflag:$0x4] =	stream.linear.gather [hbm4b:s0+s5], $0x200, $0x38;
	[tilespmem:$0x12040] =	vst v63  }
0x1a: {  	_ =	swait.ge [sflag:s14], $0x200  }
0x1b: {  	[sflag:s14] =	ssyncset.done $0x0  }
0x1c: {  	[sflag:s14] =	ssyncadd.s32 $0xFFFFFE00  }
0x1d: {  	v25 =	vld.idx.msk [tilespmem:v0+s15+$0x0], $0xffff;
	_ =	sdelay $0x4  }
0x1e: {  	[tilespmem:$0x1000] =	vst v25  }
0x1f: {  	v25 =	vld.idx.msk [tilespmem:v1+s15+$0x0], $0xffff;
	_ =	sdelay $0x4  }
0x20: {  	[tilespmem:$0x1010] =	vst v25  }
0x21: {  	v25 =	vld.idx.msk [tilespmem:v3+s15+$0x0], $0xffff;
	_ =	sdelay $0x4  }
0x22: {  	[tilespmem:$0x1020] =	vst v25  }
0x23: {  	v26 =	vmov s5;
	v25 =	vld.idx.msk [tilespmem:v4+s15+$0x0], $0xffff  }
0x24: {  	v26 =	vand.u32 $0xF, v26  }
0x25: {  	v27 =	vadd.s32 v2, v26;
	_ =	sdelay $0x2  }
0x26: {  	[tilespmem:$0x1030] =	vst v25  }
0x27: {  	[tilespmem:s18], [sflag:$0x1] =	stream.indirect.gather [hbm4b:s6+s16], $0x20, s17, s16, $0xb8;
	[tilespmem:$0x12040] =	vst v63  }
0x28: {  	v25 =	vld.idx.msk [tilespmem:v27+s4+$0x0], $0xffff  }
0x29: {  	v27 =	vadd.s32 v6, v26;
	_ =	sdelay $0x2  }
0x2a: {  	s0 =	simm.s32 $0x2160  }
0x2b: {  	[tilespmem:s0+$0xFFFFFFE0] =	vst v25  }
0x2c: {  	v25 =	vld.idx.msk [tilespmem:v27+s4+$0x0], $0xffff  }
0x2d: {  	v27 =	vadd.s32 v7, v26;
	_ =	sdelay $0x3  }
0x2e: {  	[tilespmem:s0+$0xFFFFFFF0] =	vst v25  }
0x2f: {  	v25 =	vld.idx.msk [tilespmem:v27+s4+$0x0], $0xffff  }
0x30: {  	v27 =	vadd.s32 v8, v26;
	_ =	sdelay $0x3  }
0x31: {  	s29 =	simm.s32 $0x1;
	[tilespmem:s0+$0x0] =	vst v25  }
0x32: {  	s1 =	simm.s32 $0x2;
	v26 =	vmov s29;
	v25 =	vld.idx.msk [tilespmem:v27+s4+$0x0], $0xffff  }
.LBB2_3:
0x33: {  	p0 =	sne.s32 s1, $0x9;
	v26 =	vand.u32 $0xF, v26  }
0x34: {  	v27 =	vadd.s32 v2, v26;
	_ =	sdelay $0x3  }
0x35: {  	[tilespmem:s0+$0x10] =	vst v25  }
0x36: {  	v25 =	vld.idx.msk [tilespmem:v27+s4+$0x0], $0xffff;
	_ =	sdelay $0x1  }
0x37: {  	v27 =	vadd.s32 v6, v26;
	_ =	sdelay $0x2  }
0x38: {  	s0 =	sadd.s32 $0x40, s0  }
0x39: {  	[tilespmem:s0+$0xFFFFFFE0] =	vst v25  }
0x3a: {  	v25 =	vld.idx.msk [tilespmem:v27+s4+$0x0], $0xffff;
	_ =	sdelay $0x1  }
0x3b: {  	v27 =	vadd.s32 v7, v26;
	_ =	sdelay $0x3  }
0x3c: {  	[tilespmem:s0+$0xFFFFFFF0] =	vst v25  }
0x3d: {  	v25 =	vld.idx.msk [tilespmem:v27+s4+$0x0], $0xffff;
	_ =	sdelay $0x1  }
0x3e: {  	v27 =	vadd.s32 v8, v26  }
.Ltmp0:
0x3f: {  	(pc) =	sbr.rel @p0 .LBB2_3-.Ltmp0, $3  }
0x40: {  	_ =	sdelay $0x1  }
0x41: {  	[tilespmem:s0+$0x0] =	vst v25  }
0x42: {  	v26 =	vmov s1;
	s1 =	sadd.s32 $0x1, s1;
	v25 =	vld.idx.msk [tilespmem:v27+s4+$0x0], $0xffff  }
0x43: {  	v26 =	vand.u32 $0xF, v26  }
0x44: {  	v27 =	vadd.s32 v2, v26;
	_ =	sdelay $0x3  }
0x45: {  	[tilespmem:s0+$0x10] =	vst v25  }
0x46: {  	v25 =	vld.idx.msk [tilespmem:v27+s4+$0x0], $0xffff  }
0x47: {  	v27 =	vadd.s32 v6, v26;
	_ =	sdelay $0x2  }
0x48: {  	s13 =	sadd.s32 $0x40, s0  }
0x49: {  	[tilespmem:s13+$0xFFFFFFE0] =	vst v25  }
0x4a: {  	v25 =	vld.idx.msk [tilespmem:v27+s4+$0x0], $0xffff  }
0x4b: {  	v27 =	vadd.s32 v7, v26;
	_ =	sdelay $0x3  }
0x4c: {  	[tilespmem:s13+$0xFFFFFFF0] =	vst v25  }
0x4d: {  	v25 =	vld.idx.msk [tilespmem:v27+s4+$0x0], $0xffff  }
0x4e: {  	v26 =	vadd.s32 v8, v26;
	_ =	sdelay $0x3  }
0x4f: {  	s1 =	simm.s32 $0xA;
	[tilespmem:s13+$0x0] =	vst v25  }
0x50: {  	v25 =	vld.idx.msk [tilespmem:v26+s4+$0x0], $0xffff;
	v26 =	vmov s1  }
0x51: {  	v26 =	vand.u32 $0x1F, v26  }
0x52: {  	v27 =	vadd.s32 v2, v26;
	_ =	sdelay $0x2  }
0x53: {  	[tilespmem:s13+$0x10] =	vst v25  }
0x54: {  	[tilespmem:s21], [sflag:$0x2] =	stream.indirect.gather [hbm4b:s6+s19], $0x20, s20, s19, $0xb8;
	[tilespmem:$0x12040] =	vst v63  }
0x55: {  	v25 =	vld.idx.msk [tilespmem:v27+s4+$0x0], $0xffff  }
0x56: {  	v27 =	vadd.s32 v6, v26;
	_ =	sdelay $0x2  }
0x57: {  	s0 =	simm.s32 $0x23E0  }
0x58: {  	[tilespmem:s0+$0xFFFFFFE0] =	vst v25  }
0x59: {  	v25 =	vld.idx.msk [tilespmem:v27+s4+$0x0], $0xffff  }
0x5a: {  	v27 =	vadd.s32 v7, v26;
	_ =	sdelay $0x3  }
0x5b: {  	[tilespmem:s0+$0xFFFFFFF0] =	vst v25  }
0x5c: {  	v25 =	vld.idx.msk [tilespmem:v27+s4+$0x0], $0xffff  }
0x5d: {  	v27 =	vadd.s32 v8, v26;
	_ =	sdelay $0x3  }
0x5e: {  	s29 =	simm.s32 $0xB;
	[tilespmem:s0+$0x0] =	vst v25  }
0x5f: {  	s1 =	simm.s32 $0xC;
	v26 =	vmov s29;
	v25 =	vld.idx.msk [tilespmem:v27+s4+$0x0], $0xffff  }
.LBB2_5:
0x60: {  	p0 =	sne.s32 s1, $0x13;
	v26 =	vand.u32 $0x1F, v26  }
0x61: {  	v27 =	vadd.s32 v2, v26;
	_ =	sdelay $0x3  }
0x62: {  	[tilespmem:s0+$0x10] =	vst v25  }
0x63: {  	v25 =	vld.idx.msk [tilespmem:v27+s4+$0x0], $0xffff;
	_ =	sdelay $0x1  }
0x64: {  	v27 =	vadd.s32 v6, v26;
	_ =	sdelay $0x2  }
0x65: {  	s0 =	sadd.s32 $0x40, s0  }
0x66: {  	[tilespmem:s0+$0xFFFFFFE0] =	vst v25  }
0x67: {  	v25 =	vld.idx.msk [tilespmem:v27+s4+$0x0], $0xffff;
	_ =	sdelay $0x1  }
0x68: {  	v27 =	vadd.s32 v7, v26;
	_ =	sdelay $0x3  }
0x69: {  	[tilespmem:s0+$0xFFFFFFF0] =	vst v25  }
0x6a: {  	v25 =	vld.idx.msk [tilespmem:v27+s4+$0x0], $0xffff;
	_ =	sdelay $0x1  }
0x6b: {  	v27 =	vadd.s32 v8, v26  }
.Ltmp1:
0x6c: {  	(pc) =	sbr.rel @p0 .LBB2_5-.Ltmp1, $3  }
0x6d: {  	_ =	sdelay $0x1  }
0x6e: {  	[tilespmem:s0+$0x0] =	vst v25  }
0x6f: {  	v26 =	vmov s1;
	s1 =	sadd.s32 $0x1, s1;
	v25 =	vld.idx.msk [tilespmem:v27+s4+$0x0], $0xffff  }
0x70: {  	v26 =	vand.u32 $0x1F, v26  }
0x71: {  	v27 =	vadd.s32 v2, v26;
	_ =	sdelay $0x3  }
0x72: {  	[tilespmem:s0+$0x10] =	vst v25  }
0x73: {  	v25 =	vld.idx.msk [tilespmem:v27+s4+$0x0], $0xffff  }
0x74: {  	v27 =	vadd.s32 v6, v26;
	_ =	sdelay $0x2  }
0x75: {  	s29 =	sadd.s32 $0x40, s0  }
0x76: {  	[tilespmem:s29+$0xFFFFFFE0] =	vst v25  }
0x77: {  	v25 =	vld.idx.msk [tilespmem:v27+s4+$0x0], $0xffff  }
0x78: {  	v27 =	vadd.s32 v7, v26;
	_ =	sdelay $0x3  }
0x79: {  	[tilespmem:s29+$0xFFFFFFF0] =	vst v25  }
0x7a: {  	v25 =	vld.idx.msk [tilespmem:v27+s4+$0x0], $0xffff  }
0x7b: {  	v26 =	vadd.s32 v8, v26;
	_ =	sdelay $0x3  }
0x7c: {  	[tilespmem:s29+$0x0] =	vst v25  }
0x7d: {  	v25 =	vld.idx.msk [tilespmem:v26+s4+$0x0], $0xffff;
	_ =	sdelay $0x4  }
0x7e: {  	[tilespmem:s29+$0x10] =	vst v25  }
0x7f: {  	[tilespmem:s23], [sflag:$0x3] =	stream.indirect.gather [hbm4b:s6+s19], $0x20, s22, s19, $0xb8;
	[tilespmem:$0x12040] =	vst v63  }
0x80: {  	_ =	swait.ge [sflag:s24], $0x5000  }
0x81: {  	s2 =	simm.s32 $0x26C0;
	[sflag:s24] =	ssyncset.done $0x0  }
0x82: {  	s13 =	simm.s32 $0x0;
	s0 =	simm.s32 $0x0;
	[sflag:s24] =	ssyncadd.s32 $0xFFFFB000  }
.LBB2_7:
0x83: {  	v25 =	vmov s0  }
0x84: {  	v25 =	vshrl.u32 v25, $0x3  }
0x85: {  	v25 =	vshll.u32 v25, $0x3  }
0x86: {  	v25 =	vbroadcast v25, $0x0;
	_ =	sdelay $0x1  }
0x87: {  	v26 =	vld [tilespmem:s2+$0xFFFFFF80];
	v27 =	vadd.s32 v5, v25  }
0x88: {  	s1 =	smul.u32 $0x2400, s13;
	v28 =	vld [tilespmem:s2+$0xFFFFFF90];
	v29 =	vadd.s32 v9, v25;
	_ =	sdelay $0x1  }
0x89: {  	s1 =	sshra.s32 s1, $0x2  }
0x8a: {  	s29 =	sadd.s32 $0xC640, s1  }
0x8b: {  	[tilespmem:v27+s29+$0x0] =	vst.idx.msk $0xffff, v26  }
0x8c: {  	[tilespmem:v29+s29+$0x0] =	vst.idx.msk $0xffff, v28  }
0x8d: {  	v27 =	vadd.s32 v10, v25;
	v26 =	vld [tilespmem:s2+$0xFFFFFFA0]  }
0x8e: {  	v29 =	vadd.s32 v11, v25;
	v28 =	vld [tilespmem:s2+$0xFFFFFFB0];
	_ =	sdelay $0x3  }
0x8f: {  	[tilespmem:v27+s29+$0x0] =	vst.idx.msk $0xffff, v26  }
0x90: {  	[tilespmem:v29+s29+$0x0] =	vst.idx.msk $0xffff, v28  }
0x91: {  	v27 =	vadd.s32 v12, v25;
	v26 =	vld [tilespmem:s2+$0xFFFFFFC0]  }
0x92: {  	v29 =	vadd.s32 v13, v25;
	v28 =	vld [tilespmem:s2+$0xFFFFFFD0];
	_ =	sdelay $0x3  }
0x93: {  	[tilespmem:v27+s29+$0x0] =	vst.idx.msk $0xffff, v26  }
0x94: {  	[tilespmem:v29+s29+$0x0] =	vst.idx.msk $0xffff, v28  }
0x95: {  	v27 =	vadd.s32 v14, v25;
	v26 =	vld [tilespmem:s2+$0xFFFFFFE0]  }
0x96: {  	v29 =	vadd.s32 v15, v25;
	v28 =	vld [tilespmem:s2+$0xFFFFFFF0];
	_ =	sdelay $0x3  }
0x97: {  	[tilespmem:v27+s29+$0x0] =	vst.idx.msk $0xffff, v26  }
0x98: {  	[tilespmem:v29+s29+$0x0] =	vst.idx.msk $0xffff, v28  }
0x99: {  	v27 =	vadd.s32 v16, v25;
	v26 =	vld [tilespmem:s2+$0x0]  }
0x9a: {  	v29 =	vadd.s32 v17, v25;
	v28 =	vld [tilespmem:s2+$0x10];
	_ =	sdelay $0x3  }
0x9b: {  	[tilespmem:v27+s29+$0x0] =	vst.idx.msk $0xffff, v26  }
0x9c: {  	[tilespmem:v29+s29+$0x0] =	vst.idx.msk $0xffff, v28  }
0x9d: {  	v27 =	vadd.s32 v18, v25;
	v26 =	vld [tilespmem:s2+$0x20]  }
0x9e: {  	v29 =	vadd.s32 v19, v25;
	v28 =	vld [tilespmem:s2+$0x30];
	_ =	sdelay $0x3  }
0x9f: {  	[tilespmem:v27+s29+$0x0] =	vst.idx.msk $0xffff, v26  }
0xa0: {  	[tilespmem:v29+s29+$0x0] =	vst.idx.msk $0xffff, v28  }
0xa1: {  	v27 =	vadd.s32 v20, v25;
	v26 =	vld [tilespmem:s2+$0x40]  }
0xa2: {  	v29 =	vadd.s32 v21, v25;
	v28 =	vld [tilespmem:s2+$0x50];
	_ =	sdelay $0x3  }
0xa3: {  	[tilespmem:v27+s29+$0x0] =	vst.idx.msk $0xffff, v26  }
0xa4: {  	s5 =	simm.s32 $0x8;
	[tilespmem:v29+s29+$0x0] =	vst.idx.msk $0xffff, v28  }
0xa5: {  	v26 =	vmov s5;
	v29 =	vadd.s32 v22, v25;
	v28 =	vld [tilespmem:s2+$0x60]  }
0xa6: {  	v27 =	vshrl.u32 v26, $0x3  }
0xa7: {  	v26 =	vld [tilespmem:s2+$0x70];
	v30 =	vshll.u32 v27, $0x3;
	v27 =	vadd.s32 v23, v25;
	_ =	sdelay $0x2  }
0xa8: {  	s1 =	simm.s32 $0x10;
	s5 =	smov.u32 s2;
	v25 =	vbroadcast v30, $0x0;
	[tilespmem:v29+s29+$0x0] =	vst.idx.msk $0xffff, v28  }
.LBB2_8:
0xa9: {  	p0 =	sne.s32 s1, $0x38  }
0xaa: {  	[tilespmem:v27+s29+$0x0] =	vst.idx.msk $0xffff, v26;
	s5 =	sadd.s32 $0x100, s5;
	s3 =	smov.u32 s1;
	s1 =	sadd.s32 $0x8, s1  }
0xab: {  	v26 =	vld [tilespmem:s5+$0xFFFFFF80];
	v27 =	vadd.s32 v5, v25  }
0xac: {  	v29 =	vadd.s32 v9, v25;
	v28 =	vld [tilespmem:s5+$0xFFFFFF90];
	_ =	sdelay $0x3  }
0xad: {  	[tilespmem:v27+s29+$0x0] =	vst.idx.msk $0xffff, v26  }
0xae: {  	[tilespmem:v29+s29+$0x0] =	vst.idx.msk $0xffff, v28  }
0xaf: {  	v27 =	vadd.s32 v10, v25;
	v26 =	vld [tilespmem:s5+$0xFFFFFFA0]  }
0xb0: {  	v29 =	vadd.s32 v11, v25;
	v28 =	vld [tilespmem:s5+$0xFFFFFFB0];
	_ =	sdelay $0x3  }
0xb1: {  	[tilespmem:v27+s29+$0x0] =	vst.idx.msk $0xffff, v26  }
0xb2: {  	[tilespmem:v29+s29+$0x0] =	vst.idx.msk $0xffff, v28  }
0xb3: {  	v27 =	vadd.s32 v12, v25;
	v26 =	vld [tilespmem:s5+$0xFFFFFFC0]  }
0xb4: {  	v29 =	vadd.s32 v13, v25;
	v28 =	vld [tilespmem:s5+$0xFFFFFFD0];
	_ =	sdelay $0x3  }
0xb5: {  	[tilespmem:v27+s29+$0x0] =	vst.idx.msk $0xffff, v26  }
0xb6: {  	[tilespmem:v29+s29+$0x0] =	vst.idx.msk $0xffff, v28  }
0xb7: {  	v27 =	vadd.s32 v14, v25;
	v26 =	vld [tilespmem:s5+$0xFFFFFFE0]  }
0xb8: {  	v29 =	vadd.s32 v15, v25;
	v28 =	vld [tilespmem:s5+$0xFFFFFFF0];
	_ =	sdelay $0x3  }
0xb9: {  	[tilespmem:v27+s29+$0x0] =	vst.idx.msk $0xffff, v26  }
0xba: {  	[tilespmem:v29+s29+$0x0] =	vst.idx.msk $0xffff, v28  }
0xbb: {  	v27 =	vadd.s32 v16, v25;
	v26 =	vld [tilespmem:s5+$0x0]  }
0xbc: {  	v29 =	vadd.s32 v17, v25;
	v28 =	vld [tilespmem:s5+$0x10];
	_ =	sdelay $0x3  }
0xbd: {  	[tilespmem:v27+s29+$0x0] =	vst.idx.msk $0xffff, v26  }
0xbe: {  	[tilespmem:v29+s29+$0x0] =	vst.idx.msk $0xffff, v28  }
0xbf: {  	v27 =	vadd.s32 v18, v25;
	v26 =	vld [tilespmem:s5+$0x20]  }
0xc0: {  	v29 =	vadd.s32 v19, v25;
	v28 =	vld [tilespmem:s5+$0x30];
	_ =	sdelay $0x3  }
0xc1: {  	[tilespmem:v27+s29+$0x0] =	vst.idx.msk $0xffff, v26  }
0xc2: {  	[tilespmem:v29+s29+$0x0] =	vst.idx.msk $0xffff, v28  }
0xc3: {  	v27 =	vadd.s32 v20, v25;
	v26 =	vld [tilespmem:s5+$0x40]  }
0xc4: {  	v29 =	vadd.s32 v21, v25;
	v28 =	vld [tilespmem:s5+$0x50];
	_ =	sdelay $0x3  }
0xc5: {  	[tilespmem:v27+s29+$0x0] =	vst.idx.msk $0xffff, v26  }
0xc6: {  	[tilespmem:v29+s29+$0x0] =	vst.idx.msk $0xffff, v28  }
0xc7: {  	v29 =	vadd.s32 v22, v25;
	v28 =	vld [tilespmem:s5+$0x60]  }
.Ltmp2:
0xc8: {  	v27 =	vadd.s32 v23, v25;
	v26 =	vld [tilespmem:s5+$0x70];
	(pc) =	sbr.rel @p0 .LBB2_8-.Ltmp2, $4  }
0xc9: {  	v25 =	vmov s3  }
0xca: {  	v25 =	vshrl.u32 v25, $0x3  }
0xcb: {  	v25 =	vshll.u32 v25, $0x3  }
0xcc: {  	v25 =	vbroadcast v25, $0x0;
	[tilespmem:v29+s29+$0x0] =	vst.idx.msk $0xffff, v28  }
0xcd: {  	_ =	sdelay $0x3  }
0xce: {  	[tilespmem:v27+s29+$0x0] =	vst.idx.msk $0xffff, v26;
	s1 =	sadd.s32 $0x100, s5  }
0xcf: {  	v26 =	vld [tilespmem:s1+$0xFFFFFF80];
	v27 =	vadd.s32 v5, v25  }
0xd0: {  	v28 =	vld [tilespmem:s1+$0xFFFFFF90];
	v29 =	vadd.s32 v9, v25;
	_ =	sdelay $0x3  }
0xd1: {  	[tilespmem:v27+s29+$0x0] =	vst.idx.msk $0xffff, v26  }
0xd2: {  	[tilespmem:v29+s29+$0x0] =	vst.idx.msk $0xffff, v28  }
0xd3: {  	v27 =	vadd.s32 v10, v25;
	v26 =	vld [tilespmem:s1+$0xFFFFFFA0]  }
0xd4: {  	v58 =	vadd.s32 v11, v25;
	v28 =	vld [tilespmem:s1+$0xFFFFFFB0];
	_ =	sdelay $0x3  }
0xd5: {  	[tilespmem:v27+s29+$0x0] =	vst.idx.msk $0xffff, v26  }
0xd6: {  	[tilespmem:v58+s29+$0x0] =	vst.idx.msk $0xffff, v28  }
0xd7: {  	v27 =	vadd.s32 v12, v25;
	v26 =	vld [tilespmem:s1+$0xFFFFFFC0]  }
0xd8: {  	v59 =	vadd.s32 v13, v25;
	v28 =	vld [tilespmem:s1+$0xFFFFFFD0];
	_ =	sdelay $0x3  }
0xd9: {  	[tilespmem:v27+s29+$0x0] =	vst.idx.msk $0xffff, v26  }
0xda: {  	[tilespmem:v59+s29+$0x0] =	vst.idx.msk $0xffff, v28  }
0xdb: {  	v27 =	vadd.s32 v14, v25;
	v26 =	vld [tilespmem:s1+$0xFFFFFFE0]  }
0xdc: {  	v60 =	vadd.s32 v15, v25;
	v28 =	vld [tilespmem:s1+$0xFFFFFFF0];
	_ =	sdelay $0x3  }
0xdd: {  	[tilespmem:v27+s29+$0x0] =	vst.idx.msk $0xffff, v26  }
0xde: {  	[tilespmem:v60+s29+$0x0] =	vst.idx.msk $0xffff, v28  }
0xdf: {  	v27 =	vadd.s32 v16, v25;
	v26 =	vld [tilespmem:s1+$0x0]  }
0xe0: {  	v61 =	vadd.s32 v17, v25;
	v28 =	vld [tilespmem:s1+$0x10];
	_ =	sdelay $0x3  }
0xe1: {  	[tilespmem:v27+s29+$0x0] =	vst.idx.msk $0xffff, v26  }
0xe2: {  	[tilespmem:v61+s29+$0x0] =	vst.idx.msk $0xffff, v28  }
0xe3: {  	v27 =	vadd.s32 v18, v25;
	v26 =	vld [tilespmem:s1+$0x20]  }
0xe4: {  	v62 =	vadd.s32 v19, v25;
	v28 =	vld [tilespmem:s1+$0x30];
	_ =	sdelay $0x3  }
0xe5: {  	[tilespmem:v27+s29+$0x0] =	vst.idx.msk $0xffff, v26  }
0xe6: {  	[tilespmem:v62+s29+$0x0] =	vst.idx.msk $0xffff, v28  }
0xe7: {  	v27 =	vadd.s32 v20, v25;
	v26 =	vld [tilespmem:s1+$0x40]  }
0xe8: {  	v63 =	vadd.s32 v21, v25;
	v28 =	vld [tilespmem:s1+$0x50];
	_ =	sdelay $0x3  }
0xe9: {  	[tilespmem:v27+s29+$0x0] =	vst.idx.msk $0xffff, v26  }
0xea: {  	[tilespmem:v63+s29+$0x0] =	vst.idx.msk $0xffff, v28  }
0xeb: {  	s13 =	sadd.s32 $0x1, s13;
	v27 =	vadd.s32 v22, v25;
	v26 =	vld [tilespmem:s1+$0x60]  }
0xec: {  	p0 =	sne.s32 s13, $0xA;
	v25 =	vadd.s32 v23, v25;
	v28 =	vld [tilespmem:s1+$0x70]  }
.Ltmp3:
0xed: {  	_ = 	snop;
	(pc) =	sbr.rel @p0 .LBB2_7-.Ltmp3, $3  }
0xee: {  	_ =	sdelay $0x1  }
0xef: {  	[tilespmem:v27+s29+$0x0] =	vst.idx.msk $0xffff, v26  }
0xf0: {  	s2 =	sadd.s32 $0x800, s2;
	[tilespmem:v25+s29+$0x0] =	vst.idx.msk $0xffff, v28  }
0xf1: {  	s31 =	sshrl.u32 s31, $0x3  }
0xf2: {  	s1 =	simm.s32 $0xC640;
	s0 =	sadd.s32 s7, s31  }
0xf3: {  	[hbm4b:s0+s4] =	stream.linear.scatter [tilespmem:s1], [sflag:$0x4], $0x40, $0x38;
	[tilespmem:$0x12040] =	vst v63  }
0xf4: {  	s1 =	simm.s32 $0x120  }
.LBB2_11:
0xf5: {  	p0 =	sne.s32 s1, $0x166E0  }
.Ltmp4:
0xf6: {  	_ = 	snop;
	(pc) =	sbr.rel @p0 .LBB2_11-.Ltmp4, $4  }
0xf7: {  	_ = 	snop  }
0xf8: {  	s2 =	sshra.s32 s1, $0x2;
	s1 =	sadd.s32 $0x120, s1  }
0xf9: {  	s0 =	sadd.s32 $0x800, s0;
	s2 =	sadd.s32 $0xC640, s2  }
0xfa: {  	[hbm4b:s0+s4] =	stream.linear.scatter [tilespmem:s2], [sflag:$0x4], $0x40, $0x38;
	[tilespmem:$0x12040] =	vst v63  }
0xfb: {  	s0 =	simm.s32 $0x14  }
0xfc: {  	v25 =	vmov s0  }
0xfd: {  	v25 =	vand.u32 $0x3F, v25  }
0xfe: {  	v26 =	vadd.s32 v2, v25;
	_ =	sdelay $0x1  }
0xff: {  	_ =	swait.ge [sflag:s14], $0x5000  }
0x100: {  	[sflag:s14] =	ssyncset.done $0x0  }
0x101: {  	[sflag:s14] =	ssyncadd.s32 $0xFFFFB000  }
0x102: {  	v26 =	vld.idx.msk [tilespmem:v26+s4+$0x0], $0xffff  }
0x103: {  	v27 =	vadd.s32 v6, v25;
	_ =	sdelay $0x2  }
0x104: {  	s0 =	simm.s32 $0x2160  }
0x105: {  	[tilespmem:s0+$0xFFFFFFE0] =	vst v26  }
0x106: {  	v26 =	vld.idx.msk [tilespmem:v27+s4+$0x0], $0xffff  }
0x107: {  	v27 =	vadd.s32 v7, v25;
	_ =	sdelay $0x3  }
0x108: {  	[tilespmem:s0+$0xFFFFFFF0] =	vst v26  }
0x109: {  	v26 =	vld.idx.msk [tilespmem:v27+s4+$0x0], $0xffff  }
0x10a: {  	v25 =	vadd.s32 v8, v25;
	_ =	sdelay $0x3  }
0x10b: {  	s1 =	simm.s32 $0x15;
	[tilespmem:s0+$0x0] =	vst v26  }
0x10c: {  	v26 =	vmov s1;
	s1 =	simm.s32 $0x16;
	v25 =	vld.idx.msk [tilespmem:v25+s4+$0x0], $0xffff  }
.LBB2_13:
0x10d: {  	p0 =	sne.s32 s1, $0x1D;
	v26 =	vand.u32 $0x3F, v26  }
0x10e: {  	v27 =	vadd.s32 v2, v26;
	_ =	sdelay $0x3  }
0x10f: {  	[tilespmem:s0+$0x10] =	vst v25  }
0x110: {  	v25 =	vld.idx.msk [tilespmem:v27+s4+$0x0], $0xffff;
	_ =	sdelay $0x1  }
0x111: {  	v27 =	vadd.s32 v6, v26;
	_ =	sdelay $0x2  }
0x112: {  	s0 =	sadd.s32 $0x40, s0  }
0x113: {  	[tilespmem:s0+$0xFFFFFFE0] =	vst v25  }
0x114: {  	v25 =	vld.idx.msk [tilespmem:v27+s4+$0x0], $0xffff;
	_ =	sdelay $0x1  }
0x115: {  	v27 =	vadd.s32 v7, v26;
	_ =	sdelay $0x3  }
0x116: {  	[tilespmem:s0+$0xFFFFFFF0] =	vst v25  }
0x117: {  	v25 =	vld.idx.msk [tilespmem:v27+s4+$0x0], $0xffff;
	_ =	sdelay $0x1  }
0x118: {  	v27 =	vadd.s32 v8, v26  }
.Ltmp5:
0x119: {  	(pc) =	sbr.rel @p0 .LBB2_13-.Ltmp5, $3  }
0x11a: {  	_ =	sdelay $0x1  }
0x11b: {  	[tilespmem:s0+$0x0] =	vst v25  }
0x11c: {  	v26 =	vmov s1;
	s1 =	sadd.s32 $0x1, s1;
	v25 =	vld.idx.msk [tilespmem:v27+s4+$0x0], $0xffff  }
0x11d: {  	v26 =	vand.u32 $0x3F, v26  }
0x11e: {  	v27 =	vadd.s32 v2, v26;
	_ =	sdelay $0x3  }
0x11f: {  	[tilespmem:s0+$0x10] =	vst v25  }
0x120: {  	v25 =	vld.idx.msk [tilespmem:v27+s4+$0x0], $0xffff  }
0x121: {  	v27 =	vadd.s32 v6, v26;
	_ =	sdelay $0x2  }
0x122: {  	s29 =	sadd.s32 $0x40, s0  }
0x123: {  	[tilespmem:s29+$0xFFFFFFE0] =	vst v25  }
0x124: {  	v25 =	vld.idx.msk [tilespmem:v27+s4+$0x0], $0xffff  }
0x125: {  	v27 =	vadd.s32 v7, v26;
	_ =	sdelay $0x3  }
0x126: {  	[tilespmem:s29+$0xFFFFFFF0] =	vst v25  }
0x127: {  	v25 =	vld.idx.msk [tilespmem:v27+s4+$0x0], $0xffff  }
0x128: {  	v26 =	vadd.s32 v8, v26;
	_ =	sdelay $0x3  }
0x129: {  	[tilespmem:s29+$0x0] =	vst v25  }
0x12a: {  	v25 =	vld.idx.msk [tilespmem:v26+s4+$0x0], $0xffff;
	_ =	sdelay $0x4  }
0x12b: {  	[tilespmem:s29+$0x10] =	vst v25  }
0x12c: {  	[tilespmem:s21], [sflag:$0x2] =	stream.indirect.gather [hbm4b:s6+s19], $0x20, s20, s19, $0xb8;
	[tilespmem:$0x12040] =	vst v63  }
0x12d: {  	_ =	swait.ge [sflag:s25], $0x5000  }
0x12e: {  	s5 =	simm.s32 $0x76C0;
	[sflag:s25] =	ssyncset.done $0x0  }
0x12f: {  	s13 =	simm.s32 $0x0;
	s0 =	simm.s32 $0x0;
	[sflag:s25] =	ssyncadd.s32 $0xFFFFB000  }
.LBB2_15:
0x130: {  	v25 =	vmov s0  }
0x131: {  	v25 =	vshrl.u32 v25, $0x3  }
0x132: {  	v25 =	vshll.u32 v25, $0x3  }
0x133: {  	v25 =	vbroadcast v25, $0x0;
	_ =	sdelay $0x1  }
0x134: {  	v26 =	vld [tilespmem:s5+$0xFFFFFF80];
	v27 =	vadd.s32 v5, v25  }
0x135: {  	s1 =	smul.u32 $0x2400, s13;
	v28 =	vld [tilespmem:s5+$0xFFFFFF90];
	v29 =	vadd.s32 v9, v25;
	_ =	sdelay $0x1  }
0x136: {  	s1 =	sshra.s32 s1, $0x2  }
0x137: {  	s29 =	sadd.s32 $0xC640, s1  }
0x138: {  	[tilespmem:v27+s29+$0x0] =	vst.idx.msk $0xffff, v26  }
0x139: {  	[tilespmem:v29+s29+$0x0] =	vst.idx.msk $0xffff, v28  }
0x13a: {  	v27 =	vadd.s32 v10, v25;
	v26 =	vld [tilespmem:s5+$0xFFFFFFA0]  }
0x13b: {  	v29 =	vadd.s32 v11, v25;
	v28 =	vld [tilespmem:s5+$0xFFFFFFB0];
	_ =	sdelay $0x3  }
0x13c: {  	[tilespmem:v27+s29+$0x0] =	vst.idx.msk $0xffff, v26  }
0x13d: {  	[tilespmem:v29+s29+$0x0] =	vst.idx.msk $0xffff, v28  }
0x13e: {  	v27 =	vadd.s32 v12, v25;
	v26 =	vld [tilespmem:s5+$0xFFFFFFC0]  }
0x13f: {  	v29 =	vadd.s32 v13, v25;
	v28 =	vld [tilespmem:s5+$0xFFFFFFD0];
	_ =	sdelay $0x3  }
0x140: {  	[tilespmem:v27+s29+$0x0] =	vst.idx.msk $0xffff, v26  }
0x141: {  	[tilespmem:v29+s29+$0x0] =	vst.idx.msk $0xffff, v28  }
0x142: {  	v27 =	vadd.s32 v14, v25;
	v26 =	vld [tilespmem:s5+$0xFFFFFFE0]  }
0x143: {  	v29 =	vadd.s32 v15, v25;
	v28 =	vld [tilespmem:s5+$0xFFFFFFF0];
	_ =	sdelay $0x3  }
0x144: {  	[tilespmem:v27+s29+$0x0] =	vst.idx.msk $0xffff, v26  }
0x145: {  	[tilespmem:v29+s29+$0x0] =	vst.idx.msk $0xffff, v28  }
0x146: {  	v27 =	vadd.s32 v16, v25;
	v26 =	vld [tilespmem:s5+$0x0]  }
0x147: {  	v29 =	vadd.s32 v17, v25;
	v28 =	vld [tilespmem:s5+$0x10];
	_ =	sdelay $0x3  }
0x148: {  	[tilespmem:v27+s29+$0x0] =	vst.idx.msk $0xffff, v26  }
0x149: {  	[tilespmem:v29+s29+$0x0] =	vst.idx.msk $0xffff, v28  }
0x14a: {  	v27 =	vadd.s32 v18, v25;
	v26 =	vld [tilespmem:s5+$0x20]  }
0x14b: {  	v29 =	vadd.s32 v19, v25;
	v28 =	vld [tilespmem:s5+$0x30];
	_ =	sdelay $0x3  }
0x14c: {  	[tilespmem:v27+s29+$0x0] =	vst.idx.msk $0xffff, v26  }
0x14d: {  	[tilespmem:v29+s29+$0x0] =	vst.idx.msk $0xffff, v28  }
0x14e: {  	v27 =	vadd.s32 v20, v25;
	v26 =	vld [tilespmem:s5+$0x40]  }
0x14f: {  	v29 =	vadd.s32 v21, v25;
	v28 =	vld [tilespmem:s5+$0x50];
	_ =	sdelay $0x3  }
0x150: {  	[tilespmem:v27+s29+$0x0] =	vst.idx.msk $0xffff, v26  }
0x151: {  	s3 =	simm.s32 $0x8;
	[tilespmem:v29+s29+$0x0] =	vst.idx.msk $0xffff, v28  }
0x152: {  	v26 =	vmov s3;
	v29 =	vadd.s32 v22, v25;
	v28 =	vld [tilespmem:s5+$0x60]  }
0x153: {  	v27 =	vshrl.u32 v26, $0x3  }
0x154: {  	v26 =	vld [tilespmem:s5+$0x70];
	v30 =	vshll.u32 v27, $0x3;
	v27 =	vadd.s32 v23, v25;
	_ =	sdelay $0x2  }
0x155: {  	s2 =	smov.u32 s5;
	s1 =	simm.s32 $0x10;
	v25 =	vbroadcast v30, $0x0;
	[tilespmem:v29+s29+$0x0] =	vst.idx.msk $0xffff, v28  }
.LBB2_16:
0x156: {  	p0 =	sne.s32 s1, $0x38  }
0x157: {  	[tilespmem:v27+s29+$0x0] =	vst.idx.msk $0xffff, v26;
	s2 =	sadd.s32 $0x100, s2;
	s3 =	smov.u32 s1;
	s1 =	sadd.s32 $0x8, s1  }
0x158: {  	v26 =	vld [tilespmem:s2+$0xFFFFFF80];
	v27 =	vadd.s32 v5, v25  }
0x159: {  	v29 =	vadd.s32 v9, v25;
	v28 =	vld [tilespmem:s2+$0xFFFFFF90];
	_ =	sdelay $0x3  }
0x15a: {  	[tilespmem:v27+s29+$0x0] =	vst.idx.msk $0xffff, v26  }
0x15b: {  	[tilespmem:v29+s29+$0x0] =	vst.idx.msk $0xffff, v28  }
0x15c: {  	v27 =	vadd.s32 v10, v25;
	v26 =	vld [tilespmem:s2+$0xFFFFFFA0]  }
0x15d: {  	v29 =	vadd.s32 v11, v25;
	v28 =	vld [tilespmem:s2+$0xFFFFFFB0];
	_ =	sdelay $0x3  }
0x15e: {  	[tilespmem:v27+s29+$0x0] =	vst.idx.msk $0xffff, v26  }
0x15f: {  	[tilespmem:v29+s29+$0x0] =	vst.idx.msk $0xffff, v28  }
0x160: {  	v27 =	vadd.s32 v12, v25;
	v26 =	vld [tilespmem:s2+$0xFFFFFFC0]  }
0x161: {  	v29 =	vadd.s32 v13, v25;
	v28 =	vld [tilespmem:s2+$0xFFFFFFD0];
	_ =	sdelay $0x3  }
0x162: {  	[tilespmem:v27+s29+$0x0] =	vst.idx.msk $0xffff, v26  }
0x163: {  	[tilespmem:v29+s29+$0x0] =	vst.idx.msk $0xffff, v28  }
0x164: {  	v27 =	vadd.s32 v14, v25;
	v26 =	vld [tilespmem:s2+$0xFFFFFFE0]  }
0x165: {  	v29 =	vadd.s32 v15, v25;
	v28 =	vld [tilespmem:s2+$0xFFFFFFF0];
	_ =	sdelay $0x3  }
0x166: {  	[tilespmem:v27+s29+$0x0] =	vst.idx.msk $0xffff, v26  }
0x167: {  	[tilespmem:v29+s29+$0x0] =	vst.idx.msk $0xffff, v28  }
0x168: {  	v27 =	vadd.s32 v16, v25;
	v26 =	vld [tilespmem:s2+$0x0]  }
0x169: {  	v29 =	vadd.s32 v17, v25;
	v28 =	vld [tilespmem:s2+$0x10];
	_ =	sdelay $0x3  }
0x16a: {  	[tilespmem:v27+s29+$0x0] =	vst.idx.msk $0xffff, v26  }
0x16b: {  	[tilespmem:v29+s29+$0x0] =	vst.idx.msk $0xffff, v28  }
0x16c: {  	v27 =	vadd.s32 v18, v25;
	v26 =	vld [tilespmem:s2+$0x20]  }
0x16d: {  	v29 =	vadd.s32 v19, v25;
	v28 =	vld [tilespmem:s2+$0x30];
	_ =	sdelay $0x3  }
0x16e: {  	[tilespmem:v27+s29+$0x0] =	vst.idx.msk $0xffff, v26  }
0x16f: {  	[tilespmem:v29+s29+$0x0] =	vst.idx.msk $0xffff, v28  }
0x170: {  	v27 =	vadd.s32 v20, v25;
	v26 =	vld [tilespmem:s2+$0x40]  }
0x171: {  	v29 =	vadd.s32 v21, v25;
	v28 =	vld [tilespmem:s2+$0x50];
	_ =	sdelay $0x3  }
0x172: {  	[tilespmem:v27+s29+$0x0] =	vst.idx.msk $0xffff, v26  }
0x173: {  	[tilespmem:v29+s29+$0x0] =	vst.idx.msk $0xffff, v28  }
0x174: {  	v29 =	vadd.s32 v22, v25;
	v28 =	vld [tilespmem:s2+$0x60]  }
.Ltmp6:
0x175: {  	v27 =	vadd.s32 v23, v25;
	v26 =	vld [tilespmem:s2+$0x70];
	(pc) =	sbr.rel @p0 .LBB2_16-.Ltmp6, $4  }
0x176: {  	v25 =	vmov s3  }
0x177: {  	v25 =	vshrl.u32 v25, $0x3  }
0x178: {  	v25 =	vshll.u32 v25, $0x3  }
0x179: {  	v25 =	vbroadcast v25, $0x0;
	[tilespmem:v29+s29+$0x0] =	vst.idx.msk $0xffff, v28  }
0x17a: {  	_ =	sdelay $0x3  }
0x17b: {  	[tilespmem:v27+s29+$0x0] =	vst.idx.msk $0xffff, v26;
	s1 =	sadd.s32 $0x100, s2  }
0x17c: {  	v26 =	vld [tilespmem:s1+$0xFFFFFF80];
	v27 =	vadd.s32 v5, v25  }
0x17d: {  	v28 =	vld [tilespmem:s1+$0xFFFFFF90];
	v29 =	vadd.s32 v9, v25;
	_ =	sdelay $0x3  }
0x17e: {  	[tilespmem:v27+s29+$0x0] =	vst.idx.msk $0xffff, v26  }
0x17f: {  	[tilespmem:v29+s29+$0x0] =	vst.idx.msk $0xffff, v28  }
0x180: {  	v27 =	vadd.s32 v10, v25;
	v26 =	vld [tilespmem:s1+$0xFFFFFFA0]  }
0x181: {  	v58 =	vadd.s32 v11, v25;
	v28 =	vld [tilespmem:s1+$0xFFFFFFB0];
	_ =	sdelay $0x3  }
0x182: {  	[tilespmem:v27+s29+$0x0] =	vst.idx.msk $0xffff, v26  }
0x183: {  	[tilespmem:v58+s29+$0x0] =	vst.idx.msk $0xffff, v28  }
0x184: {  	v27 =	vadd.s32 v12, v25;
	v26 =	vld [tilespmem:s1+$0xFFFFFFC0]  }
0x185: {  	v59 =	vadd.s32 v13, v25;
	v28 =	vld [tilespmem:s1+$0xFFFFFFD0];
	_ =	sdelay $0x3  }
0x186: {  	[tilespmem:v27+s29+$0x0] =	vst.idx.msk $0xffff, v26  }
0x187: {  	[tilespmem:v59+s29+$0x0] =	vst.idx.msk $0xffff, v28  }
0x188: {  	v27 =	vadd.s32 v14, v25;
	v26 =	vld [tilespmem:s1+$0xFFFFFFE0]  }
0x189: {  	v60 =	vadd.s32 v15, v25;
	v28 =	vld [tilespmem:s1+$0xFFFFFFF0];
	_ =	sdelay $0x3  }
0x18a: {  	[tilespmem:v27+s29+$0x0] =	vst.idx.msk $0xffff, v26  }
0x18b: {  	[tilespmem:v60+s29+$0x0] =	vst.idx.msk $0xffff, v28  }
0x18c: {  	v27 =	vadd.s32 v16, v25;
	v26 =	vld [tilespmem:s1+$0x0]  }
0x18d: {  	v61 =	vadd.s32 v17, v25;
	v28 =	vld [tilespmem:s1+$0x10];
	_ =	sdelay $0x3  }
0x18e: {  	[tilespmem:v27+s29+$0x0] =	vst.idx.msk $0xffff, v26  }
0x18f: {  	[tilespmem:v61+s29+$0x0] =	vst.idx.msk $0xffff, v28  }
0x190: {  	v27 =	vadd.s32 v18, v25;
	v26 =	vld [tilespmem:s1+$0x20]  }
0x191: {  	v62 =	vadd.s32 v19, v25;
	v28 =	vld [tilespmem:s1+$0x30];
	_ =	sdelay $0x3  }
0x192: {  	[tilespmem:v27+s29+$0x0] =	vst.idx.msk $0xffff, v26  }
0x193: {  	[tilespmem:v62+s29+$0x0] =	vst.idx.msk $0xffff, v28  }
0x194: {  	v27 =	vadd.s32 v20, v25;
	v26 =	vld [tilespmem:s1+$0x40]  }
0x195: {  	v63 =	vadd.s32 v21, v25;
	v28 =	vld [tilespmem:s1+$0x50];
	_ =	sdelay $0x3  }
0x196: {  	[tilespmem:v27+s29+$0x0] =	vst.idx.msk $0xffff, v26  }
0x197: {  	[tilespmem:v63+s29+$0x0] =	vst.idx.msk $0xffff, v28  }
0x198: {  	s13 =	sadd.s32 $0x1, s13;
	v27 =	vadd.s32 v22, v25;
	v26 =	vld [tilespmem:s1+$0x60]  }
0x199: {  	p0 =	sne.s32 s13, $0xA;
	v25 =	vadd.s32 v23, v25;
	v28 =	vld [tilespmem:s1+$0x70]  }
.Ltmp7:
0x19a: {  	_ = 	snop;
	(pc) =	sbr.rel @p0 .LBB2_15-.Ltmp7, $3  }
0x19b: {  	_ =	sdelay $0x1  }
0x19c: {  	[tilespmem:v27+s29+$0x0] =	vst.idx.msk $0xffff, v26  }
0x19d: {  	s5 =	sadd.s32 $0x800, s5;
	[tilespmem:v25+s29+$0x0] =	vst.idx.msk $0xffff, v28  }
0x19e: {  	s0 =	sadd.s32 s31, s8;
	s1 =	simm.s32 $0xC640  }
0x19f: {  	[hbm4b:s0+s4] =	stream.linear.scatter [tilespmem:s1], [sflag:$0x4], $0x40, $0x38;
	[tilespmem:$0x12040] =	vst v63  }
0x1a0: {  	s1 =	simm.s32 $0x120  }
.LBB2_19:
0x1a1: {  	p0 =	sne.s32 s1, $0x166E0  }
.Ltmp8:
0x1a2: {  	_ = 	snop;
	(pc) =	sbr.rel @p0 .LBB2_19-.Ltmp8, $4  }
0x1a3: {  	_ = 	snop  }
0x1a4: {  	s2 =	sshra.s32 s1, $0x2;
	s1 =	sadd.s32 $0x120, s1  }
0x1a5: {  	s0 =	sadd.s32 $0x800, s0;
	s2 =	sadd.s32 $0xC640, s2  }
0x1a6: {  	[hbm4b:s0+s4] =	stream.linear.scatter [tilespmem:s2], [sflag:$0x4], $0x40, $0x38;
	[tilespmem:$0x12040] =	vst v63  }
0x1a7: {  	s0 =	simm.s32 $0x1E  }
0x1a8: {  	v25 =	vmov s0  }
0x1a9: {  	v25 =	vand.u32 $0x3F, v25  }
0x1aa: {  	v26 =	vadd.s32 v2, v25;
	_ =	sdelay $0x1  }
0x1ab: {  	_ =	swait.ge [sflag:s14], $0x5000  }
0x1ac: {  	[sflag:s14] =	ssyncset.done $0x0  }
0x1ad: {  	[sflag:s14] =	ssyncadd.s32 $0xFFFFB000  }
0x1ae: {  	v26 =	vld.idx.msk [tilespmem:v26+s4+$0x0], $0xffff  }
0x1af: {  	v27 =	vadd.s32 v6, v25;
	_ =	sdelay $0x2  }
0x1b0: {  	s0 =	simm.s32 $0x23E0  }
0x1b1: {  	[tilespmem:s0+$0xFFFFFFE0] =	vst v26  }
0x1b2: {  	v26 =	vld.idx.msk [tilespmem:v27+s4+$0x0], $0xffff  }
0x1b3: {  	v27 =	vadd.s32 v7, v25;
	_ =	sdelay $0x3  }
0x1b4: {  	[tilespmem:s0+$0xFFFFFFF0] =	vst v26  }
0x1b5: {  	v26 =	vld.idx.msk [tilespmem:v27+s4+$0x0], $0xffff  }
0x1b6: {  	v25 =	vadd.s32 v8, v25;
	_ =	sdelay $0x3  }
0x1b7: {  	s1 =	simm.s32 $0x1F;
	[tilespmem:s0+$0x0] =	vst v26  }
0x1b8: {  	v26 =	vmov s1;
	s1 =	simm.s32 $0x20;
	v25 =	vld.idx.msk [tilespmem:v25+s4+$0x0], $0xffff  }
.LBB2_21:
0x1b9: {  	p0 =	sne.s32 s1, $0x27;
	v26 =	vand.u32 $0x3F, v26  }
0x1ba: {  	v27 =	vadd.s32 v2, v26;
	_ =	sdelay $0x3  }
0x1bb: {  	[tilespmem:s0+$0x10] =	vst v25  }
0x1bc: {  	v25 =	vld.idx.msk [tilespmem:v27+s4+$0x0], $0xffff;
	_ =	sdelay $0x1  }
0x1bd: {  	v27 =	vadd.s32 v6, v26;
	_ =	sdelay $0x2  }
0x1be: {  	s0 =	sadd.s32 $0x40, s0  }
0x1bf: {  	[tilespmem:s0+$0xFFFFFFE0] =	vst v25  }
0x1c0: {  	v25 =	vld.idx.msk [tilespmem:v27+s4+$0x0], $0xffff;
	_ =	sdelay $0x1  }
0x1c1: {  	v27 =	vadd.s32 v7, v26;
	_ =	sdelay $0x3  }
0x1c2: {  	[tilespmem:s0+$0xFFFFFFF0] =	vst v25  }
0x1c3: {  	v25 =	vld.idx.msk [tilespmem:v27+s4+$0x0], $0xffff;
	_ =	sdelay $0x1  }
0x1c4: {  	v27 =	vadd.s32 v8, v26  }
.Ltmp9:
0x1c5: {  	(pc) =	sbr.rel @p0 .LBB2_21-.Ltmp9, $3  }
0x1c6: {  	_ =	sdelay $0x1  }
0x1c7: {  	[tilespmem:s0+$0x0] =	vst v25  }
0x1c8: {  	v26 =	vmov s1;
	s1 =	sadd.s32 $0x1, s1;
	v25 =	vld.idx.msk [tilespmem:v27+s4+$0x0], $0xffff  }
0x1c9: {  	v26 =	vand.u32 $0x3F, v26  }
0x1ca: {  	v27 =	vadd.s32 v2, v26;
	_ =	sdelay $0x3  }
0x1cb: {  	[tilespmem:s0+$0x10] =	vst v25  }
0x1cc: {  	v25 =	vld.idx.msk [tilespmem:v27+s4+$0x0], $0xffff  }
0x1cd: {  	v27 =	vadd.s32 v6, v26;
	_ =	sdelay $0x2  }
0x1ce: {  	s29 =	sadd.s32 $0x40, s0  }
0x1cf: {  	[tilespmem:s29+$0xFFFFFFE0] =	vst v25  }
0x1d0: {  	v25 =	vld.idx.msk [tilespmem:v27+s4+$0x0], $0xffff  }
0x1d1: {  	v27 =	vadd.s32 v7, v26;
	_ =	sdelay $0x3  }
0x1d2: {  	[tilespmem:s29+$0xFFFFFFF0] =	vst v25  }
0x1d3: {  	v25 =	vld.idx.msk [tilespmem:v27+s4+$0x0], $0xffff  }
0x1d4: {  	v26 =	vadd.s32 v8, v26;
	_ =	sdelay $0x3  }
0x1d5: {  	[tilespmem:s29+$0x0] =	vst v25  }
0x1d6: {  	v25 =	vld.idx.msk [tilespmem:v26+s4+$0x0], $0xffff;
	_ =	sdelay $0x4  }
0x1d7: {  	[tilespmem:s29+$0x10] =	vst v25  }
0x1d8: {  	[tilespmem:s23], [sflag:$0x3] =	stream.indirect.gather [hbm4b:s6+s19], $0x20, s22, s19, $0xb8;
	[tilespmem:$0x12040] =	vst v63  }
0x1d9: {  	_ =	swait.ge [sflag:s24], $0x5000  }
0x1da: {  	s5 =	simm.s32 $0x26C0;
	[sflag:s24] =	ssyncset.done $0x0  }
0x1db: {  	s13 =	simm.s32 $0x0;
	s0 =	simm.s32 $0x0;
	[sflag:s24] =	ssyncadd.s32 $0xFFFFB000  }
.LBB2_23:
0x1dc: {  	v25 =	vmov s0  }
0x1dd: {  	v25 =	vshrl.u32 v25, $0x3  }
0x1de: {  	v25 =	vshll.u32 v25, $0x3  }
0x1df: {  	v25 =	vbroadcast v25, $0x0;
	_ =	sdelay $0x1  }
0x1e0: {  	v26 =	vld [tilespmem:s5+$0xFFFFFF80];
	v27 =	vadd.s32 v5, v25  }
0x1e1: {  	s1 =	smul.u32 $0x2400, s13;
	v28 =	vld [tilespmem:s5+$0xFFFFFF90];
	v29 =	vadd.s32 v9, v25;
	_ =	sdelay $0x1  }
0x1e2: {  	s1 =	sshra.s32 s1, $0x2  }
0x1e3: {  	s29 =	sadd.s32 $0xC640, s1  }
0x1e4: {  	[tilespmem:v27+s29+$0x0] =	vst.idx.msk $0xffff, v26  }
0x1e5: {  	[tilespmem:v29+s29+$0x0] =	vst.idx.msk $0xffff, v28  }
0x1e6: {  	v27 =	vadd.s32 v10, v25;
	v26 =	vld [tilespmem:s5+$0xFFFFFFA0]  }
0x1e7: {  	v29 =	vadd.s32 v11, v25;
	v28 =	vld [tilespmem:s5+$0xFFFFFFB0];
	_ =	sdelay $0x3  }
0x1e8: {  	[tilespmem:v27+s29+$0x0] =	vst.idx.msk $0xffff, v26  }
0x1e9: {  	[tilespmem:v29+s29+$0x0] =	vst.idx.msk $0xffff, v28  }
0x1ea: {  	v27 =	vadd.s32 v12, v25;
	v26 =	vld [tilespmem:s5+$0xFFFFFFC0]  }
0x1eb: {  	v29 =	vadd.s32 v13, v25;
	v28 =	vld [tilespmem:s5+$0xFFFFFFD0];
	_ =	sdelay $0x3  }
0x1ec: {  	[tilespmem:v27+s29+$0x0] =	vst.idx.msk $0xffff, v26  }
0x1ed: {  	[tilespmem:v29+s29+$0x0] =	vst.idx.msk $0xffff, v28  }
0x1ee: {  	v27 =	vadd.s32 v14, v25;
	v26 =	vld [tilespmem:s5+$0xFFFFFFE0]  }
0x1ef: {  	v29 =	vadd.s32 v15, v25;
	v28 =	vld [tilespmem:s5+$0xFFFFFFF0];
	_ =	sdelay $0x3  }
0x1f0: {  	[tilespmem:v27+s29+$0x0] =	vst.idx.msk $0xffff, v26  }
0x1f1: {  	[tilespmem:v29+s29+$0x0] =	vst.idx.msk $0xffff, v28  }
0x1f2: {  	v27 =	vadd.s32 v16, v25;
	v26 =	vld [tilespmem:s5+$0x0]  }
0x1f3: {  	v29 =	vadd.s32 v17, v25;
	v28 =	vld [tilespmem:s5+$0x10];
	_ =	sdelay $0x3  }
0x1f4: {  	[tilespmem:v27+s29+$0x0] =	vst.idx.msk $0xffff, v26  }
0x1f5: {  	[tilespmem:v29+s29+$0x0] =	vst.idx.msk $0xffff, v28  }
0x1f6: {  	v27 =	vadd.s32 v18, v25;
	v26 =	vld [tilespmem:s5+$0x20]  }
0x1f7: {  	v29 =	vadd.s32 v19, v25;
	v28 =	vld [tilespmem:s5+$0x30];
	_ =	sdelay $0x3  }
0x1f8: {  	[tilespmem:v27+s29+$0x0] =	vst.idx.msk $0xffff, v26  }
0x1f9: {  	[tilespmem:v29+s29+$0x0] =	vst.idx.msk $0xffff, v28  }
0x1fa: {  	v27 =	vadd.s32 v20, v25;
	v26 =	vld [tilespmem:s5+$0x40]  }
0x1fb: {  	v29 =	vadd.s32 v21, v25;
	v28 =	vld [tilespmem:s5+$0x50];
	_ =	sdelay $0x3  }
0x1fc: {  	[tilespmem:v27+s29+$0x0] =	vst.idx.msk $0xffff, v26  }
0x1fd: {  	s3 =	simm.s32 $0x8;
	[tilespmem:v29+s29+$0x0] =	vst.idx.msk $0xffff, v28  }
0x1fe: {  	v26 =	vmov s3;
	v29 =	vadd.s32 v22, v25;
	v28 =	vld [tilespmem:s5+$0x60]  }
0x1ff: {  	v27 =	vshrl.u32 v26, $0x3  }
0x200: {  	v26 =	vld [tilespmem:s5+$0x70];
	v30 =	vshll.u32 v27, $0x3;
	v27 =	vadd.s32 v23, v25;
	_ =	sdelay $0x2  }
0x201: {  	s2 =	smov.u32 s5;
	s1 =	simm.s32 $0x10;
	v25 =	vbroadcast v30, $0x0;
	[tilespmem:v29+s29+$0x0] =	vst.idx.msk $0xffff, v28  }
.LBB2_24:
0x202: {  	p0 =	sne.s32 s1, $0x38  }
0x203: {  	[tilespmem:v27+s29+$0x0] =	vst.idx.msk $0xffff, v26;
	s2 =	sadd.s32 $0x100, s2;
	s3 =	smov.u32 s1;
	s1 =	sadd.s32 $0x8, s1  }
0x204: {  	v26 =	vld [tilespmem:s2+$0xFFFFFF80];
	v27 =	vadd.s32 v5, v25  }
0x205: {  	v29 =	vadd.s32 v9, v25;
	v28 =	vld [tilespmem:s2+$0xFFFFFF90];
	_ =	sdelay $0x3  }
0x206: {  	[tilespmem:v27+s29+$0x0] =	vst.idx.msk $0xffff, v26  }
0x207: {  	[tilespmem:v29+s29+$0x0] =	vst.idx.msk $0xffff, v28  }
0x208: {  	v27 =	vadd.s32 v10, v25;
	v26 =	vld [tilespmem:s2+$0xFFFFFFA0]  }
0x209: {  	v29 =	vadd.s32 v11, v25;
	v28 =	vld [tilespmem:s2+$0xFFFFFFB0];
	_ =	sdelay $0x3  }
0x20a: {  	[tilespmem:v27+s29+$0x0] =	vst.idx.msk $0xffff, v26  }
0x20b: {  	[tilespmem:v29+s29+$0x0] =	vst.idx.msk $0xffff, v28  }
0x20c: {  	v27 =	vadd.s32 v12, v25;
	v26 =	vld [tilespmem:s2+$0xFFFFFFC0]  }
0x20d: {  	v29 =	vadd.s32 v13, v25;
	v28 =	vld [tilespmem:s2+$0xFFFFFFD0];
	_ =	sdelay $0x3  }
0x20e: {  	[tilespmem:v27+s29+$0x0] =	vst.idx.msk $0xffff, v26  }
0x20f: {  	[tilespmem:v29+s29+$0x0] =	vst.idx.msk $0xffff, v28  }
0x210: {  	v27 =	vadd.s32 v14, v25;
	v26 =	vld [tilespmem:s2+$0xFFFFFFE0]  }
0x211: {  	v29 =	vadd.s32 v15, v25;
	v28 =	vld [tilespmem:s2+$0xFFFFFFF0];
	_ =	sdelay $0x3  }
0x212: {  	[tilespmem:v27+s29+$0x0] =	vst.idx.msk $0xffff, v26  }
0x213: {  	[tilespmem:v29+s29+$0x0] =	vst.idx.msk $0xffff, v28  }
0x214: {  	v27 =	vadd.s32 v16, v25;
	v26 =	vld [tilespmem:s2+$0x0]  }
0x215: {  	v29 =	vadd.s32 v17, v25;
	v28 =	vld [tilespmem:s2+$0x10];
	_ =	sdelay $0x3  }
0x216: {  	[tilespmem:v27+s29+$0x0] =	vst.idx.msk $0xffff, v26  }
0x217: {  	[tilespmem:v29+s29+$0x0] =	vst.idx.msk $0xffff, v28  }
0x218: {  	v27 =	vadd.s32 v18, v25;
	v26 =	vld [tilespmem:s2+$0x20]  }
0x219: {  	v29 =	vadd.s32 v19, v25;
	v28 =	vld [tilespmem:s2+$0x30];
	_ =	sdelay $0x3  }
0x21a: {  	[tilespmem:v27+s29+$0x0] =	vst.idx.msk $0xffff, v26  }
0x21b: {  	[tilespmem:v29+s29+$0x0] =	vst.idx.msk $0xffff, v28  }
0x21c: {  	v27 =	vadd.s32 v20, v25;
	v26 =	vld [tilespmem:s2+$0x40]  }
0x21d: {  	v29 =	vadd.s32 v21, v25;
	v28 =	vld [tilespmem:s2+$0x50];
	_ =	sdelay $0x3  }
0x21e: {  	[tilespmem:v27+s29+$0x0] =	vst.idx.msk $0xffff, v26  }
0x21f: {  	[tilespmem:v29+s29+$0x0] =	vst.idx.msk $0xffff, v28  }
0x220: {  	v29 =	vadd.s32 v22, v25;
	v28 =	vld [tilespmem:s2+$0x60]  }
.Ltmp10:
0x221: {  	v27 =	vadd.s32 v23, v25;
	v26 =	vld [tilespmem:s2+$0x70];
	(pc) =	sbr.rel @p0 .LBB2_24-.Ltmp10, $4  }
0x222: {  	v25 =	vmov s3  }
0x223: {  	v25 =	vshrl.u32 v25, $0x3  }
0x224: {  	v25 =	vshll.u32 v25, $0x3  }
0x225: {  	v25 =	vbroadcast v25, $0x0;
	[tilespmem:v29+s29+$0x0] =	vst.idx.msk $0xffff, v28  }
0x226: {  	_ =	sdelay $0x3  }
0x227: {  	[tilespmem:v27+s29+$0x0] =	vst.idx.msk $0xffff, v26;
	s1 =	sadd.s32 $0x100, s2  }
0x228: {  	v26 =	vld [tilespmem:s1+$0xFFFFFF80];
	v27 =	vadd.s32 v5, v25  }
0x229: {  	v28 =	vld [tilespmem:s1+$0xFFFFFF90];
	v29 =	vadd.s32 v9, v25;
	_ =	sdelay $0x3  }
0x22a: {  	[tilespmem:v27+s29+$0x0] =	vst.idx.msk $0xffff, v26  }
0x22b: {  	[tilespmem:v29+s29+$0x0] =	vst.idx.msk $0xffff, v28  }
0x22c: {  	v27 =	vadd.s32 v10, v25;
	v26 =	vld [tilespmem:s1+$0xFFFFFFA0]  }
0x22d: {  	v58 =	vadd.s32 v11, v25;
	v28 =	vld [tilespmem:s1+$0xFFFFFFB0];
	_ =	sdelay $0x3  }
0x22e: {  	[tilespmem:v27+s29+$0x0] =	vst.idx.msk $0xffff, v26  }
0x22f: {  	[tilespmem:v58+s29+$0x0] =	vst.idx.msk $0xffff, v28  }
0x230: {  	v27 =	vadd.s32 v12, v25;
	v26 =	vld [tilespmem:s1+$0xFFFFFFC0]  }
0x231: {  	v59 =	vadd.s32 v13, v25;
	v28 =	vld [tilespmem:s1+$0xFFFFFFD0];
	_ =	sdelay $0x3  }
0x232: {  	[tilespmem:v27+s29+$0x0] =	vst.idx.msk $0xffff, v26  }
0x233: {  	[tilespmem:v59+s29+$0x0] =	vst.idx.msk $0xffff, v28  }
0x234: {  	v27 =	vadd.s32 v14, v25;
	v26 =	vld [tilespmem:s1+$0xFFFFFFE0]  }
0x235: {  	v60 =	vadd.s32 v15, v25;
	v28 =	vld [tilespmem:s1+$0xFFFFFFF0];
	_ =	sdelay $0x3  }
0x236: {  	[tilespmem:v27+s29+$0x0] =	vst.idx.msk $0xffff, v26  }
0x237: {  	[tilespmem:v60+s29+$0x0] =	vst.idx.msk $0xffff, v28  }
0x238: {  	v27 =	vadd.s32 v16, v25;
	v26 =	vld [tilespmem:s1+$0x0]  }
0x239: {  	v61 =	vadd.s32 v17, v25;
	v28 =	vld [tilespmem:s1+$0x10];
	_ =	sdelay $0x3  }
0x23a: {  	[tilespmem:v27+s29+$0x0] =	vst.idx.msk $0xffff, v26  }
0x23b: {  	[tilespmem:v61+s29+$0x0] =	vst.idx.msk $0xffff, v28  }
0x23c: {  	v27 =	vadd.s32 v18, v25;
	v26 =	vld [tilespmem:s1+$0x20]  }
0x23d: {  	v62 =	vadd.s32 v19, v25;
	v28 =	vld [tilespmem:s1+$0x30];
	_ =	sdelay $0x3  }
0x23e: {  	[tilespmem:v27+s29+$0x0] =	vst.idx.msk $0xffff, v26  }
0x23f: {  	[tilespmem:v62+s29+$0x0] =	vst.idx.msk $0xffff, v28  }
0x240: {  	v27 =	vadd.s32 v20, v25;
	v26 =	vld [tilespmem:s1+$0x40]  }
0x241: {  	v63 =	vadd.s32 v21, v25;
	v28 =	vld [tilespmem:s1+$0x50];
	_ =	sdelay $0x3  }
0x242: {  	[tilespmem:v27+s29+$0x0] =	vst.idx.msk $0xffff, v26  }
0x243: {  	[tilespmem:v63+s29+$0x0] =	vst.idx.msk $0xffff, v28  }
0x244: {  	s13 =	sadd.s32 $0x1, s13;
	v27 =	vadd.s32 v22, v25;
	v26 =	vld [tilespmem:s1+$0x60]  }
0x245: {  	p0 =	sne.s32 s13, $0xA;
	v25 =	vadd.s32 v23, v25;
	v28 =	vld [tilespmem:s1+$0x70]  }
.Ltmp11:
0x246: {  	_ = 	snop;
	(pc) =	sbr.rel @p0 .LBB2_23-.Ltmp11, $3  }
0x247: {  	_ =	sdelay $0x1  }
0x248: {  	[tilespmem:v27+s29+$0x0] =	vst.idx.msk $0xffff, v26  }
0x249: {  	s5 =	sadd.s32 $0x800, s5;
	[tilespmem:v25+s29+$0x0] =	vst.idx.msk $0xffff, v28  }
0x24a: {  	s0 =	sadd.s32 s31, s10;
	s1 =	simm.s32 $0xC640  }
0x24b: {  	[hbm4b:s0+s4] =	stream.linear.scatter [tilespmem:s1], [sflag:$0x4], $0x40, $0x38;
	[tilespmem:$0x12040] =	vst v63  }
0x24c: {  	s1 =	simm.s32 $0x120  }
.LBB2_27:
0x24d: {  	p0 =	sne.s32 s1, $0x166E0  }
.Ltmp12:
0x24e: {  	_ = 	snop;
	(pc) =	sbr.rel @p0 .LBB2_27-.Ltmp12, $4  }
0x24f: {  	_ = 	snop  }
0x250: {  	s2 =	sshra.s32 s1, $0x2;
	s1 =	sadd.s32 $0x120, s1  }
0x251: {  	s0 =	sadd.s32 $0x800, s0;
	s2 =	sadd.s32 $0xC640, s2  }
0x252: {  	[hbm4b:s0+s4] =	stream.linear.scatter [tilespmem:s2], [sflag:$0x4], $0x40, $0x38;
	[tilespmem:$0x12040] =	vst v63  }
0x253: {  	s0 =	simm.s32 $0x28  }
0x254: {  	v25 =	vmov s0  }
0x255: {  	v25 =	vand.u32 $0x3F, v25  }
0x256: {  	v26 =	vadd.s32 v2, v25;
	_ =	sdelay $0x1  }
0x257: {  	_ =	swait.ge [sflag:s14], $0x5000  }
0x258: {  	[sflag:s14] =	ssyncset.done $0x0  }
0x259: {  	[sflag:s14] =	ssyncadd.s32 $0xFFFFB000  }
0x25a: {  	v26 =	vld.idx.msk [tilespmem:v26+s4+$0x0], $0xffff  }
0x25b: {  	v27 =	vadd.s32 v6, v25;
	_ =	sdelay $0x2  }
0x25c: {  	s0 =	simm.s32 $0x2160  }
0x25d: {  	[tilespmem:s0+$0xFFFFFFE0] =	vst v26  }
0x25e: {  	v26 =	vld.idx.msk [tilespmem:v27+s4+$0x0], $0xffff  }
0x25f: {  	v27 =	vadd.s32 v7, v25;
	_ =	sdelay $0x3  }
0x260: {  	[tilespmem:s0+$0xFFFFFFF0] =	vst v26  }
0x261: {  	v26 =	vld.idx.msk [tilespmem:v27+s4+$0x0], $0xffff  }
0x262: {  	v25 =	vadd.s32 v8, v25;
	_ =	sdelay $0x3  }
0x263: {  	s1 =	simm.s32 $0x29;
	[tilespmem:s0+$0x0] =	vst v26  }
0x264: {  	v26 =	vmov s1;
	s1 =	simm.s32 $0x2A;
	v25 =	vld.idx.msk [tilespmem:v25+s4+$0x0], $0xffff  }
.LBB2_29:
0x265: {  	p0 =	sne.s32 s1, $0x31;
	v26 =	vand.u32 $0x3F, v26  }
0x266: {  	v27 =	vadd.s32 v2, v26;
	_ =	sdelay $0x3  }
0x267: {  	[tilespmem:s0+$0x10] =	vst v25  }
0x268: {  	v25 =	vld.idx.msk [tilespmem:v27+s4+$0x0], $0xffff;
	_ =	sdelay $0x1  }
0x269: {  	v27 =	vadd.s32 v6, v26;
	_ =	sdelay $0x2  }
0x26a: {  	s0 =	sadd.s32 $0x40, s0  }
0x26b: {  	[tilespmem:s0+$0xFFFFFFE0] =	vst v25  }
0x26c: {  	v25 =	vld.idx.msk [tilespmem:v27+s4+$0x0], $0xffff;
	_ =	sdelay $0x1  }
0x26d: {  	v27 =	vadd.s32 v7, v26;
	_ =	sdelay $0x3  }
0x26e: {  	[tilespmem:s0+$0xFFFFFFF0] =	vst v25  }
0x26f: {  	v25 =	vld.idx.msk [tilespmem:v27+s4+$0x0], $0xffff;
	_ =	sdelay $0x1  }
0x270: {  	v27 =	vadd.s32 v8, v26  }
.Ltmp13:
0x271: {  	(pc) =	sbr.rel @p0 .LBB2_29-.Ltmp13, $3  }
0x272: {  	_ =	sdelay $0x1  }
0x273: {  	[tilespmem:s0+$0x0] =	vst v25  }
0x274: {  	v26 =	vmov s1;
	s1 =	sadd.s32 $0x1, s1;
	v25 =	vld.idx.msk [tilespmem:v27+s4+$0x0], $0xffff  }
0x275: {  	v26 =	vand.u32 $0x3F, v26  }
0x276: {  	v27 =	vadd.s32 v2, v26;
	_ =	sdelay $0x3  }
0x277: {  	[tilespmem:s0+$0x10] =	vst v25  }
0x278: {  	v25 =	vld.idx.msk [tilespmem:v27+s4+$0x0], $0xffff  }
0x279: {  	v27 =	vadd.s32 v6, v26;
	_ =	sdelay $0x2  }
0x27a: {  	s29 =	sadd.s32 $0x40, s0  }
0x27b: {  	[tilespmem:s29+$0xFFFFFFE0] =	vst v25  }
0x27c: {  	v25 =	vld.idx.msk [tilespmem:v27+s4+$0x0], $0xffff  }
0x27d: {  	v27 =	vadd.s32 v7, v26;
	_ =	sdelay $0x3  }
0x27e: {  	[tilespmem:s29+$0xFFFFFFF0] =	vst v25  }
0x27f: {  	v25 =	vld.idx.msk [tilespmem:v27+s4+$0x0], $0xffff  }
0x280: {  	v26 =	vadd.s32 v8, v26;
	_ =	sdelay $0x3  }
0x281: {  	[tilespmem:s29+$0x0] =	vst v25  }
0x282: {  	v25 =	vld.idx.msk [tilespmem:v26+s4+$0x0], $0xffff;
	_ =	sdelay $0x4  }
0x283: {  	[tilespmem:s29+$0x10] =	vst v25  }
0x284: {  	[tilespmem:s21], [sflag:$0x2] =	stream.indirect.gather [hbm4b:s6+s19], $0x20, s20, s19, $0xb8;
	[tilespmem:$0x12040] =	vst v63  }
0x285: {  	_ =	swait.ge [sflag:s25], $0x5000  }
0x286: {  	s5 =	simm.s32 $0x76C0;
	[sflag:s25] =	ssyncset.done $0x0  }
0x287: {  	s13 =	simm.s32 $0x0;
	s0 =	simm.s32 $0x0;
	[sflag:s25] =	ssyncadd.s32 $0xFFFFB000  }
.LBB2_31:
0x288: {  	v25 =	vmov s0  }
0x289: {  	v25 =	vshrl.u32 v25, $0x3  }
0x28a: {  	v25 =	vshll.u32 v25, $0x3  }
0x28b: {  	v25 =	vbroadcast v25, $0x0;
	_ =	sdelay $0x1  }
0x28c: {  	v26 =	vld [tilespmem:s5+$0xFFFFFF80];
	v27 =	vadd.s32 v5, v25  }
0x28d: {  	s1 =	smul.u32 $0x2400, s13;
	v28 =	vld [tilespmem:s5+$0xFFFFFF90];
	v29 =	vadd.s32 v9, v25;
	_ =	sdelay $0x1  }
0x28e: {  	s1 =	sshra.s32 s1, $0x2  }
0x28f: {  	s29 =	sadd.s32 $0xC640, s1  }
0x290: {  	[tilespmem:v27+s29+$0x0] =	vst.idx.msk $0xffff, v26  }
0x291: {  	[tilespmem:v29+s29+$0x0] =	vst.idx.msk $0xffff, v28  }
0x292: {  	v27 =	vadd.s32 v10, v25;
	v26 =	vld [tilespmem:s5+$0xFFFFFFA0]  }
0x293: {  	v29 =	vadd.s32 v11, v25;
	v28 =	vld [tilespmem:s5+$0xFFFFFFB0];
	_ =	sdelay $0x3  }
0x294: {  	[tilespmem:v27+s29+$0x0] =	vst.idx.msk $0xffff, v26  }
0x295: {  	[tilespmem:v29+s29+$0x0] =	vst.idx.msk $0xffff, v28  }
0x296: {  	v27 =	vadd.s32 v12, v25;
	v26 =	vld [tilespmem:s5+$0xFFFFFFC0]  }
0x297: {  	v29 =	vadd.s32 v13, v25;
	v28 =	vld [tilespmem:s5+$0xFFFFFFD0];
	_ =	sdelay $0x3  }
0x298: {  	[tilespmem:v27+s29+$0x0] =	vst.idx.msk $0xffff, v26  }
0x299: {  	[tilespmem:v29+s29+$0x0] =	vst.idx.msk $0xffff, v28  }
0x29a: {  	v27 =	vadd.s32 v14, v25;
	v26 =	vld [tilespmem:s5+$0xFFFFFFE0]  }
0x29b: {  	v29 =	vadd.s32 v15, v25;
	v28 =	vld [tilespmem:s5+$0xFFFFFFF0];
	_ =	sdelay $0x3  }
0x29c: {  	[tilespmem:v27+s29+$0x0] =	vst.idx.msk $0xffff, v26  }
0x29d: {  	[tilespmem:v29+s29+$0x0] =	vst.idx.msk $0xffff, v28  }
0x29e: {  	v27 =	vadd.s32 v16, v25;
	v26 =	vld [tilespmem:s5+$0x0]  }
0x29f: {  	v29 =	vadd.s32 v17, v25;
	v28 =	vld [tilespmem:s5+$0x10];
	_ =	sdelay $0x3  }
0x2a0: {  	[tilespmem:v27+s29+$0x0] =	vst.idx.msk $0xffff, v26  }
0x2a1: {  	[tilespmem:v29+s29+$0x0] =	vst.idx.msk $0xffff, v28  }
0x2a2: {  	v27 =	vadd.s32 v18, v25;
	v26 =	vld [tilespmem:s5+$0x20]  }
0x2a3: {  	v29 =	vadd.s32 v19, v25;
	v28 =	vld [tilespmem:s5+$0x30];
	_ =	sdelay $0x3  }
0x2a4: {  	[tilespmem:v27+s29+$0x0] =	vst.idx.msk $0xffff, v26  }
0x2a5: {  	[tilespmem:v29+s29+$0x0] =	vst.idx.msk $0xffff, v28  }
0x2a6: {  	v27 =	vadd.s32 v20, v25;
	v26 =	vld [tilespmem:s5+$0x40]  }
0x2a7: {  	v29 =	vadd.s32 v21, v25;
	v28 =	vld [tilespmem:s5+$0x50];
	_ =	sdelay $0x3  }
0x2a8: {  	[tilespmem:v27+s29+$0x0] =	vst.idx.msk $0xffff, v26  }
0x2a9: {  	s3 =	simm.s32 $0x8;
	[tilespmem:v29+s29+$0x0] =	vst.idx.msk $0xffff, v28  }
0x2aa: {  	v26 =	vmov s3;
	v29 =	vadd.s32 v22, v25;
	v28 =	vld [tilespmem:s5+$0x60]  }
0x2ab: {  	v27 =	vshrl.u32 v26, $0x3  }
0x2ac: {  	v26 =	vld [tilespmem:s5+$0x70];
	v30 =	vshll.u32 v27, $0x3;
	v27 =	vadd.s32 v23, v25;
	_ =	sdelay $0x2  }
0x2ad: {  	s2 =	smov.u32 s5;
	s1 =	simm.s32 $0x10;
	v25 =	vbroadcast v30, $0x0;
	[tilespmem:v29+s29+$0x0] =	vst.idx.msk $0xffff, v28  }
.LBB2_32:
0x2ae: {  	p0 =	sne.s32 s1, $0x38  }
0x2af: {  	[tilespmem:v27+s29+$0x0] =	vst.idx.msk $0xffff, v26;
	s2 =	sadd.s32 $0x100, s2;
	s3 =	smov.u32 s1;
	s1 =	sadd.s32 $0x8, s1  }
0x2b0: {  	v26 =	vld [tilespmem:s2+$0xFFFFFF80];
	v27 =	vadd.s32 v5, v25  }
0x2b1: {  	v29 =	vadd.s32 v9, v25;
	v28 =	vld [tilespmem:s2+$0xFFFFFF90];
	_ =	sdelay $0x3  }
0x2b2: {  	[tilespmem:v27+s29+$0x0] =	vst.idx.msk $0xffff, v26  }
0x2b3: {  	[tilespmem:v29+s29+$0x0] =	vst.idx.msk $0xffff, v28  }
0x2b4: {  	v27 =	vadd.s32 v10, v25;
	v26 =	vld [tilespmem:s2+$0xFFFFFFA0]  }
0x2b5: {  	v29 =	vadd.s32 v11, v25;
	v28 =	vld [tilespmem:s2+$0xFFFFFFB0];
	_ =	sdelay $0x3  }
0x2b6: {  	[tilespmem:v27+s29+$0x0] =	vst.idx.msk $0xffff, v26  }
0x2b7: {  	[tilespmem:v29+s29+$0x0] =	vst.idx.msk $0xffff, v28  }
0x2b8: {  	v27 =	vadd.s32 v12, v25;
	v26 =	vld [tilespmem:s2+$0xFFFFFFC0]  }
0x2b9: {  	v29 =	vadd.s32 v13, v25;
	v28 =	vld [tilespmem:s2+$0xFFFFFFD0];
	_ =	sdelay $0x3  }
0x2ba: {  	[tilespmem:v27+s29+$0x0] =	vst.idx.msk $0xffff, v26  }
0x2bb: {  	[tilespmem:v29+s29+$0x0] =	vst.idx.msk $0xffff, v28  }
0x2bc: {  	v27 =	vadd.s32 v14, v25;
	v26 =	vld [tilespmem:s2+$0xFFFFFFE0]  }
0x2bd: {  	v29 =	vadd.s32 v15, v25;
	v28 =	vld [tilespmem:s2+$0xFFFFFFF0];
	_ =	sdelay $0x3  }
0x2be: {  	[tilespmem:v27+s29+$0x0] =	vst.idx.msk $0xffff, v26  }
0x2bf: {  	[tilespmem:v29+s29+$0x0] =	vst.idx.msk $0xffff, v28  }
0x2c0: {  	v27 =	vadd.s32 v16, v25;
	v26 =	vld [tilespmem:s2+$0x0]  }
0x2c1: {  	v29 =	vadd.s32 v17, v25;
	v28 =	vld [tilespmem:s2+$0x10];
	_ =	sdelay $0x3  }
0x2c2: {  	[tilespmem:v27+s29+$0x0] =	vst.idx.msk $0xffff, v26  }
0x2c3: {  	[tilespmem:v29+s29+$0x0] =	vst.idx.msk $0xffff, v28  }
0x2c4: {  	v27 =	vadd.s32 v18, v25;
	v26 =	vld [tilespmem:s2+$0x20]  }
0x2c5: {  	v29 =	vadd.s32 v19, v25;
	v28 =	vld [tilespmem:s2+$0x30];
	_ =	sdelay $0x3  }
0x2c6: {  	[tilespmem:v27+s29+$0x0] =	vst.idx.msk $0xffff, v26  }
0x2c7: {  	[tilespmem:v29+s29+$0x0] =	vst.idx.msk $0xffff, v28  }
0x2c8: {  	v27 =	vadd.s32 v20, v25;
	v26 =	vld [tilespmem:s2+$0x40]  }
0x2c9: {  	v29 =	vadd.s32 v21, v25;
	v28 =	vld [tilespmem:s2+$0x50];
	_ =	sdelay $0x3  }
0x2ca: {  	[tilespmem:v27+s29+$0x0] =	vst.idx.msk $0xffff, v26  }
0x2cb: {  	[tilespmem:v29+s29+$0x0] =	vst.idx.msk $0xffff, v28  }
0x2cc: {  	v29 =	vadd.s32 v22, v25;
	v28 =	vld [tilespmem:s2+$0x60]  }
.Ltmp14:
0x2cd: {  	v27 =	vadd.s32 v23, v25;
	v26 =	vld [tilespmem:s2+$0x70];
	(pc) =	sbr.rel @p0 .LBB2_32-.Ltmp14, $4  }
0x2ce: {  	v25 =	vmov s3  }
0x2cf: {  	v25 =	vshrl.u32 v25, $0x3  }
0x2d0: {  	v25 =	vshll.u32 v25, $0x3  }
0x2d1: {  	v25 =	vbroadcast v25, $0x0;
	[tilespmem:v29+s29+$0x0] =	vst.idx.msk $0xffff, v28  }
0x2d2: {  	_ =	sdelay $0x3  }
0x2d3: {  	[tilespmem:v27+s29+$0x0] =	vst.idx.msk $0xffff, v26;
	s1 =	sadd.s32 $0x100, s2  }
0x2d4: {  	v26 =	vld [tilespmem:s1+$0xFFFFFF80];
	v27 =	vadd.s32 v5, v25  }
0x2d5: {  	v28 =	vld [tilespmem:s1+$0xFFFFFF90];
	v29 =	vadd.s32 v9, v25;
	_ =	sdelay $0x3  }
0x2d6: {  	[tilespmem:v27+s29+$0x0] =	vst.idx.msk $0xffff, v26  }
0x2d7: {  	[tilespmem:v29+s29+$0x0] =	vst.idx.msk $0xffff, v28  }
0x2d8: {  	v27 =	vadd.s32 v10, v25;
	v26 =	vld [tilespmem:s1+$0xFFFFFFA0]  }
0x2d9: {  	v58 =	vadd.s32 v11, v25;
	v28 =	vld [tilespmem:s1+$0xFFFFFFB0];
	_ =	sdelay $0x3  }
0x2da: {  	[tilespmem:v27+s29+$0x0] =	vst.idx.msk $0xffff, v26  }
0x2db: {  	[tilespmem:v58+s29+$0x0] =	vst.idx.msk $0xffff, v28  }
0x2dc: {  	v27 =	vadd.s32 v12, v25;
	v26 =	vld [tilespmem:s1+$0xFFFFFFC0]  }
0x2dd: {  	v59 =	vadd.s32 v13, v25;
	v28 =	vld [tilespmem:s1+$0xFFFFFFD0];
	_ =	sdelay $0x3  }
0x2de: {  	[tilespmem:v27+s29+$0x0] =	vst.idx.msk $0xffff, v26  }
0x2df: {  	[tilespmem:v59+s29+$0x0] =	vst.idx.msk $0xffff, v28  }
0x2e0: {  	v27 =	vadd.s32 v14, v25;
	v26 =	vld [tilespmem:s1+$0xFFFFFFE0]  }
0x2e1: {  	v60 =	vadd.s32 v15, v25;
	v28 =	vld [tilespmem:s1+$0xFFFFFFF0];
	_ =	sdelay $0x3  }
0x2e2: {  	[tilespmem:v27+s29+$0x0] =	vst.idx.msk $0xffff, v26  }
0x2e3: {  	[tilespmem:v60+s29+$0x0] =	vst.idx.msk $0xffff, v28  }
0x2e4: {  	v27 =	vadd.s32 v16, v25;
	v26 =	vld [tilespmem:s1+$0x0]  }
0x2e5: {  	v61 =	vadd.s32 v17, v25;
	v28 =	vld [tilespmem:s1+$0x10];
	_ =	sdelay $0x3  }
0x2e6: {  	[tilespmem:v27+s29+$0x0] =	vst.idx.msk $0xffff, v26  }
0x2e7: {  	[tilespmem:v61+s29+$0x0] =	vst.idx.msk $0xffff, v28  }
0x2e8: {  	v27 =	vadd.s32 v18, v25;
	v26 =	vld [tilespmem:s1+$0x20]  }
0x2e9: {  	v62 =	vadd.s32 v19, v25;
	v28 =	vld [tilespmem:s1+$0x30];
	_ =	sdelay $0x3  }
0x2ea: {  	[tilespmem:v27+s29+$0x0] =	vst.idx.msk $0xffff, v26  }
0x2eb: {  	[tilespmem:v62+s29+$0x0] =	vst.idx.msk $0xffff, v28  }
0x2ec: {  	v27 =	vadd.s32 v20, v25;
	v26 =	vld [tilespmem:s1+$0x40]  }
0x2ed: {  	v63 =	vadd.s32 v21, v25;
	v28 =	vld [tilespmem:s1+$0x50];
	_ =	sdelay $0x3  }
0x2ee: {  	[tilespmem:v27+s29+$0x0] =	vst.idx.msk $0xffff, v26  }
0x2ef: {  	[tilespmem:v63+s29+$0x0] =	vst.idx.msk $0xffff, v28  }
0x2f0: {  	s13 =	sadd.s32 $0x1, s13;
	v27 =	vadd.s32 v22, v25;
	v26 =	vld [tilespmem:s1+$0x60]  }
0x2f1: {  	p0 =	sne.s32 s13, $0xA;
	v25 =	vadd.s32 v23, v25;
	v28 =	vld [tilespmem:s1+$0x70]  }
.Ltmp15:
0x2f2: {  	_ = 	snop;
	(pc) =	sbr.rel @p0 .LBB2_31-.Ltmp15, $3  }
0x2f3: {  	_ =	sdelay $0x1  }
0x2f4: {  	[tilespmem:v27+s29+$0x0] =	vst.idx.msk $0xffff, v26  }
0x2f5: {  	s5 =	sadd.s32 $0x800, s5;
	[tilespmem:v25+s29+$0x0] =	vst.idx.msk $0xffff, v28  }
0x2f6: {  	s0 =	sadd.s32 s31, s11;
	s1 =	simm.s32 $0xC640  }
0x2f7: {  	[hbm4b:s0+s4] =	stream.linear.scatter [tilespmem:s1], [sflag:$0x4], $0x40, $0x38;
	[tilespmem:$0x12040] =	vst v63  }
0x2f8: {  	s1 =	simm.s32 $0x120  }
.LBB2_35:
0x2f9: {  	p0 =	sne.s32 s1, $0x166E0  }
.Ltmp16:
0x2fa: {  	_ = 	snop;
	(pc) =	sbr.rel @p0 .LBB2_35-.Ltmp16, $4  }
0x2fb: {  	_ = 	snop  }
0x2fc: {  	s2 =	sshra.s32 s1, $0x2;
	s1 =	sadd.s32 $0x120, s1  }
0x2fd: {  	s0 =	sadd.s32 $0x800, s0;
	s2 =	sadd.s32 $0xC640, s2  }
0x2fe: {  	[hbm4b:s0+s4] =	stream.linear.scatter [tilespmem:s2], [sflag:$0x4], $0x40, $0x38;
	[tilespmem:$0x12040] =	vst v63  }
0x2ff: {  	_ =	swait.ge [sflag:s14], $0x5000  }
0x300: {  	[sflag:s14] =	ssyncset.done $0x0  }
0x301: {  	[sflag:s14] =	ssyncadd.s32 $0xFFFFB000  }
0x302: {  	_ =	swait.ge [sflag:s24], $0x5000  }
0x303: {  	s0 =	simm.s32 $0x0;
	[sflag:s24] =	ssyncset.done $0x0  }
0x304: {  	s5 =	simm.s32 $0x26C0;
	s13 =	simm.s32 $0x0;
	[sflag:s24] =	ssyncadd.s32 $0xFFFFB000  }
.LBB2_37:
0x305: {  	v25 =	vmov s0  }
0x306: {  	v25 =	vshrl.u32 v25, $0x3  }
0x307: {  	v25 =	vshll.u32 v25, $0x3  }
0x308: {  	v25 =	vbroadcast v25, $0x0;
	_ =	sdelay $0x1  }
0x309: {  	v26 =	vld [tilespmem:s5+$0xFFFFFF80];
	v27 =	vadd.s32 v5, v25  }
0x30a: {  	s1 =	smul.u32 $0x2400, s13;
	v28 =	vld [tilespmem:s5+$0xFFFFFF90];
	v29 =	vadd.s32 v9, v25;
	_ =	sdelay $0x1  }
0x30b: {  	s1 =	sshra.s32 s1, $0x2  }
0x30c: {  	s29 =	sadd.s32 $0xC640, s1  }
0x30d: {  	[tilespmem:v27+s29+$0x0] =	vst.idx.msk $0xffff, v26  }
0x30e: {  	[tilespmem:v29+s29+$0x0] =	vst.idx.msk $0xffff, v28  }
0x30f: {  	v27 =	vadd.s32 v10, v25;
	v26 =	vld [tilespmem:s5+$0xFFFFFFA0]  }
0x310: {  	v29 =	vadd.s32 v11, v25;
	v28 =	vld [tilespmem:s5+$0xFFFFFFB0];
	_ =	sdelay $0x3  }
0x311: {  	[tilespmem:v27+s29+$0x0] =	vst.idx.msk $0xffff, v26  }
0x312: {  	[tilespmem:v29+s29+$0x0] =	vst.idx.msk $0xffff, v28  }
0x313: {  	v27 =	vadd.s32 v12, v25;
	v26 =	vld [tilespmem:s5+$0xFFFFFFC0]  }
0x314: {  	v29 =	vadd.s32 v13, v25;
	v28 =	vld [tilespmem:s5+$0xFFFFFFD0];
	_ =	sdelay $0x3  }
0x315: {  	[tilespmem:v27+s29+$0x0] =	vst.idx.msk $0xffff, v26  }
0x316: {  	[tilespmem:v29+s29+$0x0] =	vst.idx.msk $0xffff, v28  }
0x317: {  	v27 =	vadd.s32 v14, v25;
	v26 =	vld [tilespmem:s5+$0xFFFFFFE0]  }
0x318: {  	v29 =	vadd.s32 v15, v25;
	v28 =	vld [tilespmem:s5+$0xFFFFFFF0];
	_ =	sdelay $0x3  }
0x319: {  	[tilespmem:v27+s29+$0x0] =	vst.idx.msk $0xffff, v26  }
0x31a: {  	[tilespmem:v29+s29+$0x0] =	vst.idx.msk $0xffff, v28  }
0x31b: {  	v27 =	vadd.s32 v16, v25;
	v26 =	vld [tilespmem:s5+$0x0]  }
0x31c: {  	v29 =	vadd.s32 v17, v25;
	v28 =	vld [tilespmem:s5+$0x10];
	_ =	sdelay $0x3  }
0x31d: {  	[tilespmem:v27+s29+$0x0] =	vst.idx.msk $0xffff, v26  }
0x31e: {  	[tilespmem:v29+s29+$0x0] =	vst.idx.msk $0xffff, v28  }
0x31f: {  	v27 =	vadd.s32 v18, v25;
	v26 =	vld [tilespmem:s5+$0x20]  }
0x320: {  	v29 =	vadd.s32 v19, v25;
	v28 =	vld [tilespmem:s5+$0x30];
	_ =	sdelay $0x3  }
0x321: {  	[tilespmem:v27+s29+$0x0] =	vst.idx.msk $0xffff, v26  }
0x322: {  	[tilespmem:v29+s29+$0x0] =	vst.idx.msk $0xffff, v28  }
0x323: {  	v27 =	vadd.s32 v20, v25;
	v26 =	vld [tilespmem:s5+$0x40]  }
0x324: {  	v29 =	vadd.s32 v21, v25;
	v28 =	vld [tilespmem:s5+$0x50];
	_ =	sdelay $0x3  }
0x325: {  	[tilespmem:v27+s29+$0x0] =	vst.idx.msk $0xffff, v26  }
0x326: {  	s3 =	simm.s32 $0x8;
	[tilespmem:v29+s29+$0x0] =	vst.idx.msk $0xffff, v28  }
0x327: {  	v26 =	vmov s3;
	v29 =	vadd.s32 v22, v25;
	v28 =	vld [tilespmem:s5+$0x60]  }
0x328: {  	v27 =	vshrl.u32 v26, $0x3  }
0x329: {  	v26 =	vld [tilespmem:s5+$0x70];
	v30 =	vshll.u32 v27, $0x3;
	v27 =	vadd.s32 v23, v25;
	_ =	sdelay $0x2  }
0x32a: {  	s2 =	smov.u32 s5;
	s1 =	simm.s32 $0x10;
	v25 =	vbroadcast v30, $0x0;
	[tilespmem:v29+s29+$0x0] =	vst.idx.msk $0xffff, v28  }
.LBB2_38:
0x32b: {  	p0 =	sne.s32 s1, $0x38  }
0x32c: {  	[tilespmem:v27+s29+$0x0] =	vst.idx.msk $0xffff, v26;
	s2 =	sadd.s32 $0x100, s2;
	s3 =	smov.u32 s1;
	s1 =	sadd.s32 $0x8, s1  }
0x32d: {  	v26 =	vld [tilespmem:s2+$0xFFFFFF80];
	v27 =	vadd.s32 v5, v25  }
0x32e: {  	v29 =	vadd.s32 v9, v25;
	v28 =	vld [tilespmem:s2+$0xFFFFFF90];
	_ =	sdelay $0x3  }
0x32f: {  	[tilespmem:v27+s29+$0x0] =	vst.idx.msk $0xffff, v26  }
0x330: {  	[tilespmem:v29+s29+$0x0] =	vst.idx.msk $0xffff, v28  }
0x331: {  	v27 =	vadd.s32 v10, v25;
	v26 =	vld [tilespmem:s2+$0xFFFFFFA0]  }
0x332: {  	v29 =	vadd.s32 v11, v25;
	v28 =	vld [tilespmem:s2+$0xFFFFFFB0];
	_ =	sdelay $0x3  }
0x333: {  	[tilespmem:v27+s29+$0x0] =	vst.idx.msk $0xffff, v26  }
0x334: {  	[tilespmem:v29+s29+$0x0] =	vst.idx.msk $0xffff, v28  }
0x335: {  	v27 =	vadd.s32 v12, v25;
	v26 =	vld [tilespmem:s2+$0xFFFFFFC0]  }
0x336: {  	v29 =	vadd.s32 v13, v25;
	v28 =	vld [tilespmem:s2+$0xFFFFFFD0];
	_ =	sdelay $0x3  }
0x337: {  	[tilespmem:v27+s29+$0x0] =	vst.idx.msk $0xffff, v26  }
0x338: {  	[tilespmem:v29+s29+$0x0] =	vst.idx.msk $0xffff, v28  }
0x339: {  	v27 =	vadd.s32 v14, v25;
	v26 =	vld [tilespmem:s2+$0xFFFFFFE0]  }
0x33a: {  	v29 =	vadd.s32 v15, v25;
	v28 =	vld [tilespmem:s2+$0xFFFFFFF0];
	_ =	sdelay $0x3  }
0x33b: {  	[tilespmem:v27+s29+$0x0] =	vst.idx.msk $0xffff, v26  }
0x33c: {  	[tilespmem:v29+s29+$0x0] =	vst.idx.msk $0xffff, v28  }
0x33d: {  	v27 =	vadd.s32 v16, v25;
	v26 =	vld [tilespmem:s2+$0x0]  }
0x33e: {  	v29 =	vadd.s32 v17, v25;
	v28 =	vld [tilespmem:s2+$0x10];
	_ =	sdelay $0x3  }
0x33f: {  	[tilespmem:v27+s29+$0x0] =	vst.idx.msk $0xffff, v26  }
0x340: {  	[tilespmem:v29+s29+$0x0] =	vst.idx.msk $0xffff, v28  }
0x341: {  	v27 =	vadd.s32 v18, v25;
	v26 =	vld [tilespmem:s2+$0x20]  }
0x342: {  	v29 =	vadd.s32 v19, v25;
	v28 =	vld [tilespmem:s2+$0x30];
	_ =	sdelay $0x3  }
0x343: {  	[tilespmem:v27+s29+$0x0] =	vst.idx.msk $0xffff, v26  }
0x344: {  	[tilespmem:v29+s29+$0x0] =	vst.idx.msk $0xffff, v28  }
0x345: {  	v27 =	vadd.s32 v20, v25;
	v26 =	vld [tilespmem:s2+$0x40]  }
0x346: {  	v29 =	vadd.s32 v21, v25;
	v28 =	vld [tilespmem:s2+$0x50];
	_ =	sdelay $0x3  }
0x347: {  	[tilespmem:v27+s29+$0x0] =	vst.idx.msk $0xffff, v26  }
0x348: {  	[tilespmem:v29+s29+$0x0] =	vst.idx.msk $0xffff, v28  }
0x349: {  	v29 =	vadd.s32 v22, v25;
	v28 =	vld [tilespmem:s2+$0x60]  }
.Ltmp17:
0x34a: {  	v27 =	vadd.s32 v23, v25;
	v26 =	vld [tilespmem:s2+$0x70];
	(pc) =	sbr.rel @p0 .LBB2_38-.Ltmp17, $4  }
0x34b: {  	v25 =	vmov s3  }
0x34c: {  	v25 =	vshrl.u32 v25, $0x3  }
0x34d: {  	v25 =	vshll.u32 v25, $0x3  }
0x34e: {  	v25 =	vbroadcast v25, $0x0;
	[tilespmem:v29+s29+$0x0] =	vst.idx.msk $0xffff, v28  }
0x34f: {  	_ =	sdelay $0x3  }
0x350: {  	[tilespmem:v27+s29+$0x0] =	vst.idx.msk $0xffff, v26;
	s1 =	sadd.s32 $0x100, s2  }
0x351: {  	v26 =	vld [tilespmem:s1+$0xFFFFFF80];
	v27 =	vadd.s32 v5, v25  }
0x352: {  	v28 =	vld [tilespmem:s1+$0xFFFFFF90];
	v29 =	vadd.s32 v9, v25;
	_ =	sdelay $0x3  }
0x353: {  	[tilespmem:v27+s29+$0x0] =	vst.idx.msk $0xffff, v26  }
0x354: {  	[tilespmem:v29+s29+$0x0] =	vst.idx.msk $0xffff, v28  }
0x355: {  	v27 =	vadd.s32 v10, v25;
	v26 =	vld [tilespmem:s1+$0xFFFFFFA0]  }
0x356: {  	v58 =	vadd.s32 v11, v25;
	v28 =	vld [tilespmem:s1+$0xFFFFFFB0];
	_ =	sdelay $0x3  }
0x357: {  	[tilespmem:v27+s29+$0x0] =	vst.idx.msk $0xffff, v26  }
0x358: {  	[tilespmem:v58+s29+$0x0] =	vst.idx.msk $0xffff, v28  }
0x359: {  	v27 =	vadd.s32 v12, v25;
	v26 =	vld [tilespmem:s1+$0xFFFFFFC0]  }
0x35a: {  	v59 =	vadd.s32 v13, v25;
	v28 =	vld [tilespmem:s1+$0xFFFFFFD0];
	_ =	sdelay $0x3  }
0x35b: {  	[tilespmem:v27+s29+$0x0] =	vst.idx.msk $0xffff, v26  }
0x35c: {  	[tilespmem:v59+s29+$0x0] =	vst.idx.msk $0xffff, v28  }
0x35d: {  	v27 =	vadd.s32 v14, v25;
	v26 =	vld [tilespmem:s1+$0xFFFFFFE0]  }
0x35e: {  	v60 =	vadd.s32 v15, v25;
	v28 =	vld [tilespmem:s1+$0xFFFFFFF0];
	_ =	sdelay $0x3  }
0x35f: {  	[tilespmem:v27+s29+$0x0] =	vst.idx.msk $0xffff, v26  }
0x360: {  	[tilespmem:v60+s29+$0x0] =	vst.idx.msk $0xffff, v28  }
0x361: {  	v27 =	vadd.s32 v16, v25;
	v26 =	vld [tilespmem:s1+$0x0]  }
0x362: {  	v61 =	vadd.s32 v17, v25;
	v28 =	vld [tilespmem:s1+$0x10];
	_ =	sdelay $0x3  }
0x363: {  	[tilespmem:v27+s29+$0x0] =	vst.idx.msk $0xffff, v26  }
0x364: {  	[tilespmem:v61+s29+$0x0] =	vst.idx.msk $0xffff, v28  }
0x365: {  	v27 =	vadd.s32 v18, v25;
	v26 =	vld [tilespmem:s1+$0x20]  }
0x366: {  	v62 =	vadd.s32 v19, v25;
	v28 =	vld [tilespmem:s1+$0x30];
	_ =	sdelay $0x3  }
0x367: {  	[tilespmem:v27+s29+$0x0] =	vst.idx.msk $0xffff, v26  }
0x368: {  	[tilespmem:v62+s29+$0x0] =	vst.idx.msk $0xffff, v28  }
0x369: {  	v27 =	vadd.s32 v20, v25;
	v26 =	vld [tilespmem:s1+$0x40]  }
0x36a: {  	v63 =	vadd.s32 v21, v25;
	v28 =	vld [tilespmem:s1+$0x50];
	_ =	sdelay $0x3  }
0x36b: {  	[tilespmem:v27+s29+$0x0] =	vst.idx.msk $0xffff, v26  }
0x36c: {  	[tilespmem:v63+s29+$0x0] =	vst.idx.msk $0xffff, v28  }
0x36d: {  	s13 =	sadd.s32 $0x1, s13;
	v27 =	vadd.s32 v22, v25;
	v26 =	vld [tilespmem:s1+$0x60]  }
0x36e: {  	p0 =	sne.s32 s13, $0xA;
	v25 =	vadd.s32 v23, v25;
	v28 =	vld [tilespmem:s1+$0x70]  }
.Ltmp18:
0x36f: {  	_ = 	snop;
	(pc) =	sbr.rel @p0 .LBB2_37-.Ltmp18, $3  }
0x370: {  	_ =	sdelay $0x1  }
0x371: {  	[tilespmem:v27+s29+$0x0] =	vst.idx.msk $0xffff, v26  }
0x372: {  	s5 =	sadd.s32 $0x800, s5;
	[tilespmem:v25+s29+$0x0] =	vst.idx.msk $0xffff, v28  }
0x373: {  	s0 =	sadd.s32 s31, s12;
	s1 =	simm.s32 $0xC640  }
0x374: {  	[hbm4b:s0+s4] =	stream.linear.scatter [tilespmem:s1], [sflag:$0x4], $0x40, $0x38;
	[tilespmem:$0x12040] =	vst v63  }
0x375: {  	s1 =	simm.s32 $0x120  }
.LBB2_41:
0x376: {  	p0 =	sne.s32 s1, $0x166E0  }
.Ltmp19:
0x377: {  	_ = 	snop;
	(pc) =	sbr.rel @p0 .LBB2_41-.Ltmp19, $4  }
0x378: {  	_ = 	snop  }
0x379: {  	s2 =	sshra.s32 s1, $0x2;
	s1 =	sadd.s32 $0x120, s1  }
0x37a: {  	s0 =	sadd.s32 $0x800, s0;
	s2 =	sadd.s32 $0xC640, s2  }
0x37b: {  	[hbm4b:s0+s4] =	stream.linear.scatter [tilespmem:s2], [sflag:$0x4], $0x40, $0x38;
	[tilespmem:$0x12040] =	vst v63  }
0x37c: {  	_ =	swait.ge [sflag:s14], $0x5000;
	s0 =	simm.s32 $0x0  }
0x37d: {  	[sflag:s14] =	ssyncset.done $0x0;
	v25 =	vmov s0  }
0x37e: {  	[sflag:s14] =	ssyncadd.s32 $0xFFFFB000;
	v25 =	vshrl.u32 v25, $0x3  }
0x37f: {  	_ =	swait.ge [sflag:s26], $0x800;
	v25 =	vshll.u32 v25, v24  }
0x380: {  	[sflag:s26] =	ssyncset.done $0x0;
	v25 =	vbroadcast v25, $0x0  }
0x381: {  	s0 =	simm.s32 $0x10C0;
	[sflag:s26] =	ssyncadd.s32 $0xFFFFF800  }
0x382: {  	v26 =	vld [tilespmem:s0+$0xFFFFFF80];
	v27 =	vadd.s32 v5, v25  }
0x383: {  	s1 =	simm.s32 $0x1;
	v28 =	vld [tilespmem:s0+$0xFFFFFF90];
	v25 =	vadd.s32 v9, v25  }
0x384: {  	v29 =	vmov s1  }
0x385: {  	v29 =	vshrl.u32 v29, $0x3  }
0x386: {  	v29 =	vshll.u32 v29, v24  }
0x387: {  	[tilespmem:v27+s28+$0x0] =	vst.idx.msk $0xffff, v26;
	v26 =	vbroadcast v29, $0x0  }
0x388: {  	[tilespmem:v25+s28+$0x0] =	vst.idx.msk $0xffff, v28  }
0x389: {  	v25 =	vld [tilespmem:s0+$0xFFFFFFA0];
	v27 =	vadd.s32 v10, v26  }
0x38a: {  	s13 =	simm.s32 $0x2;
	v28 =	vld [tilespmem:s0+$0xFFFFFFB0];
	v26 =	vadd.s32 v11, v26  }
0x38b: {  	v29 =	vmov s13  }
0x38c: {  	v29 =	vshrl.u32 v29, $0x3  }
0x38d: {  	v29 =	vshll.u32 v29, v24  }
0x38e: {  	[tilespmem:v27+s28+$0x0] =	vst.idx.msk $0xffff, v25;
	v25 =	vbroadcast v29, $0x0  }
0x38f: {  	[tilespmem:v26+s28+$0x0] =	vst.idx.msk $0xffff, v28  }
0x390: {  	v26 =	vld [tilespmem:s0+$0xFFFFFFC0];
	v27 =	vadd.s32 v12, v25  }
0x391: {  	s29 =	simm.s32 $0x3;
	v28 =	vld [tilespmem:s0+$0xFFFFFFD0];
	v25 =	vadd.s32 v13, v25  }
0x392: {  	v29 =	vmov s29  }
0x393: {  	v29 =	vshrl.u32 v29, $0x3  }
0x394: {  	v29 =	vshll.u32 v29, v24  }
0x395: {  	[tilespmem:v27+s28+$0x0] =	vst.idx.msk $0xffff, v26;
	v26 =	vbroadcast v29, $0x0  }
0x396: {  	[tilespmem:v25+s28+$0x0] =	vst.idx.msk $0xffff, v28  }
0x397: {  	v25 =	vld [tilespmem:s0+$0xFFFFFFE0];
	v27 =	vadd.s32 v14, v26  }
0x398: {  	s2 =	simm.s32 $0x4;
	v28 =	vld [tilespmem:s0+$0xFFFFFFF0];
	v26 =	vadd.s32 v15, v26  }
0x399: {  	v29 =	vmov s2  }
0x39a: {  	v29 =	vshrl.u32 v29, $0x3  }
0x39b: {  	v29 =	vshll.u32 v29, v24  }
0x39c: {  	[tilespmem:v27+s28+$0x0] =	vst.idx.msk $0xffff, v25;
	v25 =	vbroadcast v29, $0x0  }
0x39d: {  	[tilespmem:v26+s28+$0x0] =	vst.idx.msk $0xffff, v28  }
0x39e: {  	v26 =	vld [tilespmem:s0+$0x0];
	v27 =	vadd.s32 v16, v25  }
0x39f: {  	s3 =	simm.s32 $0x5;
	v28 =	vld [tilespmem:s0+$0x10];
	v25 =	vadd.s32 v17, v25  }
0x3a0: {  	v29 =	vmov s3  }
0x3a1: {  	v29 =	vshrl.u32 v29, $0x3  }
0x3a2: {  	v29 =	vshll.u32 v29, v24  }
0x3a3: {  	[tilespmem:v27+s28+$0x0] =	vst.idx.msk $0xffff, v26;
	v26 =	vbroadcast v29, $0x0  }
0x3a4: {  	[tilespmem:v25+s28+$0x0] =	vst.idx.msk $0xffff, v28  }
0x3a5: {  	v25 =	vld [tilespmem:s0+$0x20];
	v27 =	vadd.s32 v18, v26  }
0x3a6: {  	s5 =	simm.s32 $0x6;
	v28 =	vld [tilespmem:s0+$0x30];
	v26 =	vadd.s32 v19, v26  }
0x3a7: {  	v29 =	vmov s5  }
0x3a8: {  	v29 =	vshrl.u32 v29, $0x3  }
0x3a9: {  	v29 =	vshll.u32 v29, v24  }
0x3aa: {  	[tilespmem:v27+s28+$0x0] =	vst.idx.msk $0xffff, v25;
	v25 =	vbroadcast v29, $0x0  }
0x3ab: {  	[tilespmem:v26+s28+$0x0] =	vst.idx.msk $0xffff, v28  }
0x3ac: {  	v26 =	vld [tilespmem:s0+$0x40];
	v27 =	vadd.s32 v20, v25  }
0x3ad: {  	s13 =	simm.s32 $0x7;
	v28 =	vld [tilespmem:s0+$0x50];
	v25 =	vadd.s32 v21, v25  }
0x3ae: {  	v29 =	vmov s13  }
0x3af: {  	v29 =	vshrl.u32 v29, $0x3  }
0x3b0: {  	v29 =	vshll.u32 v29, v24  }
0x3b1: {  	[tilespmem:v27+s28+$0x0] =	vst.idx.msk $0xffff, v26;
	v26 =	vbroadcast v29, $0x0  }
0x3b2: {  	s29 =	simm.s32 $0x8;
	[tilespmem:v25+s28+$0x0] =	vst.idx.msk $0xffff, v28  }
0x3b3: {  	v25 =	vmov s29;
	v28 =	vld [tilespmem:s0+$0x60];
	v29 =	vadd.s32 v22, v26  }
0x3b4: {  	v27 =	vshrl.u32 v25, $0x3  }
0x3b5: {  	v25 =	vld [tilespmem:s0+$0x70];
	v30 =	vshll.u32 v27, v24;
	v27 =	vadd.s32 v23, v26;
	_ =	sdelay $0x2  }
0x3b6: {  	s5 =	simm.s32 $0xF;
	s13 =	simm.s32 $0x17;
	v26 =	vbroadcast v30, $0x0;
	[tilespmem:v29+s28+$0x0] =	vst.idx.msk $0xffff, v28  }
.LBB2_43:
0x3b7: {  	p0 =	sne.s32 s13, $0x3F  }
0x3b8: {  	[tilespmem:v27+s28+$0x0] =	vst.idx.msk $0xffff, v25;
	s0 =	sadd.s32 $0x100, s0;
	s1 =	smov.u32 s13;
	s13 =	sadd.s32 $0x8, s13  }
0x3b9: {  	v25 =	vld [tilespmem:s0+$0xFFFFFF80];
	v27 =	vadd.s32 v5, v26  }
0x3ba: {  	s2 =	sadd.s32 $0xFFFFFFFA, s5;
	v26 =	vadd.s32 v9, v26;
	v28 =	vld [tilespmem:s0+$0xFFFFFF90]  }
0x3bb: {  	v29 =	vmov s2  }
0x3bc: {  	v29 =	vshrl.u32 v29, $0x3  }
0x3bd: {  	v29 =	vshll.u32 v29, v24  }
0x3be: {  	[tilespmem:v27+s28+$0x0] =	vst.idx.msk $0xffff, v25;
	v25 =	vbroadcast v29, $0x0  }
0x3bf: {  	[tilespmem:v26+s28+$0x0] =	vst.idx.msk $0xffff, v28  }
0x3c0: {  	v26 =	vld [tilespmem:s0+$0xFFFFFFA0];
	v27 =	vadd.s32 v10, v25  }
0x3c1: {  	s2 =	sadd.s32 $0xFFFFFFFB, s5;
	v25 =	vadd.s32 v11, v25;
	v28 =	vld [tilespmem:s0+$0xFFFFFFB0]  }
0x3c2: {  	v29 =	vmov s2  }
0x3c3: {  	v29 =	vshrl.u32 v29, $0x3  }
0x3c4: {  	v29 =	vshll.u32 v29, v24  }
0x3c5: {  	[tilespmem:v27+s28+$0x0] =	vst.idx.msk $0xffff, v26;
	v26 =	vbroadcast v29, $0x0  }
0x3c6: {  	[tilespmem:v25+s28+$0x0] =	vst.idx.msk $0xffff, v28  }
0x3c7: {  	v25 =	vld [tilespmem:s0+$0xFFFFFFC0];
	v27 =	vadd.s32 v12, v26  }
0x3c8: {  	s2 =	sadd.s32 $0xFFFFFFFC, s5;
	v26 =	vadd.s32 v13, v26;
	v28 =	vld [tilespmem:s0+$0xFFFFFFD0]  }
0x3c9: {  	v29 =	vmov s2  }
0x3ca: {  	v29 =	vshrl.u32 v29, $0x3  }
0x3cb: {  	v29 =	vshll.u32 v29, v24  }
0x3cc: {  	[tilespmem:v27+s28+$0x0] =	vst.idx.msk $0xffff, v25;
	v25 =	vbroadcast v29, $0x0  }
0x3cd: {  	[tilespmem:v26+s28+$0x0] =	vst.idx.msk $0xffff, v28  }
0x3ce: {  	v26 =	vld [tilespmem:s0+$0xFFFFFFE0];
	v27 =	vadd.s32 v14, v25  }
0x3cf: {  	s2 =	sadd.s32 $0xFFFFFFFD, s5;
	v25 =	vadd.s32 v15, v25;
	v28 =	vld [tilespmem:s0+$0xFFFFFFF0]  }
0x3d0: {  	v29 =	vmov s2  }
0x3d1: {  	v29 =	vshrl.u32 v29, $0x3  }
0x3d2: {  	v29 =	vshll.u32 v29, v24  }
0x3d3: {  	[tilespmem:v27+s28+$0x0] =	vst.idx.msk $0xffff, v26;
	v26 =	vbroadcast v29, $0x0  }
0x3d4: {  	[tilespmem:v25+s28+$0x0] =	vst.idx.msk $0xffff, v28  }
0x3d5: {  	v25 =	vld [tilespmem:s0+$0x0];
	v27 =	vadd.s32 v16, v26  }
0x3d6: {  	s2 =	sadd.s32 $0xFFFFFFFE, s5;
	v26 =	vadd.s32 v17, v26;
	v28 =	vld [tilespmem:s0+$0x10]  }
0x3d7: {  	v29 =	vmov s2  }
0x3d8: {  	v29 =	vshrl.u32 v29, $0x3  }
0x3d9: {  	v29 =	vshll.u32 v29, v24  }
0x3da: {  	[tilespmem:v27+s28+$0x0] =	vst.idx.msk $0xffff, v25;
	v25 =	vbroadcast v29, $0x0  }
0x3db: {  	[tilespmem:v26+s28+$0x0] =	vst.idx.msk $0xffff, v28  }
0x3dc: {  	v26 =	vld [tilespmem:s0+$0x20];
	v27 =	vadd.s32 v18, v25  }
0x3dd: {  	s2 =	sadd.s32 $0xFFFFFFFF, s5;
	v25 =	vadd.s32 v19, v25;
	v28 =	vld [tilespmem:s0+$0x30]  }
0x3de: {  	v29 =	vmov s2  }
0x3df: {  	v29 =	vshrl.u32 v29, $0x3  }
0x3e0: {  	v29 =	vshll.u32 v29, v24  }
0x3e1: {  	[tilespmem:v27+s28+$0x0] =	vst.idx.msk $0xffff, v26;
	v26 =	vbroadcast v29, $0x0  }
0x3e2: {  	[tilespmem:v25+s28+$0x0] =	vst.idx.msk $0xffff, v28  }
0x3e3: {  	v25 =	vld [tilespmem:s0+$0x40];
	v27 =	vadd.s32 v20, v26  }
0x3e4: {  	v26 =	vadd.s32 v21, v26;
	v28 =	vld [tilespmem:s0+$0x50]  }
0x3e5: {  	v29 =	vmov s5;
	s5 =	smov.u32 s1  }
0x3e6: {  	v29 =	vshrl.u32 v29, $0x3  }
0x3e7: {  	v29 =	vshll.u32 v29, v24  }
0x3e8: {  	[tilespmem:v27+s28+$0x0] =	vst.idx.msk $0xffff, v25;
	v27 =	vbroadcast v29, $0x0  }
0x3e9: {  	[tilespmem:v26+s28+$0x0] =	vst.idx.msk $0xffff, v28  }
0x3ea: {  	v28 =	vld [tilespmem:s0+$0x60];
	v29 =	vadd.s32 v22, v27  }
.Ltmp20:
0x3eb: {  	s1 =	sadd.s32 $0xFFFFFFF9, s5;
	v27 =	vadd.s32 v23, v27;
	v25 =	vld [tilespmem:s0+$0x70];
	(pc) =	sbr.rel @p0 .LBB2_43-.Ltmp20, $4  }
0x3ec: {  	v26 =	vmov s1  }
0x3ed: {  	v26 =	vshrl.u32 v26, $0x3  }
0x3ee: {  	v26 =	vshll.u32 v26, v24  }
0x3ef: {  	v26 =	vbroadcast v26, $0x0;
	[tilespmem:v29+s28+$0x0] =	vst.idx.msk $0xffff, v28  }
0x3f0: {  	_ =	sdelay $0x3  }
0x3f1: {  	[tilespmem:v27+s28+$0x0] =	vst.idx.msk $0xffff, v25;
	s0 =	sadd.s32 $0x100, s0  }
0x3f2: {  	v25 =	vld [tilespmem:s0+$0xFFFFFF80];
	v27 =	vadd.s32 v5, v26  }
0x3f3: {  	s1 =	sadd.s32 $0xFFFFFFFA, s5;
	v28 =	vld [tilespmem:s0+$0xFFFFFF90];
	v26 =	vadd.s32 v9, v26  }
0x3f4: {  	v29 =	vmov s1  }
0x3f5: {  	v29 =	vshrl.u32 v29, $0x3  }
0x3f6: {  	v29 =	vshll.u32 v29, v24  }
0x3f7: {  	[tilespmem:v27+s28+$0x0] =	vst.idx.msk $0xffff, v25;
	v25 =	vbroadcast v29, $0x0  }
0x3f8: {  	[tilespmem:v26+s28+$0x0] =	vst.idx.msk $0xffff, v28  }
0x3f9: {  	v26 =	vld [tilespmem:s0+$0xFFFFFFA0];
	v27 =	vadd.s32 v10, v25  }
0x3fa: {  	s13 =	sadd.s32 $0xFFFFFFFB, s5;
	v28 =	vld [tilespmem:s0+$0xFFFFFFB0];
	v25 =	vadd.s32 v11, v25  }
0x3fb: {  	v58 =	vmov s13  }
0x3fc: {  	v29 =	vshrl.u32 v58, $0x3  }
0x3fd: {  	v29 =	vshll.u32 v29, v24  }
0x3fe: {  	[tilespmem:v27+s28+$0x0] =	vst.idx.msk $0xffff, v26;
	v26 =	vbroadcast v29, $0x0  }
0x3ff: {  	[tilespmem:v25+s28+$0x0] =	vst.idx.msk $0xffff, v28  }
0x400: {  	v25 =	vld [tilespmem:s0+$0xFFFFFFC0];
	v27 =	vadd.s32 v12, v26  }
0x401: {  	s29 =	sadd.s32 $0xFFFFFFFC, s5;
	v28 =	vld [tilespmem:s0+$0xFFFFFFD0];
	v26 =	vadd.s32 v13, v26  }
0x402: {  	v59 =	vmov s29  }
0x403: {  	v29 =	vshrl.u32 v59, $0x3  }
0x404: {  	v29 =	vshll.u32 v29, v24  }
0x405: {  	[tilespmem:v27+s28+$0x0] =	vst.idx.msk $0xffff, v25;
	v25 =	vbroadcast v29, $0x0  }
0x406: {  	[tilespmem:v26+s28+$0x0] =	vst.idx.msk $0xffff, v28  }
0x407: {  	v26 =	vld [tilespmem:s0+$0xFFFFFFE0];
	v27 =	vadd.s32 v14, v25  }
0x408: {  	s2 =	sadd.s32 $0xFFFFFFFD, s5;
	v28 =	vld [tilespmem:s0+$0xFFFFFFF0];
	v25 =	vadd.s32 v15, v25  }
0x409: {  	v60 =	vmov s2  }
0x40a: {  	v29 =	vshrl.u32 v60, $0x3  }
0x40b: {  	v29 =	vshll.u32 v29, v24  }
0x40c: {  	[tilespmem:v27+s28+$0x0] =	vst.idx.msk $0xffff, v26;
	v26 =	vbroadcast v29, $0x0  }
0x40d: {  	[tilespmem:v25+s28+$0x0] =	vst.idx.msk $0xffff, v28  }
0x40e: {  	v25 =	vld [tilespmem:s0+$0x0];
	v27 =	vadd.s32 v16, v26  }
0x40f: {  	s3 =	sadd.s32 $0xFFFFFFFE, s5;
	v28 =	vld [tilespmem:s0+$0x10];
	v26 =	vadd.s32 v17, v26  }
0x410: {  	v61 =	vmov s3  }
0x411: {  	v29 =	vshrl.u32 v61, $0x3  }
0x412: {  	v29 =	vshll.u32 v29, v24  }
0x413: {  	[tilespmem:v27+s28+$0x0] =	vst.idx.msk $0xffff, v25;
	v25 =	vbroadcast v29, $0x0  }
0x414: {  	[tilespmem:v26+s28+$0x0] =	vst.idx.msk $0xffff, v28  }
0x415: {  	v26 =	vld [tilespmem:s0+$0x20];
	v27 =	vadd.s32 v18, v25  }
0x416: {  	s13 =	sadd.s32 $0xFFFFFFFF, s5;
	v28 =	vld [tilespmem:s0+$0x30];
	v25 =	vadd.s32 v19, v25  }
0x417: {  	v62 =	vmov s13  }
0x418: {  	v29 =	vshrl.u32 v62, $0x3  }
0x419: {  	v29 =	vshll.u32 v29, v24  }
0x41a: {  	[tilespmem:v27+s28+$0x0] =	vst.idx.msk $0xffff, v26;
	v26 =	vbroadcast v29, $0x0  }
0x41b: {  	[tilespmem:v25+s28+$0x0] =	vst.idx.msk $0xffff, v28  }
0x41c: {  	v25 =	vld [tilespmem:s0+$0x40];
	v27 =	vadd.s32 v20, v26  }
0x41d: {  	v28 =	vld [tilespmem:s0+$0x50];
	v26 =	vadd.s32 v21, v26  }
0x41e: {  	v63 =	vmov s5  }
0x41f: {  	v29 =	vshrl.u32 v63, $0x3  }
0x420: {  	v29 =	vshll.u32 v29, v24  }
0x421: {  	[tilespmem:v27+s28+$0x0] =	vst.idx.msk $0xffff, v25;
	v25 =	vbroadcast v29, $0x0  }
0x422: {  	[tilespmem:v26+s28+$0x0] =	vst.idx.msk $0xffff, v28  }
0x423: {  	v26 =	vld [tilespmem:s0+$0x60];
	v27 =	vadd.s32 v22, v25  }
0x424: {  	v28 =	vld [tilespmem:s0+$0x70];
	v25 =	vadd.s32 v23, v25;
	_ =	sdelay $0x3  }
0x425: {  	s29 =	rddreg [dreg:$0x3];
	[tilespmem:v27+s28+$0x0] =	vst.idx.msk $0xffff, v26  }
0x426: {  	s1 =	simm.s32 $0x120;
	s0 =	sadd.s32 s29, s31;
	s31 =	simm.s32 $0x1840;
	[tilespmem:v25+s28+$0x0] =	vst.idx.msk $0xffff, v28  }
0x427: {  	[hbm4b:s0+s4] =	stream.linear.scatter [tilespmem:s31], [sflag:$0x4], $0x40, $0x38;
	[tilespmem:$0x12040] =	vst v63  }
.LBB2_45:
0x428: {  	p0 =	sne.s32 s1, $0x22E0  }
.Ltmp21:
0x429: {  	_ = 	snop;
	(pc) =	sbr.rel @p0 .LBB2_45-.Ltmp21, $4  }
0x42a: {  	_ = 	snop  }
0x42b: {  	s2 =	sshra.s32 s1, $0x2;
	s1 =	sadd.s32 $0x120, s1  }
0x42c: {  	s0 =	sadd.s32 $0x800, s0;
	s2 =	sadd.s32 $0x1840, s2  }
0x42d: {  	[hbm4b:s0+s4] =	stream.linear.scatter [tilespmem:s2], [sflag:$0x4], $0x40, $0x38;
	[tilespmem:$0x12040] =	vst v63  }
0x42e: {  	s30 =	sadd.s32 $0x1, s30  }
0x42f: {  	p0 =	sne.s32 s30, $0x8  }
.Ltmp22:
0x430: {  	_ = 	snop;
	(pc) =	sbr.rel @p0 .LBB2_2-.Ltmp22, $4  }
0x431: {  	_ = 	snop  }
0x432: {  	_ =	swait.ge [sflag:s14], $0x800  }
0x433: {  	[sflag:s14] =	ssyncset.done $0x0  }
0x434: {  	[sflag:s14] =	ssyncadd.s32 $0xFFFFF800  }
0x435: {  	s1 =	rddreg [dreg:$0x6]  }
0x436: {  	s0 =	rddreg [dreg:$0x5];
	s1 =	sadd.s32 $0x1, s1  }
0x437: {  	p0 =	sne.s32 s1, s0  }
.Ltmp23:
0x438: {  	_ = 	snop;
	(pc) =	sbr.rel @p0 .LBB2_1-.Ltmp23, $1  }
0x439: {  	_ =	sdelay $0x3  }
0x43a: {  	_ =	sfence.sel $0x180000  }
0x43b: {  	[bflag:$0x0] =	sbarrier.arrive $0xFFFF  }
0x43c: {  	_ =	strace $0x90000047  }
0x43d: {  	s0 =	stileid.u32;
	[bflag:$0x2] =	sbarrier.arrive $0xFFFF  }
0x43e: {  	p0 =	sne.s32 s0, $0x0;
	s0 =	rddreg [dreg:$0x4]  }
0x43f: {  	s0 =	sadd.s32 @!p0 $0x100000, s0  }
0x440: {  	[sflag:s0] =	ssyncadd.tile.s32 @!p0 $0x1;
	_ =	shalt  }
.Lfunc_end2:
_tile_overlayer_lowered:
.L_overlay_start_2:
0x441: {  	(tag) =	ssettag $0x2  }
0x442: {  	s0 =	rddreg [dreg:$0x0];
	s2 =	stileid.u32  }
0x443: {  	s1 =	rddreg [dreg:$0x1];
	p0 =	sne.s32 s2, $0x0  }
0x444: {  	s3 =	rddreg [dreg:$0x2];
	[bflag:$0x3] =	sbarrier.arrive $0xFFFF;
	s2 =	simm.s32 @!p0 $0x1C04  }
0x445: {  	[timem:s3], [sflag:s2] =	dma.local @!p0 [hbm:s0], s1  }
0x446: {  	s0 =	simm.s32 @!p0 $0x4  }
0x447: {  	_ =	swait.ge @!p0 [sflag:s0], s1  }
0x448: {  	s1 =	ssub.s32 @!p0 $0x0, s1;
	[sflag:s0] =	ssyncset.done @!p0 $0x0  }
0x449: {  	[sflag:s0] =	ssyncadd.s32 @!p0 s1  }
0x44a: {  	[bflag:$0x3] =	sbarrier.arrive $0xFFFF  }
0x44b: {  	_ =	shalt  }

</sc_bundles>
